<compile_context>
chip_gen: v7x
topology: tpu7x:2x2x1
jax: 0.10.2.dev20260603
libtpu: 0.0.44.dev20260713+nightly
codegen_flags: <defaults>
</compile_context>

<pallas_src>
import functools

import jax
import jax.numpy as jnp
from jax import lax
from jax.experimental import pallas as pl
from jax.experimental.pallas import tpu as pltpu
from jax.experimental.pallas import tpu_sc as plsc

N = 10000
F = 128
CH = 128
NC = 40
E = 320000
EPS = 1e-05

NP = 10240
RPT = NP // 16
CHUNK = 128
NTILES = 32
NCH = -(-E // (NTILES * CHUNK))
EP = NTILES * NCH * CHUNK
BN_C = (1.0 + EPS) ** -0.5

_MESH = plsc.VectorSubcoreMesh(core_axis_name="c", subcore_axis_name="s")


def _make_prop(D):

    @functools.partial(
        pl.kernel,
        mesh=_MESH,
        out_type=jax.ShapeDtypeStruct((2, NP, D), jnp.float32),
        scratch_types=[
            pltpu.VMEM((NCH, CHUNK), jnp.int32),
            pltpu.VMEM((CHUNK,), jnp.int32),
            pltpu.VMEM((CHUNK,), jnp.int32),
            pltpu.VMEM((CHUNK,), jnp.int32),
            pltpu.VMEM((CHUNK,), jnp.int32),
            pltpu.VMEM((CHUNK, D), jnp.float32),
            pltpu.VMEM((CHUNK, D), jnp.float32),
            pltpu.VMEM_SHARED((NP, D), jnp.float32),
            pltpu.SemaphoreType.DMA,
            pltpu.SemaphoreType.DMA,
            pltpu.SemaphoreType.DMA,
        ],
    )
    def prop_k(xs, pkb, zrows, out, pk, s0, s1, d0, d1, b0, b1, acc,
               sem0, sem1, semz):
        cid = lax.axis_index("c")
        sid = lax.axis_index("s")
        r0 = sid * RPT
        pltpu.sync_copy(pkb.at[cid, sid], pk)
        zc = pltpu.async_copy(zrows.at[pl.ds(r0, RPT)],
                              acc.at[pl.ds(r0, RPT)], semz)

        def unpack(j, sidx, didx):
            for k in range(CHUNK // 16):
                v = pk[j, pl.ds(16 * k, 16)]
                sidx[pl.ds(16 * k, 16)] = v & 0xFFFF
                didx[pl.ds(16 * k, 16)] = lax.shift_right_logical(v, 16)

        def gather(buf, sem, sidx):
            return pltpu.async_copy(xs.at[sidx], buf, sem)

        unpack(0, s0, d0)
        gather(b0, sem0, s0)
        zc.wait()
        plsc.subcore_barrier()

        def step(i, carry):
            j0 = 2 * i
            unpack(j0 + 1, s1, d1)
            gather(b1, sem1, s1)
            pltpu.make_async_copy(xs.at[s0], b0, sem0).wait()
            pltpu.sync_copy(b0, acc.at[d0], add=True)
            unpack(j0 + 2, s0, d0)
            gather(b0, sem0, s0)
            pltpu.make_async_copy(xs.at[s1], b1, sem1).wait()
            pltpu.sync_copy(b1, acc.at[d1], add=True)
            return carry

        lax.fori_loop(0, NCH // 2, step, 0)
        pltpu.make_async_copy(xs.at[s0], b0, sem0).wait()
        pltpu.sync_copy(b0, acc.at[d0], add=True)

        plsc.subcore_barrier()
        pltpu.sync_copy(acc.at[pl.ds(r0, RPT)], out.at[cid, pl.ds(r0, RPT)])

    return prop_k


_prop128 = _make_prop(128)


@functools.partial(
    pl.kernel,
    mesh=_MESH,
    out_type=jax.ShapeDtypeStruct((2, NP), jnp.float32),
    scratch_types=[
        pltpu.VMEM((NCH, CHUNK), jnp.int32),
        pltpu.VMEM((CHUNK,), jnp.float32),
        pltpu.VMEM_SHARED((NP,), jnp.float32),
    ],
)
def _deg_k(dstb, z1d, out, idx_d, ones_v, acc):
    cid = lax.axis_index("c")
    sid = lax.axis_index("s")
    r0 = sid * RPT
    pltpu.sync_copy(z1d.at[pl.ds(r0, RPT)], acc.at[pl.ds(r0, RPT)])
    for k in range(CHUNK // 16):
        ones_v[pl.ds(k * 16, 16)] = jnp.ones((16,), jnp.float32)
    pltpu.sync_copy(dstb.at[cid, sid], idx_d)
    plsc.subcore_barrier()

    def step(j, carry):
        pltpu.sync_copy(ones_v, acc.at[idx_d.at[j]], add=True)
        return carry

    lax.fori_loop(0, NCH, step, 0)
    plsc.subcore_barrier()
    pltpu.sync_copy(acc.at[pl.ds(r0, RPT)], out.at[cid, pl.ds(r0, RPT)])


_BN = NP // 16


def _dinv_of(cnt_ref):
    cnt = cnt_ref[:, 0:1] + cnt_ref[:, 1:2]
    return lax.rsqrt(cnt + 1.0)


def _k0_body(h_ref, w_ref, cnt_ref, o_ref):
    y = jnp.dot(h_ref[...], w_ref[...], preferred_element_type=jnp.float32)
    o_ref[...] = y * _dinv_of(cnt_ref)


def _kmid_body(acc_ref, ys_ref, cnt_ref, w_ref, o_ref):
    dinv = _dinv_of(cnt_ref)
    s = acc_ref[0] + acc_ref[1] + ys_ref[...]
    t = jnp.maximum(BN_C * dinv * s, 0.0)
    o_ref[...] = jnp.dot(t, w_ref[...],
                         preferred_element_type=jnp.float32) * dinv


def _kact_body(acc_ref, ys_ref, cnt_ref, o_ref):
    dinv = _dinv_of(cnt_ref)
    s = acc_ref[0] + acc_ref[1] + ys_ref[...]
    o_ref[...] = jnp.maximum(BN_C * dinv * s, 0.0) * dinv


def _kend_body(acc_ref, ys_ref, cnt_ref, w_ref, b_ref, o_ref):
    dinv = _dinv_of(cnt_ref)
    s = acc_ref[0] + acc_ref[1] + ys_ref[...]
    o_ref[...] = jnp.dot(dinv * s, w_ref[...],
                         preferred_element_type=jnp.float32) + b_ref[...]


def _cnt_spec():
    return pl.BlockSpec((_BN, 2), lambda i: (i, 0))


def _tc_k0(h, w, cnt2):
    return pl.pallas_call(
        _k0_body,
        grid=(NP // _BN,),
        in_specs=[pl.BlockSpec((_BN, F), lambda i: (i, 0)),
                  pl.BlockSpec((F, CH), lambda i: (0, 0)),
                  _cnt_spec()],
        out_specs=pl.BlockSpec((_BN, CH), lambda i: (i, 0)),
        out_shape=jax.ShapeDtypeStruct((NP, CH), jnp.float32),
    )(h, w, cnt2)


def _tc_kmid(acc2, ys, cnt2, w):
    d_in = ys.shape[1]
    d_out = w.shape[1]
    return pl.pallas_call(
        _kmid_body,
        grid=(NP // _BN,),
        in_specs=[pl.BlockSpec((2, _BN, d_in), lambda i: (0, i, 0)),
                  pl.BlockSpec((_BN, d_in), lambda i: (i, 0)),
                  _cnt_spec(),
                  pl.BlockSpec((d_in, d_out), lambda i: (0, 0))],
        out_specs=pl.BlockSpec((_BN, d_out), lambda i: (i, 0)),
        out_shape=jax.ShapeDtypeStruct((NP, d_out), jnp.float32),
    )(acc2, ys, cnt2, w)


def _tc_kact(acc2, ys, cnt2):
    return pl.pallas_call(
        _kact_body,
        grid=(NP // _BN,),
        in_specs=[pl.BlockSpec((2, _BN, CH), lambda i: (0, i, 0)),
                  pl.BlockSpec((_BN, CH), lambda i: (i, 0)),
                  _cnt_spec()],
        out_specs=pl.BlockSpec((_BN, CH), lambda i: (i, 0)),
        out_shape=jax.ShapeDtypeStruct((NP, CH), jnp.float32),
    )(acc2, ys, cnt2)


def _tc_kend(acc2, ys, cnt2, w, b):
    return pl.pallas_call(
        _kend_body,
        grid=(NP // _BN,),
        in_specs=[pl.BlockSpec((2, _BN, CH), lambda i: (0, i, 0)),
                  pl.BlockSpec((_BN, CH), lambda i: (i, 0)),
                  _cnt_spec(),
                  pl.BlockSpec((CH, NC), lambda i: (0, 0)),
                  pl.BlockSpec((1, NC), lambda i: (0, 0))],
        out_specs=pl.BlockSpec((_BN, NC), lambda i: (i, 0)),
        out_shape=jax.ShapeDtypeStruct((NP, NC), jnp.float32),
    )(acc2, ys, cnt2, w, b)


def kernel(h, edge_index, W1, W2, W3, b3):
    pad_ids = N + (jnp.arange(EP - E, dtype=jnp.int32) % (NP - N))
    src_p = jnp.concatenate([edge_index[0], pad_ids])
    dst_p = jnp.concatenate([edge_index[1], pad_ids])
    pkb = (src_p | (dst_p << 16)).reshape(2, 16, NCH, CHUNK)
    dstb = dst_p.reshape(2, 16, NCH, CHUNK)
    h_pad = jnp.pad(h, ((0, NP - N), (0, 0)))
    b3_2d = b3.reshape(1, NC)
    zrows = jnp.zeros((NP, CH), jnp.float32)
    z1d = jnp.zeros((NP,), jnp.float32)

    cnt2 = _deg_k(dstb, z1d).T
    ys1 = _tc_k0(h_pad, W1, cnt2)

    acc1 = _prop128(ys1, pkb, zrows)
    ys2 = _tc_kmid(acc1, ys1, cnt2, W2)
    acc2 = _prop128(ys2, pkb, zrows)
    ys3 = _tc_kact(acc2, ys2, cnt2)
    acc3 = _prop128(ys3, pkb, zrows)
    out = _tc_kend(acc3, ys3, cnt2, W3, b3_2d)
    return out[:N]

# --- scband reference (transcript-rebuilt; emitter-appended) ---
"""Pipeline reference for scband-gcn-spektral-35021163331664 (READ-ONLY COPY).

The authoritative reference and input builder live on the scoring server;
editing this copy changes nothing except your own understanding.
"""

import jax, jax.numpy as jnp
import numpy as np

N = 10000
F = 128
CH = 128
NC = 40
E = 320000
EPS = 1e-05


def setup_inputs(seed: int = 0) -> dict:
    key = jax.random.key(seed)
    k1, k2, k3, k4, k5 = jax.random.split(key, 5)
    h = jax.random.normal(k1, (N, F), dtype=jnp.float32)
    edge_index = jax.random.randint(k2, (2, E), 0, N, dtype=jnp.int32)
    W1 = jax.random.normal(k3, (F, CH), dtype=jnp.float32) * 0.05
    W2 = jax.random.normal(k4, (CH, CH), dtype=jnp.float32) * 0.05
    W3 = jax.random.normal(k5, (CH, NC), dtype=jnp.float32) * 0.05
    b3 = jnp.full((NC,), 0.5, dtype=jnp.float32)
    return {"h": h, "edge_index": edge_index, "W1": W1, "W2": W2, "W3": W3, "b3": b3}


def reference(h, edge_index, W1, W2, W3, b3):
    # Spektral GCNConv: out = A_hat @ (X @ W), A_hat = D^-1/2 (A + I) D^-1/2
    self_loops = jnp.arange(N, dtype=edge_index.dtype)
    src = jnp.concatenate([edge_index[0], self_loops])
    dst = jnp.concatenate([edge_index[1], self_loops])
    deg = jax.ops.segment_sum(jnp.ones(src.shape[0], dtype=jnp.float32), dst, num_segments=N)
    deg = jnp.maximum(deg, 1.0)
    dinv = jax.lax.rsqrt(deg)
    norm = dinv[src] * dinv[dst]

    def prop(x):
        msg = jnp.take(x, src, axis=0) * norm[:, None]
        return jax.ops.segment_sum(msg, dst, num_segments=N)

    def bn_inf(x):
        # BatchNorm inference: moving_mean=0, moving_var=1, gamma=1, beta=0
        return x / jnp.sqrt(1.0 + EPS)

    # dropout layers are identity in inference (training=False)
    h1 = jax.nn.relu(bn_inf(prop(h @ W1)))
    h2 = jax.nn.relu(bn_inf(prop(h1 @ W2)))
    out = prop(h2 @ W3) + b3
    return out

if __name__ == "__main__":
    import jax
    _d = setup_inputs()
    print(jax.jit(kernel)(*tuple(_d.values())))

</pallas_src>

<mosaic_0001>
#map = affine_map<(d0, d1) -> (0, 0)>
#map1 = affine_map<(d0, d1) -> (0, 0, 0, 0)>
#map2 = affine_map<(d0, d1) -> (0, 0, 0)>
module attributes {stable_mosaic.version = 14 : i64} {
  func.func @prop_k(%arg0: i32, %arg1: i32, %arg2: memref<10240x128xf32, #tpu.memory_space<hbm>>, %arg3: memref<2x16x79x128xi32, #tpu.memory_space<hbm>>, %arg4: memref<10240x128xf32, #tpu.memory_space<hbm>>, %arg5: memref<2x10240x128xf32, #tpu.memory_space<hbm>>, %arg6: memref<79x128xi32, #tpu.memory_space<vmem>>, %arg7: memref<128xi32, #tpu.memory_space<vmem>>, %arg8: memref<128xi32, #tpu.memory_space<vmem>>, %arg9: memref<128xi32, #tpu.memory_space<vmem>>, %arg10: memref<128xi32, #tpu.memory_space<vmem>>, %arg11: memref<128x128xf32, #tpu.memory_space<vmem>>, %arg12: memref<128x128xf32, #tpu.memory_space<vmem>>, %arg13: memref<10240x128xf32, #tpu.memory_space<vmem_shared>>, %arg14: memref<!tpu.dma_semaphore, #tpu.memory_space<semaphore_mem>>, %arg15: memref<!tpu.dma_semaphore, #tpu.memory_space<semaphore_mem>>, %arg16: memref<!tpu.dma_semaphore, #tpu.memory_space<semaphore_mem>>) attributes {dimension_semantics = [#tpu.dimension_semantics<core_parallel>, #tpu.dimension_semantics<subcore_parallel>], iteration_bounds = array<i64: 2, 16>, scalar_prefetch = 0 : i64, scratch_operands = 11 : i64, tpu.core_type = #tpu.core_type<sc_vector_subcore>, window_params = [{transform_indices = #map}, {transform_indices = #map1}, {transform_indices = #map}, {transform_indices = #map2}]} {
    %mul3A = arith.constant 640 : i32
    %mul3A_0 = arith.muli %arg1, %mul3A : i32
    "tpu.region"() ({
      %run_scoped3A = tpu.sem_alloc : memref<!tpu.dma_semaphore, #tpu.memory_space<semaphore_mem>>
      %dma_start3A_167 = arith.constant 0 : i32
      %dma_start3A_168 = arith.constant 0 : i32
      %dma_start3A_169 = tpu.memref_slice %arg3[%arg0, %arg1, %dma_start3A_167, %dma_start3A_168] : memref<2x16x79x128xi32, #tpu.memory_space<hbm>> -> memref<1x1x79x128xi32, #tpu.memory_space<hbm>>
      %dma_start3A_170 = tpu.memref_squeeze %dma_start3A_169 : memref<1x1x79x128xi32, #tpu.memory_space<hbm>> -> memref<79x128xi32, #tpu.memory_space<hbm>>
      %dma_start3A_171 = arith.constant 0 : i32
      %dma_start3A_172 = arith.constant 0 : i32
      %dma_start3A_173 = tpu.memref_slice %arg3[%arg0, %arg1, %dma_start3A_171, %dma_start3A_172] : memref<2x16x79x128xi32, #tpu.memory_space<hbm>> -> memref<1x1x79x128xi32, #tpu.memory_space<hbm>>
      %dma_start3A_174 = tpu.memref_squeeze %dma_start3A_173 : memref<1x1x79x128xi32, #tpu.memory_space<hbm>> -> memref<79x128xi32, #tpu.memory_space<hbm>>
      tpu.enqueue_dma source(%dma_start3A_174 : memref<79x128xi32, #tpu.memory_space<hbm>>) target(%arg6 : memref<79x128xi32, #tpu.memory_space<vmem>>) target_semaphore(%run_scoped3A : memref<!tpu.dma_semaphore, #tpu.memory_space<semaphore_mem>>)
      %dma_wait3A_175 = arith.constant 0 : i32
      %dma_wait3A_176 = arith.constant 0 : i32
      %dma_wait3A_177 = tpu.memref_slice %arg3[%arg0, %arg1, %dma_wait3A_175, %dma_wait3A_176] : memref<2x16x79x128xi32, #tpu.memory_space<hbm>> -> memref<1x1x79x128xi32, #tpu.memory_space<hbm>>
      %dma_wait3A_178 = tpu.memref_squeeze %dma_wait3A_177 : memref<1x1x79x128xi32, #tpu.memory_space<hbm>> -> memref<79x128xi32, #tpu.memory_space<hbm>>
      %dma_wait3A_179 = arith.constant 0 : i32
      %dma_wait3A_180 = arith.constant 0 : i32
      %dma_wait3A_181 = tpu.memref_slice %arg3[%arg0, %arg1, %dma_wait3A_179, %dma_wait3A_180] : memref<2x16x79x128xi32, #tpu.memory_space<hbm>> -> memref<1x1x79x128xi32, #tpu.memory_space<hbm>>
      %dma_wait3A_182 = tpu.memref_squeeze %dma_wait3A_181 : memref<1x1x79x128xi32, #tpu.memory_space<hbm>> -> memref<79x128xi32, #tpu.memory_space<hbm>>
      tpu.wait_dma2 semaphore(%run_scoped3A : memref<!tpu.dma_semaphore, #tpu.memory_space<semaphore_mem>>) src(%dma_wait3A_182 : memref<79x128xi32, #tpu.memory_space<hbm>>) dst(%arg6 : memref<79x128xi32, #tpu.memory_space<vmem>>)
      tpu.yield
    }) : () -> ()
    %dma_start3A = arith.constant 0 : i32
    %dma_start3A_1 = tpu.memref_slice %arg13[%mul3A_0, %dma_start3A] : memref<10240x128xf32, #tpu.memory_space<vmem_shared>> -> memref<640x128xf32, #tpu.memory_space<vmem_shared>>
    %dma_start3A_2 = arith.constant 0 : i32
    %dma_start3A_3 = tpu.memref_slice %arg4[%mul3A_0, %dma_start3A_2] : memref<10240x128xf32, #tpu.memory_space<hbm>> -> memref<640x128xf32, #tpu.memory_space<hbm>>
    tpu.enqueue_dma source(%dma_start3A_3 : memref<640x128xf32, #tpu.memory_space<hbm>>) target(%dma_start3A_1 : memref<640x128xf32, #tpu.memory_space<vmem_shared>>) target_semaphore(%arg16 : memref<!tpu.dma_semaphore, #tpu.memory_space<semaphore_mem>>)
    %get3A = arith.constant 0 : i32
    %get3A_4 = arith.index_cast %get3A : i32 to index
    %get3A_5 = arith.constant 0 : index
    %get3A_6 = tpu.vector_load %arg6[%get3A_4, %get3A_5] {strides = array<i32>} : memref<79x128xi32, #tpu.memory_space<vmem>>, vector<1x16xi32>,
    %get3A_7 = vector.shape_cast %get3A_6 : vector<1x16xi32> to vector<16xi32>
    %and3A = arith.constant 65535 : i32
    %and3A_8 = vector.broadcast %and3A : i32 to vector<16xi32>
    %and3A_9 = arith.andi %get3A_7, %and3A_8 : vector<16xi32>
    %swap3A = arith.constant 0 : index
    %swap3A_10 = tpu.vector_load %arg7[%swap3A] {strides = array<i32>} : memref<128xi32, #tpu.memory_space<vmem>>, vector<16xi32>,
    %swap3A_11 = vector.shape_cast %swap3A_10 : vector<16xi32> to vector<16xi32>
    %swap3A_12 = vector.shape_cast %and3A_9 : vector<16xi32> to vector<16xi32>
    tpu.vector_store %arg7[%swap3A], %swap3A_12 {strides = array<i32>} : memref<128xi32, #tpu.memory_space<vmem>>, vector<16xi32>,
    %shift_right_logical3A = arith.constant 16 : i32
    %shift_right_logical3A_13 = vector.broadcast %shift_right_logical3A : i32 to vector<16xi32>
    %shift_right_logical3A_14 = arith.shrui %get3A_7, %shift_right_logical3A_13 : vector<16xi32>
    %swap3A_15 = arith.constant 0 : index
    %swap3A_16 = tpu.vector_load %arg9[%swap3A_15] {strides = array<i32>} : memref<128xi32, #tpu.memory_space<vmem>>, vector<16xi32>,
    %swap3A_17 = vector.shape_cast %swap3A_16 : vector<16xi32> to vector<16xi32>
    %swap3A_18 = vector.shape_cast %shift_right_logical3A_14 : vector<16xi32> to vector<16xi32>
    tpu.vector_store %arg9[%swap3A_15], %swap3A_18 {strides = array<i32>} : memref<128xi32, #tpu.memory_space<vmem>>, vector<16xi32>,
    %get3A_19 = arith.constant 0 : i32
    %get3A_20 = arith.index_cast %get3A_19 : i32 to index
    %get3A_21 = arith.constant 16 : index
    %get3A_22 = tpu.vector_load %arg6[%get3A_20, %get3A_21] {strides = array<i32>} : memref<79x128xi32, #tpu.memory_space<vmem>>, vector<1x16xi32>,
    %get3A_23 = vector.shape_cast %get3A_22 : vector<1x16xi32> to vector<16xi32>
    %and3A_24 = arith.constant 65535 : i32
    %and3A_25 = vector.broadcast %and3A_24 : i32 to vector<16xi32>
    %and3A_26 = arith.andi %get3A_23, %and3A_25 : vector<16xi32>
    %swap3A_27 = arith.constant 16 : index
    %swap3A_28 = tpu.vector_load %arg7[%swap3A_27] {strides = array<i32>} : memref<128xi32, #tpu.memory_space<vmem>>, vector<16xi32>,
    %swap3A_29 = vector.shape_cast %swap3A_28 : vector<16xi32> to vector<16xi32>
    %swap3A_30 = vector.shape_cast %and3A_26 : vector<16xi32> to vector<16xi32>
    tpu.vector_store %arg7[%swap3A_27], %swap3A_30 {strides = array<i32>} : memref<128xi32, #tpu.memory_space<vmem>>, vector<16xi32>,
    %shift_right_logical3A_31 = arith.constant 16 : i32
    %shift_right_logical3A_32 = vector.broadcast %shift_right_logical3A_31 : i32 to vector<16xi32>
    %shift_right_logical3A_33 = arith.shrui %get3A_23, %shift_right_logical3A_32 : vector<16xi32>
    %swap3A_34 = arith.constant 16 : index
    %swap3A_35 = tpu.vector_load %arg9[%swap3A_34] {strides = array<i32>} : memref<128xi32, #tpu.memory_space<vmem>>, vector<16xi32>,
    %swap3A_36 = vector.shape_cast %swap3A_35 : vector<16xi32> to vector<16xi32>
    %swap3A_37 = vector.shape_cast %shift_right_logical3A_33 : vector<16xi32> to vector<16xi32>
    tpu.vector_store %arg9[%swap3A_34], %swap3A_37 {strides = array<i32>} : memref<128xi32, #tpu.memory_space<vmem>>, vector<16xi32>,
    %get3A_38 = arith.constant 0 : i32
    %get3A_39 = arith.index_cast %get3A_38 : i32 to index
    %get3A_40 = arith.constant 32 : index
    %get3A_41 = tpu.vector_load %arg6[%get3A_39, %get3A_40] {strides = array<i32>} : memref<79x128xi32, #tpu.memory_space<vmem>>, vector<1x16xi32>,
    %get3A_42 = vector.shape_cast %get3A_41 : vector<1x16xi32> to vector<16xi32>
    %and3A_43 = arith.constant 65535 : i32
    %and3A_44 = vector.broadcast %and3A_43 : i32 to vector<16xi32>
    %and3A_45 = arith.andi %get3A_42, %and3A_44 : vector<16xi32>
    %swap3A_46 = arith.constant 32 : index
    %swap3A_47 = tpu.vector_load %arg7[%swap3A_46] {strides = array<i32>} : memref<128xi32, #tpu.memory_space<vmem>>, vector<16xi32>,
    %swap3A_48 = vector.shape_cast %swap3A_47 : vector<16xi32> to vector<16xi32>
    %swap3A_49 = vector.shape_cast %and3A_45 : vector<16xi32> to vector<16xi32>
    tpu.vector_store %arg7[%swap3A_46], %swap3A_49 {strides = array<i32>} : memref<128xi32, #tpu.memory_space<vmem>>, vector<16xi32>,
    %shift_right_logical3A_50 = arith.constant 16 : i32
    %shift_right_logical3A_51 = vector.broadcast %shift_right_logical3A_50 : i32 to vector<16xi32>
    %shift_right_logical3A_52 = arith.shrui %get3A_42, %shift_right_logical3A_51 : vector<16xi32>
    %swap3A_53 = arith.constant 32 : index
    %swap3A_54 = tpu.vector_load %arg9[%swap3A_53] {strides = array<i32>} : memref<128xi32, #tpu.memory_space<vmem>>, vector<16xi32>,
    %swap3A_55 = vector.shape_cast %swap3A_54 : vector<16xi32> to vector<16xi32>
    %swap3A_56 = vector.shape_cast %shift_right_logical3A_52 : vector<16xi32> to vector<16xi32>
    tpu.vector_store %arg9[%swap3A_53], %swap3A_56 {strides = array<i32>} : memref<128xi32, #tpu.memory_space<vmem>>, vector<16xi32>,
    %get3A_57 = arith.constant 0 : i32
    %get3A_58 = arith.index_cast %get3A_57 : i32 to index
    %get3A_59 = arith.constant 48 : index
    %get3A_60 = tpu.vector_load %arg6[%get3A_58, %get3A_59] {strides = array<i32>} : memref<79x128xi32, #tpu.memory_space<vmem>>, vector<1x16xi32>,
    %get3A_61 = vector.shape_cast %get3A_60 : vector<1x16xi32> to vector<16xi32>
    %and3A_62 = arith.constant 65535 : i32
    %and3A_63 = vector.broadcast %and3A_62 : i32 to vector<16xi32>
    %and3A_64 = arith.andi %get3A_61, %and3A_63 : vector<16xi32>
    %swap3A_65 = arith.constant 48 : index
    %swap3A_66 = tpu.vector_load %arg7[%swap3A_65] {strides = array<i32>} : memref<128xi32, #tpu.memory_space<vmem>>, vector<16xi32>,
    %swap3A_67 = vector.shape_cast %swap3A_66 : vector<16xi32> to vector<16xi32>
    %swap3A_68 = vector.shape_cast %and3A_64 : vector<16xi32> to vector<16xi32>
    tpu.vector_store %arg7[%swap3A_65], %swap3A_68 {strides = array<i32>} : memref<128xi32, #tpu.memory_space<vmem>>, vector<16xi32>,
    %shift_right_logical3A_69 = arith.constant 16 : i32
    %shift_right_logical3A_70 = vector.broadcast %shift_right_logical3A_69 : i32 to vector<16xi32>
    %shift_right_logical3A_71 = arith.shrui %get3A_61, %shift_right_logical3A_70 : vector<16xi32>
    %swap3A_72 = arith.constant 48 : index
    %swap3A_73 = tpu.vector_load %arg9[%swap3A_72] {strides = array<i32>} : memref<128xi32, #tpu.memory_space<vmem>>, vector<16xi32>,
    %swap3A_74 = vector.shape_cast %swap3A_73 : vector<16xi32> to vector<16xi32>
    %swap3A_75 = vector.shape_cast %shift_right_logical3A_71 : vector<16xi32> to vector<16xi32>
    tpu.vector_store %arg9[%swap3A_72], %swap3A_75 {strides = array<i32>} : memref<128xi32, #tpu.memory_space<vmem>>, vector<16xi32>,
    %get3A_76 = arith.constant 0 : i32
    %get3A_77 = arith.index_cast %get3A_76 : i32 to index
    %get3A_78 = arith.constant 64 : index
    %get3A_79 = tpu.vector_load %arg6[%get3A_77, %get3A_78] {strides = array<i32>} : memref<79x128xi32, #tpu.memory_space<vmem>>, vector<1x16xi32>,
    %get3A_80 = vector.shape_cast %get3A_79 : vector<1x16xi32> to vector<16xi32>
    %and3A_81 = arith.constant 65535 : i32
    %and3A_82 = vector.broadcast %and3A_81 : i32 to vector<16xi32>
    %and3A_83 = arith.andi %get3A_80, %and3A_82 : vector<16xi32>
    %swap3A_84 = arith.constant 64 : index
    %swap3A_85 = tpu.vector_load %arg7[%swap3A_84] {strides = array<i32>} : memref<128xi32, #tpu.memory_space<vmem>>, vector<16xi32>,
    %swap3A_86 = vector.shape_cast %swap3A_85 : vector<16xi32> to vector<16xi32>
    %swap3A_87 = vector.shape_cast %and3A_83 : vector<16xi32> to vector<16xi32>
    tpu.vector_store %arg7[%swap3A_84], %swap3A_87 {strides = array<i32>} : memref<128xi32, #tpu.memory_space<vmem>>, vector<16xi32>,
    %shift_right_logical3A_88 = arith.constant 16 : i32
    %shift_right_logical3A_89 = vector.broadcast %shift_right_logical3A_88 : i32 to vector<16xi32>
    %shift_right_logical3A_90 = arith.shrui %get3A_80, %shift_right_logical3A_89 : vector<16xi32>
    %swap3A_91 = arith.constant 64 : index
    %swap3A_92 = tpu.vector_load %arg9[%swap3A_91] {strides = array<i32>} : memref<128xi32, #tpu.memory_space<vmem>>, vector<16xi32>,
    %swap3A_93 = vector.shape_cast %swap3A_92 : vector<16xi32> to vector<16xi32>
    %swap3A_94 = vector.shape_cast %shift_right_logical3A_90 : vector<16xi32> to vector<16xi32>
    tpu.vector_store %arg9[%swap3A_91], %swap3A_94 {strides = array<i32>} : memref<128xi32, #tpu.memory_space<vmem>>, vector<16xi32>,
    %get3A_95 = arith.constant 0 : i32
    %get3A_96 = arith.index_cast %get3A_95 : i32 to index
    %get3A_97 = arith.constant 80 : index
    %get3A_98 = tpu.vector_load %arg6[%get3A_96, %get3A_97] {strides = array<i32>} : memref<79x128xi32, #tpu.memory_space<vmem>>, vector<1x16xi32>,
    %get3A_99 = vector.shape_cast %get3A_98 : vector<1x16xi32> to vector<16xi32>
    %and3A_100 = arith.constant 65535 : i32
    %and3A_101 = vector.broadcast %and3A_100 : i32 to vector<16xi32>
    %and3A_102 = arith.andi %get3A_99, %and3A_101 : vector<16xi32>
    %swap3A_103 = arith.constant 80 : index
    %swap3A_104 = tpu.vector_load %arg7[%swap3A_103] {strides = array<i32>} : memref<128xi32, #tpu.memory_space<vmem>>, vector<16xi32>,
    %swap3A_105 = vector.shape_cast %swap3A_104 : vector<16xi32> to vector<16xi32>
    %swap3A_106 = vector.shape_cast %and3A_102 : vector<16xi32> to vector<16xi32>
    tpu.vector_store %arg7[%swap3A_103], %swap3A_106 {strides = array<i32>} : memref<128xi32, #tpu.memory_space<vmem>>, vector<16xi32>,
    %shift_right_logical3A_107 = arith.constant 16 : i32
    %shift_right_logical3A_108 = vector.broadcast %shift_right_logical3A_107 : i32 to vector<16xi32>
    %shift_right_logical3A_109 = arith.shrui %get3A_99, %shift_right_logical3A_108 : vector<16xi32>
    %swap3A_110 = arith.constant 80 : index
    %swap3A_111 = tpu.vector_load %arg9[%swap3A_110] {strides = array<i32>} : memref<128xi32, #tpu.memory_space<vmem>>, vector<16xi32>,
    %swap3A_112 = vector.shape_cast %swap3A_111 : vector<16xi32> to vector<16xi32>
    %swap3A_113 = vector.shape_cast %shift_right_logical3A_109 : vector<16xi32> to vector<16xi32>
    tpu.vector_store %arg9[%swap3A_110], %swap3A_113 {strides = array<i32>} : memref<128xi32, #tpu.memory_space<vmem>>, vector<16xi32>,
    %get3A_114 = arith.constant 0 : i32
    %get3A_115 = arith.index_cast %get3A_114 : i32 to index
    %get3A_116 = arith.constant 96 : index
    %get3A_117 = tpu.vector_load %arg6[%get3A_115, %get3A_116] {strides = array<i32>} : memref<79x128xi32, #tpu.memory_space<vmem>>, vector<1x16xi32>,
    %get3A_118 = vector.shape_cast %get3A_117 : vector<1x16xi32> to vector<16xi32>
    %and3A_119 = arith.constant 65535 : i32
    %and3A_120 = vector.broadcast %and3A_119 : i32 to vector<16xi32>
    %and3A_121 = arith.andi %get3A_118, %and3A_120 : vector<16xi32>
    %swap3A_122 = arith.constant 96 : index
    %swap3A_123 = tpu.vector_load %arg7[%swap3A_122] {strides = array<i32>} : memref<128xi32, #tpu.memory_space<vmem>>, vector<16xi32>,
    %swap3A_124 = vector.shape_cast %swap3A_123 : vector<16xi32> to vector<16xi32>
    %swap3A_125 = vector.shape_cast %and3A_121 : vector<16xi32> to vector<16xi32>
    tpu.vector_store %arg7[%swap3A_122], %swap3A_125 {strides = array<i32>} : memref<128xi32, #tpu.memory_space<vmem>>, vector<16xi32>,
    %shift_right_logical3A_126 = arith.constant 16 : i32
    %shift_right_logical3A_127 = vector.broadcast %shift_right_logical3A_126 : i32 to vector<16xi32>
    %shift_right_logical3A_128 = arith.shrui %get3A_118, %shift_right_logical3A_127 : vector<16xi32>
    %swap3A_129 = arith.constant 96 : index
    %swap3A_130 = tpu.vector_load %arg9[%swap3A_129] {strides = array<i32>} : memref<128xi32, #tpu.memory_space<vmem>>, vector<16xi32>,
    %swap3A_131 = vector.shape_cast %swap3A_130 : vector<16xi32> to vector<16xi32>
    %swap3A_132 = vector.shape_cast %shift_right_logical3A_128 : vector<16xi32> to vector<16xi32>
    tpu.vector_store %arg9[%swap3A_129], %swap3A_132 {strides = array<i32>} : memref<128xi32, #tpu.memory_space<vmem>>, vector<16xi32>,
    %get3A_133 = arith.constant 0 : i32
    %get3A_134 = arith.index_cast %get3A_133 : i32 to index
    %get3A_135 = arith.constant 112 : index
    %get3A_136 = tpu.vector_load %arg6[%get3A_134, %get3A_135] {strides = array<i32>} : memref<79x128xi32, #tpu.memory_space<vmem>>, vector<1x16xi32>,
    %get3A_137 = vector.shape_cast %get3A_136 : vector<1x16xi32> to vector<16xi32>
    %and3A_138 = arith.constant 65535 : i32
    %and3A_139 = vector.broadcast %and3A_138 : i32 to vector<16xi32>
    %and3A_140 = arith.andi %get3A_137, %and3A_139 : vector<16xi32>
    %swap3A_141 = arith.constant 112 : index
    %swap3A_142 = tpu.vector_load %arg7[%swap3A_141] {strides = array<i32>} : memref<128xi32, #tpu.memory_space<vmem>>, vector<16xi32>,
    %swap3A_143 = vector.shape_cast %swap3A_142 : vector<16xi32> to vector<16xi32>
    %swap3A_144 = vector.shape_cast %and3A_140 : vector<16xi32> to vector<16xi32>
    tpu.vector_store %arg7[%swap3A_141], %swap3A_144 {strides = array<i32>} : memref<128xi32, #tpu.memory_space<vmem>>, vector<16xi32>,
    %shift_right_logical3A_145 = arith.constant 16 : i32
    %shift_right_logical3A_146 = vector.broadcast %shift_right_logical3A_145 : i32 to vector<16xi32>
    %shift_right_logical3A_147 = arith.shrui %get3A_137, %shift_right_logical3A_146 : vector<16xi32>
    %swap3A_148 = arith.constant 112 : index
    %swap3A_149 = tpu.vector_load %arg9[%swap3A_148] {strides = array<i32>} : memref<128xi32, #tpu.memory_space<vmem>>, vector<16xi32>,
    %swap3A_150 = vector.shape_cast %swap3A_149 : vector<16xi32> to vector<16xi32>
    %swap3A_151 = vector.shape_cast %shift_right_logical3A_147 : vector<16xi32> to vector<16xi32>
    tpu.vector_store %arg9[%swap3A_148], %swap3A_151 {strides = array<i32>} : memref<128xi32, #tpu.memory_space<vmem>>, vector<16xi32>,
    %dma_start3A_152 = arith.constant 0 : i32
    %dma_start3A_153 = arith.constant 0 : i32
    %dma_start3A_154 = tpu.memref_slice %arg2[%dma_start3A_152, %dma_start3A_153] : memref<10240x128xf32, #tpu.memory_space<hbm>> -> memref<10240x128xf32, #tpu.memory_space<hbm>>
    tpu.enqueue_indirect_dma source(%dma_start3A_154 : memref<10240x128xf32, #tpu.memory_space<hbm>>) target(%arg11 : memref<128x128xf32, #tpu.memory_space<vmem>>) offsets(%arg7 : memref<128xi32, #tpu.memory_space<vmem>>) semaphore(%arg14 : memref<!tpu.dma_semaphore, #tpu.memory_space<semaphore_mem>>)
    %dma_wait3A = arith.constant 0 : i32
    %dma_wait3A_155 = tpu.memref_slice %arg13[%mul3A_0, %dma_wait3A] : memref<10240x128xf32, #tpu.memory_space<vmem_shared>> -> memref<640x128xf32, #tpu.memory_space<vmem_shared>>
    %dma_wait3A_156 = arith.constant 0 : i32
    %dma_wait3A_157 = tpu.memref_slice %arg4[%mul3A_0, %dma_wait3A_156] : memref<10240x128xf32, #tpu.memory_space<hbm>> -> memref<640x128xf32, #tpu.memory_space<hbm>>
    tpu.wait_dma2 semaphore(%arg16 : memref<!tpu.dma_semaphore, #tpu.memory_space<semaphore_mem>>) src(%dma_wait3A_157 : memref<640x128xf32, #tpu.memory_space<hbm>>) dst(%dma_wait3A_155 : memref<640x128xf32, #tpu.memory_space<vmem_shared>>)
    %barrier3A = arith.constant 0 : index
    tpu.barrier barrier_id(%barrier3A)
    %scan3A = arith.constant 0 : i32
    %scan3A_158 = arith.constant 0 : i32
    %scan3A_159 = arith.constant 39 : i32
    %scan3A_160 = arith.addi %scan3A_158, %scan3A_159 : i32
    %scan3A_161 = arith.constant 1 : i32
    scf.for %scan3A_167 = %scan3A_158 to %scan3A_160 step %scan3A_161  : i32 {
      %mul3A_168 = arith.constant 2 : i32
      %mul3A_169 = arith.muli %mul3A_168, %scan3A_167 : i32
      %add3A = arith.constant 1 : i32
      %add3A_170 = arith.addi %mul3A_169, %add3A : i32
      %get3A_171 = arith.index_cast %add3A_170 : i32 to index
      %get3A_172 = arith.constant 0 : index
      %get3A_173 = tpu.vector_load %arg6[%get3A_171, %get3A_172] {strides = array<i32>} : memref<79x128xi32, #tpu.memory_space<vmem>>, vector<1x16xi32>,
      %get3A_174 = vector.shape_cast %get3A_173 : vector<1x16xi32> to vector<16xi32>
      %and3A_175 = arith.constant 65535 : i32
      %and3A_176 = vector.broadcast %and3A_175 : i32 to vector<16xi32>
      %and3A_177 = arith.andi %get3A_174, %and3A_176 : vector<16xi32>
      %swap3A_178 = arith.constant 0 : index
      %swap3A_179 = tpu.vector_load %arg8[%swap3A_178] {strides = array<i32>} : memref<128xi32, #tpu.memory_space<vmem>>, vector<16xi32>,
      %swap3A_180 = vector.shape_cast %swap3A_179 : vector<16xi32> to vector<16xi32>
      %swap3A_181 = vector.shape_cast %and3A_177 : vector<16xi32> to vector<16xi32>
      tpu.vector_store %arg8[%swap3A_178], %swap3A_181 {strides = array<i32>} : memref<128xi32, #tpu.memory_space<vmem>>, vector<16xi32>,
      %shift_right_logical3A_182 = arith.constant 16 : i32
      %shift_right_logical3A_183 = vector.broadcast %shift_right_logical3A_182 : i32 to vector<16xi32>
      %shift_right_logical3A_184 = arith.shrui %get3A_174, %shift_right_logical3A_183 : vector<16xi32>
      %swap3A_185 = arith.constant 0 : index
      %swap3A_186 = tpu.vector_load %arg10[%swap3A_185] {strides = array<i32>} : memref<128xi32, #tpu.memory_space<vmem>>, vector<16xi32>,
      %swap3A_187 = vector.shape_cast %swap3A_186 : vector<16xi32> to vector<16xi32>
      %swap3A_188 = vector.shape_cast %shift_right_logical3A_184 : vector<16xi32> to vector<16xi32>
      tpu.vector_store %arg10[%swap3A_185], %swap3A_188 {strides = array<i32>} : memref<128xi32, #tpu.memory_space<vmem>>, vector<16xi32>,
      %get3A_189 = arith.index_cast %add3A_170 : i32 to index
      %get3A_190 = arith.constant 16 : index
      %get3A_191 = tpu.vector_load %arg6[%get3A_189, %get3A_190] {strides = array<i32>} : memref<79x128xi32, #tpu.memory_space<vmem>>, vector<1x16xi32>,
      %get3A_192 = vector.shape_cast %get3A_191 : vector<1x16xi32> to vector<16xi32>
      %and3A_193 = arith.constant 65535 : i32
      %and3A_194 = vector.broadcast %and3A_193 : i32 to vector<16xi32>
      %and3A_195 = arith.andi %get3A_192, %and3A_194 : vector<16xi32>
      %swap3A_196 = arith.constant 16 : index
      %swap3A_197 = tpu.vector_load %arg8[%swap3A_196] {strides = array<i32>} : memref<128xi32, #tpu.memory_space<vmem>>, vector<16xi32>,
      %swap3A_198 = vector.shape_cast %swap3A_197 : vector<16xi32> to vector<16xi32>
      %swap3A_199 = vector.shape_cast %and3A_195 : vector<16xi32> to vector<16xi32>
      tpu.vector_store %arg8[%swap3A_196], %swap3A_199 {strides = array<i32>} : memref<128xi32, #tpu.memory_space<vmem>>, vector<16xi32>,
      %shift_right_logical3A_200 = arith.constant 16 : i32
      %shift_right_logical3A_201 = vector.broadcast %shift_right_logical3A_200 : i32 to vector<16xi32>
      %shift_right_logical3A_202 = arith.shrui %get3A_192, %shift_right_logical3A_201 : vector<16xi32>
      %swap3A_203 = arith.constant 16 : index
      %swap3A_204 = tpu.vector_load %arg10[%swap3A_203] {strides = array<i32>} : memref<128xi32, #tpu.memory_space<vmem>>, vector<16xi32>,
      %swap3A_205 = vector.shape_cast %swap3A_204 : vector<16xi32> to vector<16xi32>
      %swap3A_206 = vector.shape_cast %shift_right_logical3A_202 : vector<16xi32> to vector<16xi32>
      tpu.vector_store %arg10[%swap3A_203], %swap3A_206 {strides = array<i32>} : memref<128xi32, #tpu.memory_space<vmem>>, vector<16xi32>,
      %get3A_207 = arith.index_cast %add3A_170 : i32 to index
      %get3A_208 = arith.constant 32 : index
      %get3A_209 = tpu.vector_load %arg6[%get3A_207, %get3A_208] {strides = array<i32>} : memref<79x128xi32, #tpu.memory_space<vmem>>, vector<1x16xi32>,
      %get3A_210 = vector.shape_cast %get3A_209 : vector<1x16xi32> to vector<16xi32>
      %and3A_211 = arith.constant 65535 : i32
      %and3A_212 = vector.broadcast %and3A_211 : i32 to vector<16xi32>
      %and3A_213 = arith.andi %get3A_210, %and3A_212 : vector<16xi32>
      %swap3A_214 = arith.constant 32 : index
      %swap3A_215 = tpu.vector_load %arg8[%swap3A_214] {strides = array<i32>} : memref<128xi32, #tpu.memory_space<vmem>>, vector<16xi32>,
      %swap3A_216 = vector.shape_cast %swap3A_215 : vector<16xi32> to vector<16xi32>
      %swap3A_217 = vector.shape_cast %and3A_213 : vector<16xi32> to vector<16xi32>
      tpu.vector_store %arg8[%swap3A_214], %swap3A_217 {strides = array<i32>} : memref<128xi32, #tpu.memory_space<vmem>>, vector<16xi32>,
      %shift_right_logical3A_218 = arith.constant 16 : i32
      %shift_right_logical3A_219 = vector.broadcast %shift_right_logical3A_218 : i32 to vector<16xi32>
      %shift_right_logical3A_220 = arith.shrui %get3A_210, %shift_right_logical3A_219 : vector<16xi32>
      %swap3A_221 = arith.constant 32 : index
      %swap3A_222 = tpu.vector_load %arg10[%swap3A_221] {strides = array<i32>} : memref<128xi32, #tpu.memory_space<vmem>>, vector<16xi32>,
      %swap3A_223 = vector.shape_cast %swap3A_222 : vector<16xi32> to vector<16xi32>
      %swap3A_224 = vector.shape_cast %shift_right_logical3A_220 : vector<16xi32> to vector<16xi32>
      tpu.vector_store %arg10[%swap3A_221], %swap3A_224 {strides = array<i32>} : memref<128xi32, #tpu.memory_space<vmem>>, vector<16xi32>,
      %get3A_225 = arith.index_cast %add3A_170 : i32 to index
      %get3A_226 = arith.constant 48 : index
      %get3A_227 = tpu.vector_load %arg6[%get3A_225, %get3A_226] {strides = array<i32>} : memref<79x128xi32, #tpu.memory_space<vmem>>, vector<1x16xi32>,
      %get3A_228 = vector.shape_cast %get3A_227 : vector<1x16xi32> to vector<16xi32>
      %and3A_229 = arith.constant 65535 : i32
      %and3A_230 = vector.broadcast %and3A_229 : i32 to vector<16xi32>
      %and3A_231 = arith.andi %get3A_228, %and3A_230 : vector<16xi32>
      %swap3A_232 = arith.constant 48 : index
      %swap3A_233 = tpu.vector_load %arg8[%swap3A_232] {strides = array<i32>} : memref<128xi32, #tpu.memory_space<vmem>>, vector<16xi32>,
      %swap3A_234 = vector.shape_cast %swap3A_233 : vector<16xi32> to vector<16xi32>
      %swap3A_235 = vector.shape_cast %and3A_231 : vector<16xi32> to vector<16xi32>
      tpu.vector_store %arg8[%swap3A_232], %swap3A_235 {strides = array<i32>} : memref<128xi32, #tpu.memory_space<vmem>>, vector<16xi32>,
      %shift_right_logical3A_236 = arith.constant 16 : i32
      %shift_right_logical3A_237 = vector.broadcast %shift_right_logical3A_236 : i32 to vector<16xi32>
      %shift_right_logical3A_238 = arith.shrui %get3A_228, %shift_right_logical3A_237 : vector<16xi32>
      %swap3A_239 = arith.constant 48 : index
      %swap3A_240 = tpu.vector_load %arg10[%swap3A_239] {strides = array<i32>} : memref<128xi32, #tpu.memory_space<vmem>>, vector<16xi32>,
      %swap3A_241 = vector.shape_cast %swap3A_240 : vector<16xi32> to vector<16xi32>
      %swap3A_242 = vector.shape_cast %shift_right_logical3A_238 : vector<16xi32> to vector<16xi32>
      tpu.vector_store %arg10[%swap3A_239], %swap3A_242 {strides = array<i32>} : memref<128xi32, #tpu.memory_space<vmem>>, vector<16xi32>,
      %get3A_243 = arith.index_cast %add3A_170 : i32 to index
      %get3A_244 = arith.constant 64 : index
      %get3A_245 = tpu.vector_load %arg6[%get3A_243, %get3A_244] {strides = array<i32>} : memref<79x128xi32, #tpu.memory_space<vmem>>, vector<1x16xi32>,
      %get3A_246 = vector.shape_cast %get3A_245 : vector<1x16xi32> to vector<16xi32>
      %and3A_247 = arith.constant 65535 : i32
      %and3A_248 = vector.broadcast %and3A_247 : i32 to vector<16xi32>
      %and3A_249 = arith.andi %get3A_246, %and3A_248 : vector<16xi32>
      %swap3A_250 = arith.constant 64 : index
      %swap3A_251 = tpu.vector_load %arg8[%swap3A_250] {strides = array<i32>} : memref<128xi32, #tpu.memory_space<vmem>>, vector<16xi32>,
      %swap3A_252 = vector.shape_cast %swap3A_251 : vector<16xi32> to vector<16xi32>
      %swap3A_253 = vector.shape_cast %and3A_249 : vector<16xi32> to vector<16xi32>
      tpu.vector_store %arg8[%swap3A_250], %swap3A_253 {strides = array<i32>} : memref<128xi32, #tpu.memory_space<vmem>>, vector<16xi32>,
      %shift_right_logical3A_254 = arith.constant 16 : i32
      %shift_right_logical3A_255 = vector.broadcast %shift_right_logical3A_254 : i32 to vector<16xi32>
      %shift_right_logical3A_256 = arith.shrui %get3A_246, %shift_right_logical3A_255 : vector<16xi32>
      %swap3A_257 = arith.constant 64 : index
      %swap3A_258 = tpu.vector_load %arg10[%swap3A_257] {strides = array<i32>} : memref<128xi32, #tpu.memory_space<vmem>>, vector<16xi32>,
      %swap3A_259 = vector.shape_cast %swap3A_258 : vector<16xi32> to vector<16xi32>
      %swap3A_260 = vector.shape_cast %shift_right_logical3A_256 : vector<16xi32> to vector<16xi32>
      tpu.vector_store %arg10[%swap3A_257], %swap3A_260 {strides = array<i32>} : memref<128xi32, #tpu.memory_space<vmem>>, vector<16xi32>,
      %get3A_261 = arith.index_cast %add3A_170 : i32 to index
      %get3A_262 = arith.constant 80 : index
      %get3A_263 = tpu.vector_load %arg6[%get3A_261, %get3A_262] {strides = array<i32>} : memref<79x128xi32, #tpu.memory_space<vmem>>, vector<1x16xi32>,
      %get3A_264 = vector.shape_cast %get3A_263 : vector<1x16xi32> to vector<16xi32>
      %and3A_265 = arith.constant 65535 : i32
      %and3A_266 = vector.broadcast %and3A_265 : i32 to vector<16xi32>
      %and3A_267 = arith.andi %get3A_264, %and3A_266 : vector<16xi32>
      %swap3A_268 = arith.constant 80 : index
      %swap3A_269 = tpu.vector_load %arg8[%swap3A_268] {strides = array<i32>} : memref<128xi32, #tpu.memory_space<vmem>>, vector<16xi32>,
      %swap3A_270 = vector.shape_cast %swap3A_269 : vector<16xi32> to vector<16xi32>
      %swap3A_271 = vector.shape_cast %and3A_267 : vector<16xi32> to vector<16xi32>
      tpu.vector_store %arg8[%swap3A_268], %swap3A_271 {strides = array<i32>} : memref<128xi32, #tpu.memory_space<vmem>>, vector<16xi32>,
      %shift_right_logical3A_272 = arith.constant 16 : i32
      %shift_right_logical3A_273 = vector.broadcast %shift_right_logical3A_272 : i32 to vector<16xi32>
      %shift_right_logical3A_274 = arith.shrui %get3A_264, %shift_right_logical3A_273 : vector<16xi32>
      %swap3A_275 = arith.constant 80 : index
      %swap3A_276 = tpu.vector_load %arg10[%swap3A_275] {strides = array<i32>} : memref<128xi32, #tpu.memory_space<vmem>>, vector<16xi32>,
      %swap3A_277 = vector.shape_cast %swap3A_276 : vector<16xi32> to vector<16xi32>
      %swap3A_278 = vector.shape_cast %shift_right_logical3A_274 : vector<16xi32> to vector<16xi32>
      tpu.vector_store %arg10[%swap3A_275], %swap3A_278 {strides = array<i32>} : memref<128xi32, #tpu.memory_space<vmem>>, vector<16xi32>,
      %get3A_279 = arith.index_cast %add3A_170 : i32 to index
      %get3A_280 = arith.constant 96 : index
      %get3A_281 = tpu.vector_load %arg6[%get3A_279, %get3A_280] {strides = array<i32>} : memref<79x128xi32, #tpu.memory_space<vmem>>, vector<1x16xi32>,
      %get3A_282 = vector.shape_cast %get3A_281 : vector<1x16xi32> to vector<16xi32>
      %and3A_283 = arith.constant 65535 : i32
      %and3A_284 = vector.broadcast %and3A_283 : i32 to vector<16xi32>
      %and3A_285 = arith.andi %get3A_282, %and3A_284 : vector<16xi32>
      %swap3A_286 = arith.constant 96 : index
      %swap3A_287 = tpu.vector_load %arg8[%swap3A_286] {strides = array<i32>} : memref<128xi32, #tpu.memory_space<vmem>>, vector<16xi32>,
      %swap3A_288 = vector.shape_cast %swap3A_287 : vector<16xi32> to vector<16xi32>
      %swap3A_289 = vector.shape_cast %and3A_285 : vector<16xi32> to vector<16xi32>
      tpu.vector_store %arg8[%swap3A_286], %swap3A_289 {strides = array<i32>} : memref<128xi32, #tpu.memory_space<vmem>>, vector<16xi32>,
      %shift_right_logical3A_290 = arith.constant 16 : i32
      %shift_right_logical3A_291 = vector.broadcast %shift_right_logical3A_290 : i32 to vector<16xi32>
      %shift_right_logical3A_292 = arith.shrui %get3A_282, %shift_right_logical3A_291 : vector<16xi32>
      %swap3A_293 = arith.constant 96 : index
      %swap3A_294 = tpu.vector_load %arg10[%swap3A_293] {strides = array<i32>} : memref<128xi32, #tpu.memory_space<vmem>>, vector<16xi32>,
      %swap3A_295 = vector.shape_cast %swap3A_294 : vector<16xi32> to vector<16xi32>
      %swap3A_296 = vector.shape_cast %shift_right_logical3A_292 : vector<16xi32> to vector<16xi32>
      tpu.vector_store %arg10[%swap3A_293], %swap3A_296 {strides = array<i32>} : memref<128xi32, #tpu.memory_space<vmem>>, vector<16xi32>,
      %get3A_297 = arith.index_cast %add3A_170 : i32 to index
      %get3A_298 = arith.constant 112 : index
      %get3A_299 = tpu.vector_load %arg6[%get3A_297, %get3A_298] {strides = array<i32>} : memref<79x128xi32, #tpu.memory_space<vmem>>, vector<1x16xi32>,
      %get3A_300 = vector.shape_cast %get3A_299 : vector<1x16xi32> to vector<16xi32>
      %and3A_301 = arith.constant 65535 : i32
      %and3A_302 = vector.broadcast %and3A_301 : i32 to vector<16xi32>
      %and3A_303 = arith.andi %get3A_300, %and3A_302 : vector<16xi32>
      %swap3A_304 = arith.constant 112 : index
      %swap3A_305 = tpu.vector_load %arg8[%swap3A_304] {strides = array<i32>} : memref<128xi32, #tpu.memory_space<vmem>>, vector<16xi32>,
      %swap3A_306 = vector.shape_cast %swap3A_305 : vector<16xi32> to vector<16xi32>
      %swap3A_307 = vector.shape_cast %and3A_303 : vector<16xi32> to vector<16xi32>
      tpu.vector_store %arg8[%swap3A_304], %swap3A_307 {strides = array<i32>} : memref<128xi32, #tpu.memory_space<vmem>>, vector<16xi32>,
      %shift_right_logical3A_308 = arith.constant 16 : i32
      %shift_right_logical3A_309 = vector.broadcast %shift_right_logical3A_308 : i32 to vector<16xi32>
      %shift_right_logical3A_310 = arith.shrui %get3A_300, %shift_right_logical3A_309 : vector<16xi32>
      %swap3A_311 = arith.constant 112 : index
      %swap3A_312 = tpu.vector_load %arg10[%swap3A_311] {strides = array<i32>} : memref<128xi32, #tpu.memory_space<vmem>>, vector<16xi32>,
      %swap3A_313 = vector.shape_cast %swap3A_312 : vector<16xi32> to vector<16xi32>
      %swap3A_314 = vector.shape_cast %shift_right_logical3A_310 : vector<16xi32> to vector<16xi32>
      tpu.vector_store %arg10[%swap3A_311], %swap3A_314 {strides = array<i32>} : memref<128xi32, #tpu.memory_space<vmem>>, vector<16xi32>,
      %dma_start3A_315 = arith.constant 0 : i32
      %dma_start3A_316 = arith.constant 0 : i32
      %dma_start3A_317 = tpu.memref_slice %arg2[%dma_start3A_315, %dma_start3A_316] : memref<10240x128xf32, #tpu.memory_space<hbm>> -> memref<10240x128xf32, #tpu.memory_space<hbm>>
      tpu.enqueue_indirect_dma source(%dma_start3A_317 : memref<10240x128xf32, #tpu.memory_space<hbm>>) target(%arg12 : memref<128x128xf32, #tpu.memory_space<vmem>>) offsets(%arg8 : memref<128xi32, #tpu.memory_space<vmem>>) semaphore(%arg15 : memref<!tpu.dma_semaphore, #tpu.memory_space<semaphore_mem>>)
      %dma_wait3A_318 = arith.constant 0 : i32
      %dma_wait3A_319 = arith.constant 0 : i32
      %dma_wait3A_320 = tpu.memref_slice %arg2[%dma_wait3A_318, %dma_wait3A_319] : memref<10240x128xf32, #tpu.memory_space<hbm>> -> memref<10240x128xf32, #tpu.memory_space<hbm>>
      tpu.wait_indirect_dma semaphore(%arg14 : memref<!tpu.dma_semaphore, #tpu.memory_space<semaphore_mem>>) src(%dma_wait3A_320 : memref<10240x128xf32, #tpu.memory_space<hbm>>) dst(%arg11 : memref<128x128xf32, #tpu.memory_space<vmem>>)
      "tpu.region"() ({
        %run_scoped3A = tpu.sem_alloc : memref<!tpu.dma_semaphore, #tpu.memory_space<semaphore_mem>>
        %dma_start3A_473 = arith.constant 0 : i32
        %dma_start3A_474 = arith.constant 0 : i32
        %dma_start3A_475 = tpu.memref_slice %arg13[%dma_start3A_473, %dma_start3A_474] : memref<10240x128xf32, #tpu.memory_space<vmem_shared>> -> memref<10240x128xf32, #tpu.memory_space<vmem_shared>>
        tpu.enqueue_indirect_dma source(%arg11 : memref<128x128xf32, #tpu.memory_space<vmem>>) target(%dma_start3A_475 : memref<10240x128xf32, #tpu.memory_space<vmem_shared>>) offsets(%arg9 : memref<128xi32, #tpu.memory_space<vmem>>) semaphore(%run_scoped3A : memref<!tpu.dma_semaphore, #tpu.memory_space<semaphore_mem>>) {add = true}
        %dma_wait3A_476 = arith.constant 0 : i32
        %dma_wait3A_477 = arith.constant 0 : i32
        %dma_wait3A_478 = tpu.memref_slice %arg13[%dma_wait3A_476, %dma_wait3A_477] : memref<10240x128xf32, #tpu.memory_space<vmem_shared>> -> memref<10240x128xf32, #tpu.memory_space<vmem_shared>>
        tpu.wait_indirect_dma semaphore(%run_scoped3A : memref<!tpu.dma_semaphore, #tpu.memory_space<semaphore_mem>>) src(%arg11 : memref<128x128xf32, #tpu.memory_space<vmem>>) dst(%dma_wait3A_478 : memref<10240x128xf32, #tpu.memory_space<vmem_shared>>)
        tpu.yield
      }) : () -> ()
      %add3A_321 = arith.constant 2 : i32
      %add3A_322 = arith.addi %mul3A_169, %add3A_321 : i32
      %get3A_323 = arith.index_cast %add3A_322 : i32 to index
      %get3A_324 = arith.constant 0 : index
      %get3A_325 = tpu.vector_load %arg6[%get3A_323, %get3A_324] {strides = array<i32>} : memref<79x128xi32, #tpu.memory_space<vmem>>, vector<1x16xi32>,
      %get3A_326 = vector.shape_cast %get3A_325 : vector<1x16xi32> to vector<16xi32>
      %and3A_327 = arith.constant 65535 : i32
      %and3A_328 = vector.broadcast %and3A_327 : i32 to vector<16xi32>
      %and3A_329 = arith.andi %get3A_326, %and3A_328 : vector<16xi32>
      %swap3A_330 = arith.constant 0 : index
      %swap3A_331 = tpu.vector_load %arg7[%swap3A_330] {strides = array<i32>} : memref<128xi32, #tpu.memory_space<vmem>>, vector<16xi32>,
      %swap3A_332 = vector.shape_cast %swap3A_331 : vector<16xi32> to vector<16xi32>
      %swap3A_333 = vector.shape_cast %and3A_329 : vector<16xi32> to vector<16xi32>
      tpu.vector_store %arg7[%swap3A_330], %swap3A_333 {strides = array<i32>} : memref<128xi32, #tpu.memory_space<vmem>>, vector<16xi32>,
      %shift_right_logical3A_334 = arith.constant 16 : i32
      %shift_right_logical3A_335 = vector.broadcast %shift_right_logical3A_334 : i32 to vector<16xi32>
      %shift_right_logical3A_336 = arith.shrui %get3A_326, %shift_right_logical3A_335 : vector<16xi32>
      %swap3A_337 = arith.constant 0 : index
      %swap3A_338 = tpu.vector_load %arg9[%swap3A_337] {strides = array<i32>} : memref<128xi32, #tpu.memory_space<vmem>>, vector<16xi32>,
      %swap3A_339 = vector.shape_cast %swap3A_338 : vector<16xi32> to vector<16xi32>
      %swap3A_340 = vector.shape_cast %shift_right_logical3A_336 : vector<16xi32> to vector<16xi32>
      tpu.vector_store %arg9[%swap3A_337], %swap3A_340 {strides = array<i32>} : memref<128xi32, #tpu.memory_space<vmem>>, vector<16xi32>,
      %get3A_341 = arith.index_cast %add3A_322 : i32 to index
      %get3A_342 = arith.constant 16 : index
      %get3A_343 = tpu.vector_load %arg6[%get3A_341, %get3A_342] {strides = array<i32>} : memref<79x128xi32, #tpu.memory_space<vmem>>, vector<1x16xi32>,
      %get3A_344 = vector.shape_cast %get3A_343 : vector<1x16xi32> to vector<16xi32>
      %and3A_345 = arith.constant 65535 : i32
      %and3A_346 = vector.broadcast %and3A_345 : i32 to vector<16xi32>
      %and3A_347 = arith.andi %get3A_344, %and3A_346 : vector<16xi32>
      %swap3A_348 = arith.constant 16 : index
      %swap3A_349 = tpu.vector_load %arg7[%swap3A_348] {strides = array<i32>} : memref<128xi32, #tpu.memory_space<vmem>>, vector<16xi32>,
      %swap3A_350 = vector.shape_cast %swap3A_349 : vector<16xi32> to vector<16xi32>
      %swap3A_351 = vector.shape_cast %and3A_347 : vector<16xi32> to vector<16xi32>
      tpu.vector_store %arg7[%swap3A_348], %swap3A_351 {strides = array<i32>} : memref<128xi32, #tpu.memory_space<vmem>>, vector<16xi32>,
      %shift_right_logical3A_352 = arith.constant 16 : i32
      %shift_right_logical3A_353 = vector.broadcast %shift_right_logical3A_352 : i32 to vector<16xi32>
      %shift_right_logical3A_354 = arith.shrui %get3A_344, %shift_right_logical3A_353 : vector<16xi32>
      %swap3A_355 = arith.constant 16 : index
      %swap3A_356 = tpu.vector_load %arg9[%swap3A_355] {strides = array<i32>} : memref<128xi32, #tpu.memory_space<vmem>>, vector<16xi32>,
      %swap3A_357 = vector.shape_cast %swap3A_356 : vector<16xi32> to vector<16xi32>
      %swap3A_358 = vector.shape_cast %shift_right_logical3A_354 : vector<16xi32> to vector<16xi32>
      tpu.vector_store %arg9[%swap3A_355], %swap3A_358 {strides = array<i32>} : memref<128xi32, #tpu.memory_space<vmem>>, vector<16xi32>,
      %get3A_359 = arith.index_cast %add3A_322 : i32 to index
      %get3A_360 = arith.constant 32 : index
      %get3A_361 = tpu.vector_load %arg6[%get3A_359, %get3A_360] {strides = array<i32>} : memref<79x128xi32, #tpu.memory_space<vmem>>, vector<1x16xi32>,
      %get3A_362 = vector.shape_cast %get3A_361 : vector<1x16xi32> to vector<16xi32>
      %and3A_363 = arith.constant 65535 : i32
      %and3A_364 = vector.broadcast %and3A_363 : i32 to vector<16xi32>
      %and3A_365 = arith.andi %get3A_362, %and3A_364 : vector<16xi32>
      %swap3A_366 = arith.constant 32 : index
      %swap3A_367 = tpu.vector_load %arg7[%swap3A_366] {strides = array<i32>} : memref<128xi32, #tpu.memory_space<vmem>>, vector<16xi32>,
      %swap3A_368 = vector.shape_cast %swap3A_367 : vector<16xi32> to vector<16xi32>
      %swap3A_369 = vector.shape_cast %and3A_365 : vector<16xi32> to vector<16xi32>
      tpu.vector_store %arg7[%swap3A_366], %swap3A_369 {strides = array<i32>} : memref<128xi32, #tpu.memory_space<vmem>>, vector<16xi32>,
      %shift_right_logical3A_370 = arith.constant 16 : i32
      %shift_right_logical3A_371 = vector.broadcast %shift_right_logical3A_370 : i32 to vector<16xi32>
      %shift_right_logical3A_372 = arith.shrui %get3A_362, %shift_right_logical3A_371 : vector<16xi32>
      %swap3A_373 = arith.constant 32 : index
      %swap3A_374 = tpu.vector_load %arg9[%swap3A_373] {strides = array<i32>} : memref<128xi32, #tpu.memory_space<vmem>>, vector<16xi32>,
      %swap3A_375 = vector.shape_cast %swap3A_374 : vector<16xi32> to vector<16xi32>
      %swap3A_376 = vector.shape_cast %shift_right_logical3A_372 : vector<16xi32> to vector<16xi32>
      tpu.vector_store %arg9[%swap3A_373], %swap3A_376 {strides = array<i32>} : memref<128xi32, #tpu.memory_space<vmem>>, vector<16xi32>,
      %get3A_377 = arith.index_cast %add3A_322 : i32 to index
      %get3A_378 = arith.constant 48 : index
      %get3A_379 = tpu.vector_load %arg6[%get3A_377, %get3A_378] {strides = array<i32>} : memref<79x128xi32, #tpu.memory_space<vmem>>, vector<1x16xi32>,
      %get3A_380 = vector.shape_cast %get3A_379 : vector<1x16xi32> to vector<16xi32>
      %and3A_381 = arith.constant 65535 : i32
      %and3A_382 = vector.broadcast %and3A_381 : i32 to vector<16xi32>
      %and3A_383 = arith.andi %get3A_380, %and3A_382 : vector<16xi32>
      %swap3A_384 = arith.constant 48 : index
      %swap3A_385 = tpu.vector_load %arg7[%swap3A_384] {strides = array<i32>} : memref<128xi32, #tpu.memory_space<vmem>>, vector<16xi32>,
      %swap3A_386 = vector.shape_cast %swap3A_385 : vector<16xi32> to vector<16xi32>
      %swap3A_387 = vector.shape_cast %and3A_383 : vector<16xi32> to vector<16xi32>
      tpu.vector_store %arg7[%swap3A_384], %swap3A_387 {strides = array<i32>} : memref<128xi32, #tpu.memory_space<vmem>>, vector<16xi32>,
      %shift_right_logical3A_388 = arith.constant 16 : i32
      %shift_right_logical3A_389 = vector.broadcast %shift_right_logical3A_388 : i32 to vector<16xi32>
      %shift_right_logical3A_390 = arith.shrui %get3A_380, %shift_right_logical3A_389 : vector<16xi32>
      %swap3A_391 = arith.constant 48 : index
      %swap3A_392 = tpu.vector_load %arg9[%swap3A_391] {strides = array<i32>} : memref<128xi32, #tpu.memory_space<vmem>>, vector<16xi32>,
      %swap3A_393 = vector.shape_cast %swap3A_392 : vector<16xi32> to vector<16xi32>
      %swap3A_394 = vector.shape_cast %shift_right_logical3A_390 : vector<16xi32> to vector<16xi32>
      tpu.vector_store %arg9[%swap3A_391], %swap3A_394 {strides = array<i32>} : memref<128xi32, #tpu.memory_space<vmem>>, vector<16xi32>,
      %get3A_395 = arith.index_cast %add3A_322 : i32 to index
      %get3A_396 = arith.constant 64 : index
      %get3A_397 = tpu.vector_load %arg6[%get3A_395, %get3A_396] {strides = array<i32>} : memref<79x128xi32, #tpu.memory_space<vmem>>, vector<1x16xi32>,
      %get3A_398 = vector.shape_cast %get3A_397 : vector<1x16xi32> to vector<16xi32>
      %and3A_399 = arith.constant 65535 : i32
      %and3A_400 = vector.broadcast %and3A_399 : i32 to vector<16xi32>
      %and3A_401 = arith.andi %get3A_398, %and3A_400 : vector<16xi32>
      %swap3A_402 = arith.constant 64 : index
      %swap3A_403 = tpu.vector_load %arg7[%swap3A_402] {strides = array<i32>} : memref<128xi32, #tpu.memory_space<vmem>>, vector<16xi32>,
      %swap3A_404 = vector.shape_cast %swap3A_403 : vector<16xi32> to vector<16xi32>
      %swap3A_405 = vector.shape_cast %and3A_401 : vector<16xi32> to vector<16xi32>
      tpu.vector_store %arg7[%swap3A_402], %swap3A_405 {strides = array<i32>} : memref<128xi32, #tpu.memory_space<vmem>>, vector<16xi32>,
      %shift_right_logical3A_406 = arith.constant 16 : i32
      %shift_right_logical3A_407 = vector.broadcast %shift_right_logical3A_406 : i32 to vector<16xi32>
      %shift_right_logical3A_408 = arith.shrui %get3A_398, %shift_right_logical3A_407 : vector<16xi32>
      %swap3A_409 = arith.constant 64 : index
      %swap3A_410 = tpu.vector_load %arg9[%swap3A_409] {strides = array<i32>} : memref<128xi32, #tpu.memory_space<vmem>>, vector<16xi32>,
      %swap3A_411 = vector.shape_cast %swap3A_410 : vector<16xi32> to vector<16xi32>
      %swap3A_412 = vector.shape_cast %shift_right_logical3A_408 : vector<16xi32> to vector<16xi32>
      tpu.vector_store %arg9[%swap3A_409], %swap3A_412 {strides = array<i32>} : memref<128xi32, #tpu.memory_space<vmem>>, vector<16xi32>,
      %get3A_413 = arith.index_cast %add3A_322 : i32 to index
      %get3A_414 = arith.constant 80 : index
      %get3A_415 = tpu.vector_load %arg6[%get3A_413, %get3A_414] {strides = array<i32>} : memref<79x128xi32, #tpu.memory_space<vmem>>, vector<1x16xi32>,
      %get3A_416 = vector.shape_cast %get3A_415 : vector<1x16xi32> to vector<16xi32>
      %and3A_417 = arith.constant 65535 : i32
      %and3A_418 = vector.broadcast %and3A_417 : i32 to vector<16xi32>
      %and3A_419 = arith.andi %get3A_416, %and3A_418 : vector<16xi32>
      %swap3A_420 = arith.constant 80 : index
      %swap3A_421 = tpu.vector_load %arg7[%swap3A_420] {strides = array<i32>} : memref<128xi32, #tpu.memory_space<vmem>>, vector<16xi32>,
      %swap3A_422 = vector.shape_cast %swap3A_421 : vector<16xi32> to vector<16xi32>
      %swap3A_423 = vector.shape_cast %and3A_419 : vector<16xi32> to vector<16xi32>
      tpu.vector_store %arg7[%swap3A_420], %swap3A_423 {strides = array<i32>} : memref<128xi32, #tpu.memory_space<vmem>>, vector<16xi32>,
      %shift_right_logical3A_424 = arith.constant 16 : i32
      %shift_right_logical3A_425 = vector.broadcast %shift_right_logical3A_424 : i32 to vector<16xi32>
      %shift_right_logical3A_426 = arith.shrui %get3A_416, %shift_right_logical3A_425 : vector<16xi32>
      %swap3A_427 = arith.constant 80 : index
      %swap3A_428 = tpu.vector_load %arg9[%swap3A_427] {strides = array<i32>} : memref<128xi32, #tpu.memory_space<vmem>>, vector<16xi32>,
      %swap3A_429 = vector.shape_cast %swap3A_428 : vector<16xi32> to vector<16xi32>
      %swap3A_430 = vector.shape_cast %shift_right_logical3A_426 : vector<16xi32> to vector<16xi32>
      tpu.vector_store %arg9[%swap3A_427], %swap3A_430 {strides = array<i32>} : memref<128xi32, #tpu.memory_space<vmem>>, vector<16xi32>,
      %get3A_431 = arith.index_cast %add3A_322 : i32 to index
      %get3A_432 = arith.constant 96 : index
      %get3A_433 = tpu.vector_load %arg6[%get3A_431, %get3A_432] {strides = array<i32>} : memref<79x128xi32, #tpu.memory_space<vmem>>, vector<1x16xi32>,
      %get3A_434 = vector.shape_cast %get3A_433 : vector<1x16xi32> to vector<16xi32>
      %and3A_435 = arith.constant 65535 : i32
      %and3A_436 = vector.broadcast %and3A_435 : i32 to vector<16xi32>
      %and3A_437 = arith.andi %get3A_434, %and3A_436 : vector<16xi32>
      %swap3A_438 = arith.constant 96 : index
      %swap3A_439 = tpu.vector_load %arg7[%swap3A_438] {strides = array<i32>} : memref<128xi32, #tpu.memory_space<vmem>>, vector<16xi32>,
      %swap3A_440 = vector.shape_cast %swap3A_439 : vector<16xi32> to vector<16xi32>
      %swap3A_441 = vector.shape_cast %and3A_437 : vector<16xi32> to vector<16xi32>
      tpu.vector_store %arg7[%swap3A_438], %swap3A_441 {strides = array<i32>} : memref<128xi32, #tpu.memory_space<vmem>>, vector<16xi32>,
      %shift_right_logical3A_442 = arith.constant 16 : i32
      %shift_right_logical3A_443 = vector.broadcast %shift_right_logical3A_442 : i32 to vector<16xi32>
      %shift_right_logical3A_444 = arith.shrui %get3A_434, %shift_right_logical3A_443 : vector<16xi32>
      %swap3A_445 = arith.constant 96 : index
      %swap3A_446 = tpu.vector_load %arg9[%swap3A_445] {strides = array<i32>} : memref<128xi32, #tpu.memory_space<vmem>>, vector<16xi32>,
      %swap3A_447 = vector.shape_cast %swap3A_446 : vector<16xi32> to vector<16xi32>
      %swap3A_448 = vector.shape_cast %shift_right_logical3A_444 : vector<16xi32> to vector<16xi32>
      tpu.vector_store %arg9[%swap3A_445], %swap3A_448 {strides = array<i32>} : memref<128xi32, #tpu.memory_space<vmem>>, vector<16xi32>,
      %get3A_449 = arith.index_cast %add3A_322 : i32 to index
      %get3A_450 = arith.constant 112 : index
      %get3A_451 = tpu.vector_load %arg6[%get3A_449, %get3A_450] {strides = array<i32>} : memref<79x128xi32, #tpu.memory_space<vmem>>, vector<1x16xi32>,
      %get3A_452 = vector.shape_cast %get3A_451 : vector<1x16xi32> to vector<16xi32>
      %and3A_453 = arith.constant 65535 : i32
      %and3A_454 = vector.broadcast %and3A_453 : i32 to vector<16xi32>
      %and3A_455 = arith.andi %get3A_452, %and3A_454 : vector<16xi32>
      %swap3A_456 = arith.constant 112 : index
      %swap3A_457 = tpu.vector_load %arg7[%swap3A_456] {strides = array<i32>} : memref<128xi32, #tpu.memory_space<vmem>>, vector<16xi32>,
      %swap3A_458 = vector.shape_cast %swap3A_457 : vector<16xi32> to vector<16xi32>
      %swap3A_459 = vector.shape_cast %and3A_455 : vector<16xi32> to vector<16xi32>
      tpu.vector_store %arg7[%swap3A_456], %swap3A_459 {strides = array<i32>} : memref<128xi32, #tpu.memory_space<vmem>>, vector<16xi32>,
      %shift_right_logical3A_460 = arith.constant 16 : i32
      %shift_right_logical3A_461 = vector.broadcast %shift_right_logical3A_460 : i32 to vector<16xi32>
      %shift_right_logical3A_462 = arith.shrui %get3A_452, %shift_right_logical3A_461 : vector<16xi32>
      %swap3A_463 = arith.constant 112 : index
      %swap3A_464 = tpu.vector_load %arg9[%swap3A_463] {strides = array<i32>} : memref<128xi32, #tpu.memory_space<vmem>>, vector<16xi32>,
      %swap3A_465 = vector.shape_cast %swap3A_464 : vector<16xi32> to vector<16xi32>
      %swap3A_466 = vector.shape_cast %shift_right_logical3A_462 : vector<16xi32> to vector<16xi32>
      tpu.vector_store %arg9[%swap3A_463], %swap3A_466 {strides = array<i32>} : memref<128xi32, #tpu.memory_space<vmem>>, vector<16xi32>,
      %dma_start3A_467 = arith.constant 0 : i32
      %dma_start3A_468 = arith.constant 0 : i32
      %dma_start3A_469 = tpu.memref_slice %arg2[%dma_start3A_467, %dma_start3A_468] : memref<10240x128xf32, #tpu.memory_space<hbm>> -> memref<10240x128xf32, #tpu.memory_space<hbm>>
      tpu.enqueue_indirect_dma source(%dma_start3A_469 : memref<10240x128xf32, #tpu.memory_space<hbm>>) target(%arg11 : memref<128x128xf32, #tpu.memory_space<vmem>>) offsets(%arg7 : memref<128xi32, #tpu.memory_space<vmem>>) semaphore(%arg14 : memref<!tpu.dma_semaphore, #tpu.memory_space<semaphore_mem>>)
      %dma_wait3A_470 = arith.constant 0 : i32
      %dma_wait3A_471 = arith.constant 0 : i32
      %dma_wait3A_472 = tpu.memref_slice %arg2[%dma_wait3A_470, %dma_wait3A_471] : memref<10240x128xf32, #tpu.memory_space<hbm>> -> memref<10240x128xf32, #tpu.memory_space<hbm>>
      tpu.wait_indirect_dma semaphore(%arg15 : memref<!tpu.dma_semaphore, #tpu.memory_space<semaphore_mem>>) src(%dma_wait3A_472 : memref<10240x128xf32, #tpu.memory_space<hbm>>) dst(%arg12 : memref<128x128xf32, #tpu.memory_space<vmem>>)
      "tpu.region"() ({
        %run_scoped3A = tpu.sem_alloc : memref<!tpu.dma_semaphore, #tpu.memory_space<semaphore_mem>>
        %dma_start3A_473 = arith.constant 0 : i32
        %dma_start3A_474 = arith.constant 0 : i32
        %dma_start3A_475 = tpu.memref_slice %arg13[%dma_start3A_473, %dma_start3A_474] : memref<10240x128xf32, #tpu.memory_space<vmem_shared>> -> memref<10240x128xf32, #tpu.memory_space<vmem_shared>>
        tpu.enqueue_indirect_dma source(%arg12 : memref<128x128xf32, #tpu.memory_space<vmem>>) target(%dma_start3A_475 : memref<10240x128xf32, #tpu.memory_space<vmem_shared>>) offsets(%arg10 : memref<128xi32, #tpu.memory_space<vmem>>) semaphore(%run_scoped3A : memref<!tpu.dma_semaphore, #tpu.memory_space<semaphore_mem>>) {add = true}
        %dma_wait3A_476 = arith.constant 0 : i32
        %dma_wait3A_477 = arith.constant 0 : i32
        %dma_wait3A_478 = tpu.memref_slice %arg13[%dma_wait3A_476, %dma_wait3A_477] : memref<10240x128xf32, #tpu.memory_space<vmem_shared>> -> memref<10240x128xf32, #tpu.memory_space<vmem_shared>>
        tpu.wait_indirect_dma semaphore(%run_scoped3A : memref<!tpu.dma_semaphore, #tpu.memory_space<semaphore_mem>>) src(%arg12 : memref<128x128xf32, #tpu.memory_space<vmem>>) dst(%dma_wait3A_478 : memref<10240x128xf32, #tpu.memory_space<vmem_shared>>)
        tpu.yield
      }) : () -> ()
    }
    %scan3A_162 = arith.constant 39 : i32
    %dma_wait3A_163 = arith.constant 0 : i32
    %dma_wait3A_164 = arith.constant 0 : i32
    %dma_wait3A_165 = tpu.memref_slice %arg2[%dma_wait3A_163, %dma_wait3A_164] : memref<10240x128xf32, #tpu.memory_space<hbm>> -> memref<10240x128xf32, #tpu.memory_space<hbm>>
    tpu.wait_indirect_dma semaphore(%arg14 : memref<!tpu.dma_semaphore, #tpu.memory_space<semaphore_mem>>) src(%dma_wait3A_165 : memref<10240x128xf32, #tpu.memory_space<hbm>>) dst(%arg11 : memref<128x128xf32, #tpu.memory_space<vmem>>)
    "tpu.region"() ({
      %run_scoped3A = tpu.sem_alloc : memref<!tpu.dma_semaphore, #tpu.memory_space<semaphore_mem>>
      %dma_start3A_167 = arith.constant 0 : i32
      %dma_start3A_168 = arith.constant 0 : i32
      %dma_start3A_169 = tpu.memref_slice %arg13[%dma_start3A_167, %dma_start3A_168] : memref<10240x128xf32, #tpu.memory_space<vmem_shared>> -> memref<10240x128xf32, #tpu.memory_space<vmem_shared>>
      tpu.enqueue_indirect_dma source(%arg11 : memref<128x128xf32, #tpu.memory_space<vmem>>) target(%dma_start3A_169 : memref<10240x128xf32, #tpu.memory_space<vmem_shared>>) offsets(%arg9 : memref<128xi32, #tpu.memory_space<vmem>>) semaphore(%run_scoped3A : memref<!tpu.dma_semaphore, #tpu.memory_space<semaphore_mem>>) {add = true}
      %dma_wait3A_170 = arith.constant 0 : i32
      %dma_wait3A_171 = arith.constant 0 : i32
      %dma_wait3A_172 = tpu.memref_slice %arg13[%dma_wait3A_170, %dma_wait3A_171] : memref<10240x128xf32, #tpu.memory_space<vmem_shared>> -> memref<10240x128xf32, #tpu.memory_space<vmem_shared>>
      tpu.wait_indirect_dma semaphore(%run_scoped3A : memref<!tpu.dma_semaphore, #tpu.memory_space<semaphore_mem>>) src(%arg11 : memref<128x128xf32, #tpu.memory_space<vmem>>) dst(%dma_wait3A_172 : memref<10240x128xf32, #tpu.memory_space<vmem_shared>>)
      tpu.yield
    }) : () -> ()
    %barrier3A_166 = arith.constant 0 : index
    tpu.barrier barrier_id(%barrier3A_166)
    "tpu.region"() ({
      %run_scoped3A = tpu.sem_alloc : memref<!tpu.dma_semaphore, #tpu.memory_space<semaphore_mem>>
      %dma_start3A_167 = arith.constant 0 : i32
      %dma_start3A_168 = tpu.memref_slice %arg5[%arg0, %mul3A_0, %dma_start3A_167] : memref<2x10240x128xf32, #tpu.memory_space<hbm>> -> memref<1x640x128xf32, #tpu.memory_space<hbm>>
      %dma_start3A_169 = tpu.memref_squeeze %dma_start3A_168 : memref<1x640x128xf32, #tpu.memory_space<hbm>> -> memref<640x128xf32, #tpu.memory_space<hbm>>
      %dma_start3A_170 = arith.constant 0 : i32
      %dma_start3A_171 = tpu.memref_slice %arg13[%mul3A_0, %dma_start3A_170] : memref<10240x128xf32, #tpu.memory_space<vmem_shared>> -> memref<640x128xf32, #tpu.memory_space<vmem_shared>>
      tpu.enqueue_dma source(%dma_start3A_171 : memref<640x128xf32, #tpu.memory_space<vmem_shared>>) target(%dma_start3A_169 : memref<640x128xf32, #tpu.memory_space<hbm>>) target_semaphore(%run_scoped3A : memref<!tpu.dma_semaphore, #tpu.memory_space<semaphore_mem>>)
      %dma_wait3A_172 = arith.constant 0 : i32
      %dma_wait3A_173 = tpu.memref_slice %arg5[%arg0, %mul3A_0, %dma_wait3A_172] : memref<2x10240x128xf32, #tpu.memory_space<hbm>> -> memref<1x640x128xf32, #tpu.memory_space<hbm>>
      %dma_wait3A_174 = tpu.memref_squeeze %dma_wait3A_173 : memref<1x640x128xf32, #tpu.memory_space<hbm>> -> memref<640x128xf32, #tpu.memory_space<hbm>>
      %dma_wait3A_175 = arith.constant 0 : i32
      %dma_wait3A_176 = tpu.memref_slice %arg13[%mul3A_0, %dma_wait3A_175] : memref<10240x128xf32, #tpu.memory_space<vmem_shared>> -> memref<640x128xf32, #tpu.memory_space<vmem_shared>>
      tpu.wait_dma2 semaphore(%run_scoped3A : memref<!tpu.dma_semaphore, #tpu.memory_space<semaphore_mem>>) src(%dma_wait3A_176 : memref<640x128xf32, #tpu.memory_space<vmem_shared>>) dst(%dma_wait3A_174 : memref<640x128xf32, #tpu.memory_space<hbm>>)
      tpu.yield
    }) : () -> ()
    return
  }
}

#map = affine_map<(d0, d1) -> (0, 0, 0, 0)>
#map1 = affine_map<(d0, d1) -> (0)>
#map2 = affine_map<(d0, d1) -> (0, 0)>
module attributes {stable_mosaic.version = 14 : i64} {
  func.func @_deg_k(%arg0: i32, %arg1: i32, %arg2: memref<2x16x79x128xi32, #tpu.memory_space<hbm>>, %arg3: memref<10240xf32, #tpu.memory_space<hbm>>, %arg4: memref<2x10240xf32, #tpu.memory_space<hbm>>, %arg5: memref<79x128xi32, #tpu.memory_space<vmem>>, %arg6: memref<128xf32, #tpu.memory_space<vmem>>, %arg7: memref<10240xf32, #tpu.memory_space<vmem_shared>>) attributes {dimension_semantics = [#tpu.dimension_semantics<core_parallel>, #tpu.dimension_semantics<subcore_parallel>], iteration_bounds = array<i64: 2, 16>, scalar_prefetch = 0 : i64, scratch_operands = 3 : i64, tpu.core_type = #tpu.core_type<sc_vector_subcore>, window_params = [{transform_indices = #map}, {transform_indices = #map1}, {transform_indices = #map2}]} {
    %mul3A = arith.constant 640 : i32
    %mul3A_0 = arith.muli %arg1, %mul3A : i32
    "tpu.region"() ({
      %run_scoped3A = tpu.sem_alloc : memref<!tpu.dma_semaphore, #tpu.memory_space<semaphore_mem>>
      %dma_start3A = tpu.memref_slice %arg7[%mul3A_0] : memref<10240xf32, #tpu.memory_space<vmem_shared>> -> memref<640xf32, #tpu.memory_space<vmem_shared>>
      %dma_start3A_53 = tpu.memref_slice %arg3[%mul3A_0] : memref<10240xf32, #tpu.memory_space<hbm>> -> memref<640xf32, #tpu.memory_space<hbm>>
      tpu.enqueue_dma source(%dma_start3A_53 : memref<640xf32, #tpu.memory_space<hbm>>) target(%dma_start3A : memref<640xf32, #tpu.memory_space<vmem_shared>>) target_semaphore(%run_scoped3A : memref<!tpu.dma_semaphore, #tpu.memory_space<semaphore_mem>>)
      %dma_wait3A = tpu.memref_slice %arg7[%mul3A_0] : memref<10240xf32, #tpu.memory_space<vmem_shared>> -> memref<640xf32, #tpu.memory_space<vmem_shared>>
      %dma_wait3A_54 = tpu.memref_slice %arg3[%mul3A_0] : memref<10240xf32, #tpu.memory_space<hbm>> -> memref<640xf32, #tpu.memory_space<hbm>>
      tpu.wait_dma2 semaphore(%run_scoped3A : memref<!tpu.dma_semaphore, #tpu.memory_space<semaphore_mem>>) src(%dma_wait3A_54 : memref<640xf32, #tpu.memory_space<hbm>>) dst(%dma_wait3A : memref<640xf32, #tpu.memory_space<vmem_shared>>)
      tpu.yield
    }) : () -> ()
    %broadcast_in_dim3A = arith.constant 1.000000e+00 : f32
    %broadcast_in_dim3A_1 = vector.broadcast %broadcast_in_dim3A : f32 to vector<16xf32>
    %swap3A = arith.constant 0 : index
    %swap3A_2 = tpu.vector_load %arg6[%swap3A] {strides = array<i32>} : memref<128xf32, #tpu.memory_space<vmem>>, vector<16xf32>,
    %swap3A_3 = vector.shape_cast %swap3A_2 : vector<16xf32> to vector<16xf32>
    %swap3A_4 = vector.shape_cast %broadcast_in_dim3A_1 : vector<16xf32> to vector<16xf32>
    tpu.vector_store %arg6[%swap3A], %swap3A_4 {strides = array<i32>} : memref<128xf32, #tpu.memory_space<vmem>>, vector<16xf32>,
    %broadcast_in_dim3A_5 = arith.constant 1.000000e+00 : f32
    %broadcast_in_dim3A_6 = vector.broadcast %broadcast_in_dim3A_5 : f32 to vector<16xf32>
    %swap3A_7 = arith.constant 16 : index
    %swap3A_8 = tpu.vector_load %arg6[%swap3A_7] {strides = array<i32>} : memref<128xf32, #tpu.memory_space<vmem>>, vector<16xf32>,
    %swap3A_9 = vector.shape_cast %swap3A_8 : vector<16xf32> to vector<16xf32>
    %swap3A_10 = vector.shape_cast %broadcast_in_dim3A_6 : vector<16xf32> to vector<16xf32>
    tpu.vector_store %arg6[%swap3A_7], %swap3A_10 {strides = array<i32>} : memref<128xf32, #tpu.memory_space<vmem>>, vector<16xf32>,
    %broadcast_in_dim3A_11 = arith.constant 1.000000e+00 : f32
    %broadcast_in_dim3A_12 = vector.broadcast %broadcast_in_dim3A_11 : f32 to vector<16xf32>
    %swap3A_13 = arith.constant 32 : index
    %swap3A_14 = tpu.vector_load %arg6[%swap3A_13] {strides = array<i32>} : memref<128xf32, #tpu.memory_space<vmem>>, vector<16xf32>,
    %swap3A_15 = vector.shape_cast %swap3A_14 : vector<16xf32> to vector<16xf32>
    %swap3A_16 = vector.shape_cast %broadcast_in_dim3A_12 : vector<16xf32> to vector<16xf32>
    tpu.vector_store %arg6[%swap3A_13], %swap3A_16 {strides = array<i32>} : memref<128xf32, #tpu.memory_space<vmem>>, vector<16xf32>,
    %broadcast_in_dim3A_17 = arith.constant 1.000000e+00 : f32
    %broadcast_in_dim3A_18 = vector.broadcast %broadcast_in_dim3A_17 : f32 to vector<16xf32>
    %swap3A_19 = arith.constant 48 : index
    %swap3A_20 = tpu.vector_load %arg6[%swap3A_19] {strides = array<i32>} : memref<128xf32, #tpu.memory_space<vmem>>, vector<16xf32>,
    %swap3A_21 = vector.shape_cast %swap3A_20 : vector<16xf32> to vector<16xf32>
    %swap3A_22 = vector.shape_cast %broadcast_in_dim3A_18 : vector<16xf32> to vector<16xf32>
    tpu.vector_store %arg6[%swap3A_19], %swap3A_22 {strides = array<i32>} : memref<128xf32, #tpu.memory_space<vmem>>, vector<16xf32>,
    %broadcast_in_dim3A_23 = arith.constant 1.000000e+00 : f32
    %broadcast_in_dim3A_24 = vector.broadcast %broadcast_in_dim3A_23 : f32 to vector<16xf32>
    %swap3A_25 = arith.constant 64 : index
    %swap3A_26 = tpu.vector_load %arg6[%swap3A_25] {strides = array<i32>} : memref<128xf32, #tpu.memory_space<vmem>>, vector<16xf32>,
    %swap3A_27 = vector.shape_cast %swap3A_26 : vector<16xf32> to vector<16xf32>
    %swap3A_28 = vector.shape_cast %broadcast_in_dim3A_24 : vector<16xf32> to vector<16xf32>
    tpu.vector_store %arg6[%swap3A_25], %swap3A_28 {strides = array<i32>} : memref<128xf32, #tpu.memory_space<vmem>>, vector<16xf32>,
    %broadcast_in_dim3A_29 = arith.constant 1.000000e+00 : f32
    %broadcast_in_dim3A_30 = vector.broadcast %broadcast_in_dim3A_29 : f32 to vector<16xf32>
    %swap3A_31 = arith.constant 80 : index
    %swap3A_32 = tpu.vector_load %arg6[%swap3A_31] {strides = array<i32>} : memref<128xf32, #tpu.memory_space<vmem>>, vector<16xf32>,
    %swap3A_33 = vector.shape_cast %swap3A_32 : vector<16xf32> to vector<16xf32>
    %swap3A_34 = vector.shape_cast %broadcast_in_dim3A_30 : vector<16xf32> to vector<16xf32>
    tpu.vector_store %arg6[%swap3A_31], %swap3A_34 {strides = array<i32>} : memref<128xf32, #tpu.memory_space<vmem>>, vector<16xf32>,
    %broadcast_in_dim3A_35 = arith.constant 1.000000e+00 : f32
    %broadcast_in_dim3A_36 = vector.broadcast %broadcast_in_dim3A_35 : f32 to vector<16xf32>
    %swap3A_37 = arith.constant 96 : index
    %swap3A_38 = tpu.vector_load %arg6[%swap3A_37] {strides = array<i32>} : memref<128xf32, #tpu.memory_space<vmem>>, vector<16xf32>,
    %swap3A_39 = vector.shape_cast %swap3A_38 : vector<16xf32> to vector<16xf32>
    %swap3A_40 = vector.shape_cast %broadcast_in_dim3A_36 : vector<16xf32> to vector<16xf32>
    tpu.vector_store %arg6[%swap3A_37], %swap3A_40 {strides = array<i32>} : memref<128xf32, #tpu.memory_space<vmem>>, vector<16xf32>,
    %broadcast_in_dim3A_41 = arith.constant 1.000000e+00 : f32
    %broadcast_in_dim3A_42 = vector.broadcast %broadcast_in_dim3A_41 : f32 to vector<16xf32>
    %swap3A_43 = arith.constant 112 : index
    %swap3A_44 = tpu.vector_load %arg6[%swap3A_43] {strides = array<i32>} : memref<128xf32, #tpu.memory_space<vmem>>, vector<16xf32>,
    %swap3A_45 = vector.shape_cast %swap3A_44 : vector<16xf32> to vector<16xf32>
    %swap3A_46 = vector.shape_cast %broadcast_in_dim3A_42 : vector<16xf32> to vector<16xf32>
    tpu.vector_store %arg6[%swap3A_43], %swap3A_46 {strides = array<i32>} : memref<128xf32, #tpu.memory_space<vmem>>, vector<16xf32>,
    "tpu.region"() ({
      %run_scoped3A = tpu.sem_alloc : memref<!tpu.dma_semaphore, #tpu.memory_space<semaphore_mem>>
      %dma_start3A = arith.constant 0 : i32
      %dma_start3A_53 = arith.constant 0 : i32
      %dma_start3A_54 = tpu.memref_slice %arg2[%arg0, %arg1, %dma_start3A, %dma_start3A_53] : memref<2x16x79x128xi32, #tpu.memory_space<hbm>> -> memref<1x1x79x128xi32, #tpu.memory_space<hbm>>
      %dma_start3A_55 = tpu.memref_squeeze %dma_start3A_54 : memref<1x1x79x128xi32, #tpu.memory_space<hbm>> -> memref<79x128xi32, #tpu.memory_space<hbm>>
      %dma_start3A_56 = arith.constant 0 : i32
      %dma_start3A_57 = arith.constant 0 : i32
      %dma_start3A_58 = tpu.memref_slice %arg2[%arg0, %arg1, %dma_start3A_56, %dma_start3A_57] : memref<2x16x79x128xi32, #tpu.memory_space<hbm>> -> memref<1x1x79x128xi32, #tpu.memory_space<hbm>>
      %dma_start3A_59 = tpu.memref_squeeze %dma_start3A_58 : memref<1x1x79x128xi32, #tpu.memory_space<hbm>> -> memref<79x128xi32, #tpu.memory_space<hbm>>
      tpu.enqueue_dma source(%dma_start3A_59 : memref<79x128xi32, #tpu.memory_space<hbm>>) target(%arg5 : memref<79x128xi32, #tpu.memory_space<vmem>>) target_semaphore(%run_scoped3A : memref<!tpu.dma_semaphore, #tpu.memory_space<semaphore_mem>>)
      %dma_wait3A = arith.constant 0 : i32
      %dma_wait3A_60 = arith.constant 0 : i32
      %dma_wait3A_61 = tpu.memref_slice %arg2[%arg0, %arg1, %dma_wait3A, %dma_wait3A_60] : memref<2x16x79x128xi32, #tpu.memory_space<hbm>> -> memref<1x1x79x128xi32, #tpu.memory_space<hbm>>
      %dma_wait3A_62 = tpu.memref_squeeze %dma_wait3A_61 : memref<1x1x79x128xi32, #tpu.memory_space<hbm>> -> memref<79x128xi32, #tpu.memory_space<hbm>>
      %dma_wait3A_63 = arith.constant 0 : i32
      %dma_wait3A_64 = arith.constant 0 : i32
      %dma_wait3A_65 = tpu.memref_slice %arg2[%arg0, %arg1, %dma_wait3A_63, %dma_wait3A_64] : memref<2x16x79x128xi32, #tpu.memory_space<hbm>> -> memref<1x1x79x128xi32, #tpu.memory_space<hbm>>
      %dma_wait3A_66 = tpu.memref_squeeze %dma_wait3A_65 : memref<1x1x79x128xi32, #tpu.memory_space<hbm>> -> memref<79x128xi32, #tpu.memory_space<hbm>>
      tpu.wait_dma2 semaphore(%run_scoped3A : memref<!tpu.dma_semaphore, #tpu.memory_space<semaphore_mem>>) src(%dma_wait3A_66 : memref<79x128xi32, #tpu.memory_space<hbm>>) dst(%arg5 : memref<79x128xi32, #tpu.memory_space<vmem>>)
      tpu.yield
    }) : () -> ()
    %barrier3A = arith.constant 0 : index
    tpu.barrier barrier_id(%barrier3A)
    %scan3A = arith.constant 0 : i32
    %scan3A_47 = arith.constant 0 : i32
    %scan3A_48 = arith.constant 79 : i32
    %scan3A_49 = arith.addi %scan3A_47, %scan3A_48 : i32
    %scan3A_50 = arith.constant 1 : i32
    scf.for %scan3A_53 = %scan3A_47 to %scan3A_49 step %scan3A_50  : i32 {
      "tpu.region"() ({
        %run_scoped3A = tpu.sem_alloc : memref<!tpu.dma_semaphore, #tpu.memory_space<semaphore_mem>>
        %dma_start3A = arith.constant 0 : i32
        %dma_start3A_54 = tpu.memref_slice %arg5[%scan3A_53, %dma_start3A] : memref<79x128xi32, #tpu.memory_space<vmem>> -> memref<1x128xi32, #tpu.memory_space<vmem>>
        %dma_start3A_55 = tpu.memref_squeeze %dma_start3A_54 : memref<1x128xi32, #tpu.memory_space<vmem>> -> memref<128xi32, #tpu.memory_space<vmem>>
        %dma_start3A_56 = arith.constant 0 : i32
        %dma_start3A_57 = tpu.memref_slice %arg7[%dma_start3A_56] : memref<10240xf32, #tpu.memory_space<vmem_shared>> -> memref<10240xf32, #tpu.memory_space<vmem_shared>>
        tpu.enqueue_indirect_dma source(%arg6 : memref<128xf32, #tpu.memory_space<vmem>>) target(%dma_start3A_57 : memref<10240xf32, #tpu.memory_space<vmem_shared>>) offsets(%dma_start3A_55 : memref<128xi32, #tpu.memory_space<vmem>>) semaphore(%run_scoped3A : memref<!tpu.dma_semaphore, #tpu.memory_space<semaphore_mem>>) {add = true}
        %dma_wait3A = arith.constant 0 : i32
        %dma_wait3A_58 = tpu.memref_slice %arg5[%scan3A_53, %dma_wait3A] : memref<79x128xi32, #tpu.memory_space<vmem>> -> memref<1x128xi32, #tpu.memory_space<vmem>>
        %dma_wait3A_59 = tpu.memref_squeeze %dma_wait3A_58 : memref<1x128xi32, #tpu.memory_space<vmem>> -> memref<128xi32, #tpu.memory_space<vmem>>
        %dma_wait3A_60 = arith.constant 0 : i32
        %dma_wait3A_61 = tpu.memref_slice %arg7[%dma_wait3A_60] : memref<10240xf32, #tpu.memory_space<vmem_shared>> -> memref<10240xf32, #tpu.memory_space<vmem_shared>>
        tpu.wait_indirect_dma semaphore(%run_scoped3A : memref<!tpu.dma_semaphore, #tpu.memory_space<semaphore_mem>>) src(%arg6 : memref<128xf32, #tpu.memory_space<vmem>>) dst(%dma_wait3A_61 : memref<10240xf32, #tpu.memory_space<vmem_shared>>)
        tpu.yield
      }) : () -> ()
    }
    %scan3A_51 = arith.constant 79 : i32
    %barrier3A_52 = arith.constant 0 : index
    tpu.barrier barrier_id(%barrier3A_52)
    "tpu.region"() ({
      %run_scoped3A = tpu.sem_alloc : memref<!tpu.dma_semaphore, #tpu.memory_space<semaphore_mem>>
      %dma_start3A = tpu.memref_slice %arg4[%arg0, %mul3A_0] : memref<2x10240xf32, #tpu.memory_space<hbm>> -> memref<1x640xf32, #tpu.memory_space<hbm>>
      %dma_start3A_53 = tpu.memref_squeeze %dma_start3A : memref<1x640xf32, #tpu.memory_space<hbm>> -> memref<640xf32, #tpu.memory_space<hbm>>
      %dma_start3A_54 = tpu.memref_slice %arg7[%mul3A_0] : memref<10240xf32, #tpu.memory_space<vmem_shared>> -> memref<640xf32, #tpu.memory_space<vmem_shared>>
      tpu.enqueue_dma source(%dma_start3A_54 : memref<640xf32, #tpu.memory_space<vmem_shared>>) target(%dma_start3A_53 : memref<640xf32, #tpu.memory_space<hbm>>) target_semaphore(%run_scoped3A : memref<!tpu.dma_semaphore, #tpu.memory_space<semaphore_mem>>)
      %dma_wait3A = tpu.memref_slice %arg4[%arg0, %mul3A_0] : memref<2x10240xf32, #tpu.memory_space<hbm>> -> memref<1x640xf32, #tpu.memory_space<hbm>>
      %dma_wait3A_55 = tpu.memref_squeeze %dma_wait3A : memref<1x640xf32, #tpu.memory_space<hbm>> -> memref<640xf32, #tpu.memory_space<hbm>>
      %dma_wait3A_56 = tpu.memref_slice %arg7[%mul3A_0] : memref<10240xf32, #tpu.memory_space<vmem_shared>> -> memref<640xf32, #tpu.memory_space<vmem_shared>>
      tpu.wait_dma2 semaphore(%run_scoped3A : memref<!tpu.dma_semaphore, #tpu.memory_space<semaphore_mem>>) src(%dma_wait3A_56 : memref<640xf32, #tpu.memory_space<vmem_shared>>) dst(%dma_wait3A_55 : memref<640xf32, #tpu.memory_space<hbm>>)
      tpu.yield
    }) : () -> ()
    return
  }
}

#map = affine_map<(d0, d1) -> (0, 0)>
#map1 = affine_map<(d0, d1) -> (0, 0, 0, 0)>
#map2 = affine_map<(d0, d1) -> (0, 0, 0)>
module attributes {stable_mosaic.version = 14 : i64} {
  func.func @prop_k(%arg0: i32, %arg1: i32, %arg2: memref<10240x128xf32, #tpu.memory_space<hbm>>, %arg3: memref<2x16x79x128xi32, #tpu.memory_space<hbm>>, %arg4: memref<10240x128xf32, #tpu.memory_space<hbm>>, %arg5: memref<2x10240x128xf32, #tpu.memory_space<hbm>>, %arg6: memref<79x128xi32, #tpu.memory_space<vmem>>, %arg7: memref<128xi32, #tpu.memory_space<vmem>>, %arg8: memref<128xi32, #tpu.memory_space<vmem>>, %arg9: memref<128xi32, #tpu.memory_space<vmem>>, %arg10: memref<128xi32, #tpu.memory_space<vmem>>, %arg11: memref<128x128xf32, #tpu.memory_space<vmem>>, %arg12: memref<128x128xf32, #tpu.memory_space<vmem>>, %arg13: memref<10240x128xf32, #tpu.memory_space<vmem_shared>>, %arg14: memref<!tpu.dma_semaphore, #tpu.memory_space<semaphore_mem>>, %arg15: memref<!tpu.dma_semaphore, #tpu.memory_space<semaphore_mem>>, %arg16: memref<!tpu.dma_semaphore, #tpu.memory_space<semaphore_mem>>) attributes {dimension_semantics = [#tpu.dimension_semantics<core_parallel>, #tpu.dimension_semantics<subcore_parallel>], iteration_bounds = array<i64: 2, 16>, scalar_prefetch = 0 : i64, scratch_operands = 11 : i64, tpu.core_type = #tpu.core_type<sc_vector_subcore>, window_params = [{transform_indices = #map}, {transform_indices = #map1}, {transform_indices = #map}, {transform_indices = #map2}]} {
    %mul3A = arith.constant 640 : i32
    %mul3A_0 = arith.muli %arg1, %mul3A : i32
    "tpu.region"() ({
      %run_scoped3A = tpu.sem_alloc : memref<!tpu.dma_semaphore, #tpu.memory_space<semaphore_mem>>
      %dma_start3A_167 = arith.constant 0 : i32
      %dma_start3A_168 = arith.constant 0 : i32
      %dma_start3A_169 = tpu.memref_slice %arg3[%arg0, %arg1, %dma_start3A_167, %dma_start3A_168] : memref<2x16x79x128xi32, #tpu.memory_space<hbm>> -> memref<1x1x79x128xi32, #tpu.memory_space<hbm>>
      %dma_start3A_170 = tpu.memref_squeeze %dma_start3A_169 : memref<1x1x79x128xi32, #tpu.memory_space<hbm>> -> memref<79x128xi32, #tpu.memory_space<hbm>>
      %dma_start3A_171 = arith.constant 0 : i32
      %dma_start3A_172 = arith.constant 0 : i32
      %dma_start3A_173 = tpu.memref_slice %arg3[%arg0, %arg1, %dma_start3A_171, %dma_start3A_172] : memref<2x16x79x128xi32, #tpu.memory_space<hbm>> -> memref<1x1x79x128xi32, #tpu.memory_space<hbm>>
      %dma_start3A_174 = tpu.memref_squeeze %dma_start3A_173 : memref<1x1x79x128xi32, #tpu.memory_space<hbm>> -> memref<79x128xi32, #tpu.memory_space<hbm>>
      tpu.enqueue_dma source(%dma_start3A_174 : memref<79x128xi32, #tpu.memory_space<hbm>>) target(%arg6 : memref<79x128xi32, #tpu.memory_space<vmem>>) target_semaphore(%run_scoped3A : memref<!tpu.dma_semaphore, #tpu.memory_space<semaphore_mem>>)
      %dma_wait3A_175 = arith.constant 0 : i32
      %dma_wait3A_176 = arith.constant 0 : i32
      %dma_wait3A_177 = tpu.memref_slice %arg3[%arg0, %arg1, %dma_wait3A_175, %dma_wait3A_176] : memref<2x16x79x128xi32, #tpu.memory_space<hbm>> -> memref<1x1x79x128xi32, #tpu.memory_space<hbm>>
      %dma_wait3A_178 = tpu.memref_squeeze %dma_wait3A_177 : memref<1x1x79x128xi32, #tpu.memory_space<hbm>> -> memref<79x128xi32, #tpu.memory_space<hbm>>
      %dma_wait3A_179 = arith.constant 0 : i32
      %dma_wait3A_180 = arith.constant 0 : i32
      %dma_wait3A_181 = tpu.memref_slice %arg3[%arg0, %arg1, %dma_wait3A_179, %dma_wait3A_180] : memref<2x16x79x128xi32, #tpu.memory_space<hbm>> -> memref<1x1x79x128xi32, #tpu.memory_space<hbm>>
      %dma_wait3A_182 = tpu.memref_squeeze %dma_wait3A_181 : memref<1x1x79x128xi32, #tpu.memory_space<hbm>> -> memref<79x128xi32, #tpu.memory_space<hbm>>
      tpu.wait_dma2 semaphore(%run_scoped3A : memref<!tpu.dma_semaphore, #tpu.memory_space<semaphore_mem>>) src(%dma_wait3A_182 : memref<79x128xi32, #tpu.memory_space<hbm>>) dst(%arg6 : memref<79x128xi32, #tpu.memory_space<vmem>>)
      tpu.yield
    }) : () -> ()
    %dma_start3A = arith.constant 0 : i32
    %dma_start3A_1 = tpu.memref_slice %arg13[%mul3A_0, %dma_start3A] : memref<10240x128xf32, #tpu.memory_space<vmem_shared>> -> memref<640x128xf32, #tpu.memory_space<vmem_shared>>
    %dma_start3A_2 = arith.constant 0 : i32
    %dma_start3A_3 = tpu.memref_slice %arg4[%mul3A_0, %dma_start3A_2] : memref<10240x128xf32, #tpu.memory_space<hbm>> -> memref<640x128xf32, #tpu.memory_space<hbm>>
    tpu.enqueue_dma source(%dma_start3A_3 : memref<640x128xf32, #tpu.memory_space<hbm>>) target(%dma_start3A_1 : memref<640x128xf32, #tpu.memory_space<vmem_shared>>) target_semaphore(%arg16 : memref<!tpu.dma_semaphore, #tpu.memory_space<semaphore_mem>>)
    %get3A = arith.constant 0 : i32
    %get3A_4 = arith.index_cast %get3A : i32 to index
    %get3A_5 = arith.constant 0 : index
    %get3A_6 = tpu.vector_load %arg6[%get3A_4, %get3A_5] {strides = array<i32>} : memref<79x128xi32, #tpu.memory_space<vmem>>, vector<1x16xi32>,
    %get3A_7 = vector.shape_cast %get3A_6 : vector<1x16xi32> to vector<16xi32>
    %and3A = arith.constant 65535 : i32
    %and3A_8 = vector.broadcast %and3A : i32 to vector<16xi32>
    %and3A_9 = arith.andi %get3A_7, %and3A_8 : vector<16xi32>
    %swap3A = arith.constant 0 : index
    %swap3A_10 = tpu.vector_load %arg7[%swap3A] {strides = array<i32>} : memref<128xi32, #tpu.memory_space<vmem>>, vector<16xi32>,
    %swap3A_11 = vector.shape_cast %swap3A_10 : vector<16xi32> to vector<16xi32>
    %swap3A_12 = vector.shape_cast %and3A_9 : vector<16xi32> to vector<16xi32>
    tpu.vector_store %arg7[%swap3A], %swap3A_12 {strides = array<i32>} : memref<128xi32, #tpu.memory_space<vmem>>, vector<16xi32>,
    %shift_right_logical3A = arith.constant 16 : i32
    %shift_right_logical3A_13 = vector.broadcast %shift_right_logical3A : i32 to vector<16xi32>
    %shift_right_logical3A_14 = arith.shrui %get3A_7, %shift_right_logical3A_13 : vector<16xi32>
    %swap3A_15 = arith.constant 0 : index
    %swap3A_16 = tpu.vector_load %arg9[%swap3A_15] {strides = array<i32>} : memref<128xi32, #tpu.memory_space<vmem>>, vector<16xi32>,
    %swap3A_17 = vector.shape_cast %swap3A_16 : vector<16xi32> to vector<16xi32>
    %swap3A_18 = vector.shape_cast %shift_right_logical3A_14 : vector<16xi32> to vector<16xi32>
    tpu.vector_store %arg9[%swap3A_15], %swap3A_18 {strides = array<i32>} : memref<128xi32, #tpu.memory_space<vmem>>, vector<16xi32>,
    %get3A_19 = arith.constant 0 : i32
    %get3A_20 = arith.index_cast %get3A_19 : i32 to index
    %get3A_21 = arith.constant 16 : index
    %get3A_22 = tpu.vector_load %arg6[%get3A_20, %get3A_21] {strides = array<i32>} : memref<79x128xi32, #tpu.memory_space<vmem>>, vector<1x16xi32>,
    %get3A_23 = vector.shape_cast %get3A_22 : vector<1x16xi32> to vector<16xi32>
    %and3A_24 = arith.constant 65535 : i32
    %and3A_25 = vector.broadcast %and3A_24 : i32 to vector<16xi32>
    %and3A_26 = arith.andi %get3A_23, %and3A_25 : vector<16xi32>
    %swap3A_27 = arith.constant 16 : index
    %swap3A_28 = tpu.vector_load %arg7[%swap3A_27] {strides = array<i32>} : memref<128xi32, #tpu.memory_space<vmem>>, vector<16xi32>,
    %swap3A_29 = vector.shape_cast %swap3A_28 : vector<16xi32> to vector<16xi32>
    %swap3A_30 = vector.shape_cast %and3A_26 : vector<16xi32> to vector<16xi32>
    tpu.vector_store %arg7[%swap3A_27], %swap3A_30 {strides = array<i32>} : memref<128xi32, #tpu.memory_space<vmem>>, vector<16xi32>,
    %shift_right_logical3A_31 = arith.constant 16 : i32
    %shift_right_logical3A_32 = vector.broadcast %shift_right_logical3A_31 : i32 to vector<16xi32>
    %shift_right_logical3A_33 = arith.shrui %get3A_23, %shift_right_logical3A_32 : vector<16xi32>
    %swap3A_34 = arith.constant 16 : index
    %swap3A_35 = tpu.vector_load %arg9[%swap3A_34] {strides = array<i32>} : memref<128xi32, #tpu.memory_space<vmem>>, vector<16xi32>,
    %swap3A_36 = vector.shape_cast %swap3A_35 : vector<16xi32> to vector<16xi32>
    %swap3A_37 = vector.shape_cast %shift_right_logical3A_33 : vector<16xi32> to vector<16xi32>
    tpu.vector_store %arg9[%swap3A_34], %swap3A_37 {strides = array<i32>} : memref<128xi32, #tpu.memory_space<vmem>>, vector<16xi32>,
    %get3A_38 = arith.constant 0 : i32
    %get3A_39 = arith.index_cast %get3A_38 : i32 to index
    %get3A_40 = arith.constant 32 : index
    %get3A_41 = tpu.vector_load %arg6[%get3A_39, %get3A_40] {strides = array<i32>} : memref<79x128xi32, #tpu.memory_space<vmem>>, vector<1x16xi32>,
    %get3A_42 = vector.shape_cast %get3A_41 : vector<1x16xi32> to vector<16xi32>
    %and3A_43 = arith.constant 65535 : i32
    %and3A_44 = vector.broadcast %and3A_43 : i32 to vector<16xi32>
    %and3A_45 = arith.andi %get3A_42, %and3A_44 : vector<16xi32>
    %swap3A_46 = arith.constant 32 : index
    %swap3A_47 = tpu.vector_load %arg7[%swap3A_46] {strides = array<i32>} : memref<128xi32, #tpu.memory_space<vmem>>, vector<16xi32>,
    %swap3A_48 = vector.shape_cast %swap3A_47 : vector<16xi32> to vector<16xi32>
    %swap3A_49 = vector.shape_cast %and3A_45 : vector<16xi32> to vector<16xi32>
    tpu.vector_store %arg7[%swap3A_46], %swap3A_49 {strides = array<i32>} : memref<128xi32, #tpu.memory_space<vmem>>, vector<16xi32>,
    %shift_right_logical3A_50 = arith.constant 16 : i32
    %shift_right_logical3A_51 = vector.broadcast %shift_right_logical3A_50 : i32 to vector<16xi32>
    %shift_right_logical3A_52 = arith.shrui %get3A_42, %shift_right_logical3A_51 : vector<16xi32>
    %swap3A_53 = arith.constant 32 : index
    %swap3A_54 = tpu.vector_load %arg9[%swap3A_53] {strides = array<i32>} : memref<128xi32, #tpu.memory_space<vmem>>, vector<16xi32>,
    %swap3A_55 = vector.shape_cast %swap3A_54 : vector<16xi32> to vector<16xi32>
    %swap3A_56 = vector.shape_cast %shift_right_logical3A_52 : vector<16xi32> to vector<16xi32>
    tpu.vector_store %arg9[%swap3A_53], %swap3A_56 {strides = array<i32>} : memref<128xi32, #tpu.memory_space<vmem>>, vector<16xi32>,
    %get3A_57 = arith.constant 0 : i32
    %get3A_58 = arith.index_cast %get3A_57 : i32 to index
    %get3A_59 = arith.constant 48 : index
    %get3A_60 = tpu.vector_load %arg6[%get3A_58, %get3A_59] {strides = array<i32>} : memref<79x128xi32, #tpu.memory_space<vmem>>, vector<1x16xi32>,
    %get3A_61 = vector.shape_cast %get3A_60 : vector<1x16xi32> to vector<16xi32>
    %and3A_62 = arith.constant 65535 : i32
    %and3A_63 = vector.broadcast %and3A_62 : i32 to vector<16xi32>
    %and3A_64 = arith.andi %get3A_61, %and3A_63 : vector<16xi32>
    %swap3A_65 = arith.constant 48 : index
    %swap3A_66 = tpu.vector_load %arg7[%swap3A_65] {strides = array<i32>} : memref<128xi32, #tpu.memory_space<vmem>>, vector<16xi32>,
    %swap3A_67 = vector.shape_cast %swap3A_66 : vector<16xi32> to vector<16xi32>
    %swap3A_68 = vector.shape_cast %and3A_64 : vector<16xi32> to vector<16xi32>
    tpu.vector_store %arg7[%swap3A_65], %swap3A_68 {strides = array<i32>} : memref<128xi32, #tpu.memory_space<vmem>>, vector<16xi32>,
    %shift_right_logical3A_69 = arith.constant 16 : i32
    %shift_right_logical3A_70 = vector.broadcast %shift_right_logical3A_69 : i32 to vector<16xi32>
    %shift_right_logical3A_71 = arith.shrui %get3A_61, %shift_right_logical3A_70 : vector<16xi32>
    %swap3A_72 = arith.constant 48 : index
    %swap3A_73 = tpu.vector_load %arg9[%swap3A_72] {strides = array<i32>} : memref<128xi32, #tpu.memory_space<vmem>>, vector<16xi32>,
    %swap3A_74 = vector.shape_cast %swap3A_73 : vector<16xi32> to vector<16xi32>
    %swap3A_75 = vector.shape_cast %shift_right_logical3A_71 : vector<16xi32> to vector<16xi32>
    tpu.vector_store %arg9[%swap3A_72], %swap3A_75 {strides = array<i32>} : memref<128xi32, #tpu.memory_space<vmem>>, vector<16xi32>,
    %get3A_76 = arith.constant 0 : i32
    %get3A_77 = arith.index_cast %get3A_76 : i32 to index
    %get3A_78 = arith.constant 64 : index
    %get3A_79 = tpu.vector_load %arg6[%get3A_77, %get3A_78] {strides = array<i32>} : memref<79x128xi32, #tpu.memory_space<vmem>>, vector<1x16xi32>,
    %get3A_80 = vector.shape_cast %get3A_79 : vector<1x16xi32> to vector<16xi32>
    %and3A_81 = arith.constant 65535 : i32
    %and3A_82 = vector.broadcast %and3A_81 : i32 to vector<16xi32>
    %and3A_83 = arith.andi %get3A_80, %and3A_82 : vector<16xi32>
    %swap3A_84 = arith.constant 64 : index
    %swap3A_85 = tpu.vector_load %arg7[%swap3A_84] {strides = array<i32>} : memref<128xi32, #tpu.memory_space<vmem>>, vector<16xi32>,
    %swap3A_86 = vector.shape_cast %swap3A_85 : vector<16xi32> to vector<16xi32>
    %swap3A_87 = vector.shape_cast %and3A_83 : vector<16xi32> to vector<16xi32>
    tpu.vector_store %arg7[%swap3A_84], %swap3A_87 {strides = array<i32>} : memref<128xi32, #tpu.memory_space<vmem>>, vector<16xi32>,
    %shift_right_logical3A_88 = arith.constant 16 : i32
    %shift_right_logical3A_89 = vector.broadcast %shift_right_logical3A_88 : i32 to vector<16xi32>
    %shift_right_logical3A_90 = arith.shrui %get3A_80, %shift_right_logical3A_89 : vector<16xi32>
    %swap3A_91 = arith.constant 64 : index
    %swap3A_92 = tpu.vector_load %arg9[%swap3A_91] {strides = array<i32>} : memref<128xi32, #tpu.memory_space<vmem>>, vector<16xi32>,
    %swap3A_93 = vector.shape_cast %swap3A_92 : vector<16xi32> to vector<16xi32>
    %swap3A_94 = vector.shape_cast %shift_right_logical3A_90 : vector<16xi32> to vector<16xi32>
    tpu.vector_store %arg9[%swap3A_91], %swap3A_94 {strides = array<i32>} : memref<128xi32, #tpu.memory_space<vmem>>, vector<16xi32>,
    %get3A_95 = arith.constant 0 : i32
    %get3A_96 = arith.index_cast %get3A_95 : i32 to index
    %get3A_97 = arith.constant 80 : index
    %get3A_98 = tpu.vector_load %arg6[%get3A_96, %get3A_97] {strides = array<i32>} : memref<79x128xi32, #tpu.memory_space<vmem>>, vector<1x16xi32>,
    %get3A_99 = vector.shape_cast %get3A_98 : vector<1x16xi32> to vector<16xi32>
    %and3A_100 = arith.constant 65535 : i32
    %and3A_101 = vector.broadcast %and3A_100 : i32 to vector<16xi32>
    %and3A_102 = arith.andi %get3A_99, %and3A_101 : vector<16xi32>
    %swap3A_103 = arith.constant 80 : index
    %swap3A_104 = tpu.vector_load %arg7[%swap3A_103] {strides = array<i32>} : memref<128xi32, #tpu.memory_space<vmem>>, vector<16xi32>,
    %swap3A_105 = vector.shape_cast %swap3A_104 : vector<16xi32> to vector<16xi32>
    %swap3A_106 = vector.shape_cast %and3A_102 : vector<16xi32> to vector<16xi32>
    tpu.vector_store %arg7[%swap3A_103], %swap3A_106 {strides = array<i32>} : memref<128xi32, #tpu.memory_space<vmem>>, vector<16xi32>,
    %shift_right_logical3A_107 = arith.constant 16 : i32
    %shift_right_logical3A_108 = vector.broadcast %shift_right_logical3A_107 : i32 to vector<16xi32>
    %shift_right_logical3A_109 = arith.shrui %get3A_99, %shift_right_logical3A_108 : vector<16xi32>
    %swap3A_110 = arith.constant 80 : index
    %swap3A_111 = tpu.vector_load %arg9[%swap3A_110] {strides = array<i32>} : memref<128xi32, #tpu.memory_space<vmem>>, vector<16xi32>,
    %swap3A_112 = vector.shape_cast %swap3A_111 : vector<16xi32> to vector<16xi32>
    %swap3A_113 = vector.shape_cast %shift_right_logical3A_109 : vector<16xi32> to vector<16xi32>
    tpu.vector_store %arg9[%swap3A_110], %swap3A_113 {strides = array<i32>} : memref<128xi32, #tpu.memory_space<vmem>>, vector<16xi32>,
    %get3A_114 = arith.constant 0 : i32
    %get3A_115 = arith.index_cast %get3A_114 : i32 to index
    %get3A_116 = arith.constant 96 : index
    %get3A_117 = tpu.vector_load %arg6[%get3A_115, %get3A_116] {strides = array<i32>} : memref<79x128xi32, #tpu.memory_space<vmem>>, vector<1x16xi32>,
    %get3A_118 = vector.shape_cast %get3A_117 : vector<1x16xi32> to vector<16xi32>
    %and3A_119 = arith.constant 65535 : i32
    %and3A_120 = vector.broadcast %and3A_119 : i32 to vector<16xi32>
    %and3A_121 = arith.andi %get3A_118, %and3A_120 : vector<16xi32>
    %swap3A_122 = arith.constant 96 : index
    %swap3A_123 = tpu.vector_load %arg7[%swap3A_122] {strides = array<i32>} : memref<128xi32, #tpu.memory_space<vmem>>, vector<16xi32>,
    %swap3A_124 = vector.shape_cast %swap3A_123 : vector<16xi32> to vector<16xi32>
    %swap3A_125 = vector.shape_cast %and3A_121 : vector<16xi32> to vector<16xi32>
    tpu.vector_store %arg7[%swap3A_122], %swap3A_125 {strides = array<i32>} : memref<128xi32, #tpu.memory_space<vmem>>, vector<16xi32>,
    %shift_right_logical3A_126 = arith.constant 16 : i32
    %shift_right_logical3A_127 = vector.broadcast %shift_right_logical3A_126 : i32 to vector<16xi32>
    %shift_right_logical3A_128 = arith.shrui %get3A_118, %shift_right_logical3A_127 : vector<16xi32>
    %swap3A_129 = arith.constant 96 : index
    %swap3A_130 = tpu.vector_load %arg9[%swap3A_129] {strides = array<i32>} : memref<128xi32, #tpu.memory_space<vmem>>, vector<16xi32>,
    %swap3A_131 = vector.shape_cast %swap3A_130 : vector<16xi32> to vector<16xi32>
    %swap3A_132 = vector.shape_cast %shift_right_logical3A_128 : vector<16xi32> to vector<16xi32>
    tpu.vector_store %arg9[%swap3A_129], %swap3A_132 {strides = array<i32>} : memref<128xi32, #tpu.memory_space<vmem>>, vector<16xi32>,
    %get3A_133 = arith.constant 0 : i32
    %get3A_134 = arith.index_cast %get3A_133 : i32 to index
    %get3A_135 = arith.constant 112 : index
    %get3A_136 = tpu.vector_load %arg6[%get3A_134, %get3A_135] {strides = array<i32>} : memref<79x128xi32, #tpu.memory_space<vmem>>, vector<1x16xi32>,
    %get3A_137 = vector.shape_cast %get3A_136 : vector<1x16xi32> to vector<16xi32>
    %and3A_138 = arith.constant 65535 : i32
    %and3A_139 = vector.broadcast %and3A_138 : i32 to vector<16xi32>
    %and3A_140 = arith.andi %get3A_137, %and3A_139 : vector<16xi32>
    %swap3A_141 = arith.constant 112 : index
    %swap3A_142 = tpu.vector_load %arg7[%swap3A_141] {strides = array<i32>} : memref<128xi32, #tpu.memory_space<vmem>>, vector<16xi32>,
    %swap3A_143 = vector.shape_cast %swap3A_142 : vector<16xi32> to vector<16xi32>
    %swap3A_144 = vector.shape_cast %and3A_140 : vector<16xi32> to vector<16xi32>
    tpu.vector_store %arg7[%swap3A_141], %swap3A_144 {strides = array<i32>} : memref<128xi32, #tpu.memory_space<vmem>>, vector<16xi32>,
    %shift_right_logical3A_145 = arith.constant 16 : i32
    %shift_right_logical3A_146 = vector.broadcast %shift_right_logical3A_145 : i32 to vector<16xi32>
    %shift_right_logical3A_147 = arith.shrui %get3A_137, %shift_right_logical3A_146 : vector<16xi32>
    %swap3A_148 = arith.constant 112 : index
    %swap3A_149 = tpu.vector_load %arg9[%swap3A_148] {strides = array<i32>} : memref<128xi32, #tpu.memory_space<vmem>>, vector<16xi32>,
    %swap3A_150 = vector.shape_cast %swap3A_149 : vector<16xi32> to vector<16xi32>
    %swap3A_151 = vector.shape_cast %shift_right_logical3A_147 : vector<16xi32> to vector<16xi32>
    tpu.vector_store %arg9[%swap3A_148], %swap3A_151 {strides = array<i32>} : memref<128xi32, #tpu.memory_space<vmem>>, vector<16xi32>,
    %dma_start3A_152 = arith.constant 0 : i32
    %dma_start3A_153 = arith.constant 0 : i32
    %dma_start3A_154 = tpu.memref_slice %arg2[%dma_start3A_152, %dma_start3A_153] : memref<10240x128xf32, #tpu.memory_space<hbm>> -> memref<10240x128xf32, #tpu.memory_space<hbm>>
    tpu.enqueue_indirect_dma source(%dma_start3A_154 : memref<10240x128xf32, #tpu.memory_space<hbm>>) target(%arg11 : memref<128x128xf32, #tpu.memory_space<vmem>>) offsets(%arg7 : memref<128xi32, #tpu.memory_space<vmem>>) semaphore(%arg14 : memref<!tpu.dma_semaphore, #tpu.memory_space<semaphore_mem>>)
    %dma_wait3A = arith.constant 0 : i32
    %dma_wait3A_155 = tpu.memref_slice %arg13[%mul3A_0, %dma_wait3A] : memref<10240x128xf32, #tpu.memory_space<vmem_shared>> -> memref<640x128xf32, #tpu.memory_space<vmem_shared>>
    %dma_wait3A_156 = arith.constant 0 : i32
    %dma_wait3A_157 = tpu.memref_slice %arg4[%mul3A_0, %dma_wait3A_156] : memref<10240x128xf32, #tpu.memory_space<hbm>> -> memref<640x128xf32, #tpu.memory_space<hbm>>
    tpu.wait_dma2 semaphore(%arg16 : memref<!tpu.dma_semaphore, #tpu.memory_space<semaphore_mem>>) src(%dma_wait3A_157 : memref<640x128xf32, #tpu.memory_space<hbm>>) dst(%dma_wait3A_155 : memref<640x128xf32, #tpu.memory_space<vmem_shared>>)
    %barrier3A = arith.constant 0 : index
    tpu.barrier barrier_id(%barrier3A)
    %scan3A = arith.constant 0 : i32
    %scan3A_158 = arith.constant 0 : i32
    %scan3A_159 = arith.constant 39 : i32
    %scan3A_160 = arith.addi %scan3A_158, %scan3A_159 : i32
    %scan3A_161 = arith.constant 1 : i32
    scf.for %scan3A_167 = %scan3A_158 to %scan3A_160 step %scan3A_161  : i32 {
      %mul3A_168 = arith.constant 2 : i32
      %mul3A_169 = arith.muli %mul3A_168, %scan3A_167 : i32
      %add3A = arith.constant 1 : i32
      %add3A_170 = arith.addi %mul3A_169, %add3A : i32
      %get3A_171 = arith.index_cast %add3A_170 : i32 to index
      %get3A_172 = arith.constant 0 : index
      %get3A_173 = tpu.vector_load %arg6[%get3A_171, %get3A_172] {strides = array<i32>} : memref<79x128xi32, #tpu.memory_space<vmem>>, vector<1x16xi32>,
      %get3A_174 = vector.shape_cast %get3A_173 : vector<1x16xi32> to vector<16xi32>
      %and3A_175 = arith.constant 65535 : i32
      %and3A_176 = vector.broadcast %and3A_175 : i32 to vector<16xi32>
      %and3A_177 = arith.andi %get3A_174, %and3A_176 : vector<16xi32>
      %swap3A_178 = arith.constant 0 : index
      %swap3A_179 = tpu.vector_load %arg8[%swap3A_178] {strides = array<i32>} : memref<128xi32, #tpu.memory_space<vmem>>, vector<16xi32>,
      %swap3A_180 = vector.shape_cast %swap3A_179 : vector<16xi32> to vector<16xi32>
      %swap3A_181 = vector.shape_cast %and3A_177 : vector<16xi32> to vector<16xi32>
      tpu.vector_store %arg8[%swap3A_178], %swap3A_181 {strides = array<i32>} : memref<128xi32, #tpu.memory_space<vmem>>, vector<16xi32>,
      %shift_right_logical3A_182 = arith.constant 16 : i32
      %shift_right_logical3A_183 = vector.broadcast %shift_right_logical3A_182 : i32 to vector<16xi32>
      %shift_right_logical3A_184 = arith.shrui %get3A_174, %shift_right_logical3A_183 : vector<16xi32>
      %swap3A_185 = arith.constant 0 : index
      %swap3A_186 = tpu.vector_load %arg10[%swap3A_185] {strides = array<i32>} : memref<128xi32, #tpu.memory_space<vmem>>, vector<16xi32>,
      %swap3A_187 = vector.shape_cast %swap3A_186 : vector<16xi32> to vector<16xi32>
      %swap3A_188 = vector.shape_cast %shift_right_logical3A_184 : vector<16xi32> to vector<16xi32>
      tpu.vector_store %arg10[%swap3A_185], %swap3A_188 {strides = array<i32>} : memref<128xi32, #tpu.memory_space<vmem>>, vector<16xi32>,
      %get3A_189 = arith.index_cast %add3A_170 : i32 to index
      %get3A_190 = arith.constant 16 : index
      %get3A_191 = tpu.vector_load %arg6[%get3A_189, %get3A_190] {strides = array<i32>} : memref<79x128xi32, #tpu.memory_space<vmem>>, vector<1x16xi32>,
      %get3A_192 = vector.shape_cast %get3A_191 : vector<1x16xi32> to vector<16xi32>
      %and3A_193 = arith.constant 65535 : i32
      %and3A_194 = vector.broadcast %and3A_193 : i32 to vector<16xi32>
      %and3A_195 = arith.andi %get3A_192, %and3A_194 : vector<16xi32>
      %swap3A_196 = arith.constant 16 : index
      %swap3A_197 = tpu.vector_load %arg8[%swap3A_196] {strides = array<i32>} : memref<128xi32, #tpu.memory_space<vmem>>, vector<16xi32>,
      %swap3A_198 = vector.shape_cast %swap3A_197 : vector<16xi32> to vector<16xi32>
      %swap3A_199 = vector.shape_cast %and3A_195 : vector<16xi32> to vector<16xi32>
      tpu.vector_store %arg8[%swap3A_196], %swap3A_199 {strides = array<i32>} : memref<128xi32, #tpu.memory_space<vmem>>, vector<16xi32>,
      %shift_right_logical3A_200 = arith.constant 16 : i32
      %shift_right_logical3A_201 = vector.broadcast %shift_right_logical3A_200 : i32 to vector<16xi32>
      %shift_right_logical3A_202 = arith.shrui %get3A_192, %shift_right_logical3A_201 : vector<16xi32>
      %swap3A_203 = arith.constant 16 : index
      %swap3A_204 = tpu.vector_load %arg10[%swap3A_203] {strides = array<i32>} : memref<128xi32, #tpu.memory_space<vmem>>, vector<16xi32>,
      %swap3A_205 = vector.shape_cast %swap3A_204 : vector<16xi32> to vector<16xi32>
      %swap3A_206 = vector.shape_cast %shift_right_logical3A_202 : vector<16xi32> to vector<16xi32>
      tpu.vector_store %arg10[%swap3A_203], %swap3A_206 {strides = array<i32>} : memref<128xi32, #tpu.memory_space<vmem>>, vector<16xi32>,
      %get3A_207 = arith.index_cast %add3A_170 : i32 to index
      %get3A_208 = arith.constant 32 : index
      %get3A_209 = tpu.vector_load %arg6[%get3A_207, %get3A_208] {strides = array<i32>} : memref<79x128xi32, #tpu.memory_space<vmem>>, vector<1x16xi32>,
      %get3A_210 = vector.shape_cast %get3A_209 : vector<1x16xi32> to vector<16xi32>
      %and3A_211 = arith.constant 65535 : i32
      %and3A_212 = vector.broadcast %and3A_211 : i32 to vector<16xi32>
      %and3A_213 = arith.andi %get3A_210, %and3A_212 : vector<16xi32>
      %swap3A_214 = arith.constant 32 : index
      %swap3A_215 = tpu.vector_load %arg8[%swap3A_214] {strides = array<i32>} : memref<128xi32, #tpu.memory_space<vmem>>, vector<16xi32>,
      %swap3A_216 = vector.shape_cast %swap3A_215 : vector<16xi32> to vector<16xi32>
      %swap3A_217 = vector.shape_cast %and3A_213 : vector<16xi32> to vector<16xi32>
      tpu.vector_store %arg8[%swap3A_214], %swap3A_217 {strides = array<i32>} : memref<128xi32, #tpu.memory_space<vmem>>, vector<16xi32>,
      %shift_right_logical3A_218 = arith.constant 16 : i32
      %shift_right_logical3A_219 = vector.broadcast %shift_right_logical3A_218 : i32 to vector<16xi32>
      %shift_right_logical3A_220 = arith.shrui %get3A_210, %shift_right_logical3A_219 : vector<16xi32>
      %swap3A_221 = arith.constant 32 : index
      %swap3A_222 = tpu.vector_load %arg10[%swap3A_221] {strides = array<i32>} : memref<128xi32, #tpu.memory_space<vmem>>, vector<16xi32>,
      %swap3A_223 = vector.shape_cast %swap3A_222 : vector<16xi32> to vector<16xi32>
      %swap3A_224 = vector.shape_cast %shift_right_logical3A_220 : vector<16xi32> to vector<16xi32>
      tpu.vector_store %arg10[%swap3A_221], %swap3A_224 {strides = array<i32>} : memref<128xi32, #tpu.memory_space<vmem>>, vector<16xi32>,
      %get3A_225 = arith.index_cast %add3A_170 : i32 to index
      %get3A_226 = arith.constant 48 : index
      %get3A_227 = tpu.vector_load %arg6[%get3A_225, %get3A_226] {strides = array<i32>} : memref<79x128xi32, #tpu.memory_space<vmem>>, vector<1x16xi32>,
      %get3A_228 = vector.shape_cast %get3A_227 : vector<1x16xi32> to vector<16xi32>
      %and3A_229 = arith.constant 65535 : i32
      %and3A_230 = vector.broadcast %and3A_229 : i32 to vector<16xi32>
      %and3A_231 = arith.andi %get3A_228, %and3A_230 : vector<16xi32>
      %swap3A_232 = arith.constant 48 : index
      %swap3A_233 = tpu.vector_load %arg8[%swap3A_232] {strides = array<i32>} : memref<128xi32, #tpu.memory_space<vmem>>, vector<16xi32>,
      %swap3A_234 = vector.shape_cast %swap3A_233 : vector<16xi32> to vector<16xi32>
      %swap3A_235 = vector.shape_cast %and3A_231 : vector<16xi32> to vector<16xi32>
      tpu.vector_store %arg8[%swap3A_232], %swap3A_235 {strides = array<i32>} : memref<128xi32, #tpu.memory_space<vmem>>, vector<16xi32>,
      %shift_right_logical3A_236 = arith.constant 16 : i32
      %shift_right_logical3A_237 = vector.broadcast %shift_right_logical3A_236 : i32 to vector<16xi32>
      %shift_right_logical3A_238 = arith.shrui %get3A_228, %shift_right_logical3A_237 : vector<16xi32>
      %swap3A_239 = arith.constant 48 : index
      %swap3A_240 = tpu.vector_load %arg10[%swap3A_239] {strides = array<i32>} : memref<128xi32, #tpu.memory_space<vmem>>, vector<16xi32>,
      %swap3A_241 = vector.shape_cast %swap3A_240 : vector<16xi32> to vector<16xi32>
      %swap3A_242 = vector.shape_cast %shift_right_logical3A_238 : vector<16xi32> to vector<16xi32>
      tpu.vector_store %arg10[%swap3A_239], %swap3A_242 {strides = array<i32>} : memref<128xi32, #tpu.memory_space<vmem>>, vector<16xi32>,
      %get3A_243 = arith.index_cast %add3A_170 : i32 to index
      %get3A_244 = arith.constant 64 : index
      %get3A_245 = tpu.vector_load %arg6[%get3A_243, %get3A_244] {strides = array<i32>} : memref<79x128xi32, #tpu.memory_space<vmem>>, vector<1x16xi32>,
      %get3A_246 = vector.shape_cast %get3A_245 : vector<1x16xi32> to vector<16xi32>
      %and3A_247 = arith.constant 65535 : i32
      %and3A_248 = vector.broadcast %and3A_247 : i32 to vector<16xi32>
      %and3A_249 = arith.andi %get3A_246, %and3A_248 : vector<16xi32>
      %swap3A_250 = arith.constant 64 : index
      %swap3A_251 = tpu.vector_load %arg8[%swap3A_250] {strides = array<i32>} : memref<128xi32, #tpu.memory_space<vmem>>, vector<16xi32>,
      %swap3A_252 = vector.shape_cast %swap3A_251 : vector<16xi32> to vector<16xi32>
      %swap3A_253 = vector.shape_cast %and3A_249 : vector<16xi32> to vector<16xi32>
      tpu.vector_store %arg8[%swap3A_250], %swap3A_253 {strides = array<i32>} : memref<128xi32, #tpu.memory_space<vmem>>, vector<16xi32>,
      %shift_right_logical3A_254 = arith.constant 16 : i32
      %shift_right_logical3A_255 = vector.broadcast %shift_right_logical3A_254 : i32 to vector<16xi32>
      %shift_right_logical3A_256 = arith.shrui %get3A_246, %shift_right_logical3A_255 : vector<16xi32>
      %swap3A_257 = arith.constant 64 : index
      %swap3A_258 = tpu.vector_load %arg10[%swap3A_257] {strides = array<i32>} : memref<128xi32, #tpu.memory_space<vmem>>, vector<16xi32>,
      %swap3A_259 = vector.shape_cast %swap3A_258 : vector<16xi32> to vector<16xi32>
      %swap3A_260 = vector.shape_cast %shift_right_logical3A_256 : vector<16xi32> to vector<16xi32>
      tpu.vector_store %arg10[%swap3A_257], %swap3A_260 {strides = array<i32>} : memref<128xi32, #tpu.memory_space<vmem>>, vector<16xi32>,
      %get3A_261 = arith.index_cast %add3A_170 : i32 to index
      %get3A_262 = arith.constant 80 : index
      %get3A_263 = tpu.vector_load %arg6[%get3A_261, %get3A_262] {strides = array<i32>} : memref<79x128xi32, #tpu.memory_space<vmem>>, vector<1x16xi32>,
      %get3A_264 = vector.shape_cast %get3A_263 : vector<1x16xi32> to vector<16xi32>
      %and3A_265 = arith.constant 65535 : i32
      %and3A_266 = vector.broadcast %and3A_265 : i32 to vector<16xi32>
      %and3A_267 = arith.andi %get3A_264, %and3A_266 : vector<16xi32>
      %swap3A_268 = arith.constant 80 : index
      %swap3A_269 = tpu.vector_load %arg8[%swap3A_268] {strides = array<i32>} : memref<128xi32, #tpu.memory_space<vmem>>, vector<16xi32>,
      %swap3A_270 = vector.shape_cast %swap3A_269 : vector<16xi32> to vector<16xi32>
      %swap3A_271 = vector.shape_cast %and3A_267 : vector<16xi32> to vector<16xi32>
      tpu.vector_store %arg8[%swap3A_268], %swap3A_271 {strides = array<i32>} : memref<128xi32, #tpu.memory_space<vmem>>, vector<16xi32>,
      %shift_right_logical3A_272 = arith.constant 16 : i32
      %shift_right_logical3A_273 = vector.broadcast %shift_right_logical3A_272 : i32 to vector<16xi32>
      %shift_right_logical3A_274 = arith.shrui %get3A_264, %shift_right_logical3A_273 : vector<16xi32>
      %swap3A_275 = arith.constant 80 : index
      %swap3A_276 = tpu.vector_load %arg10[%swap3A_275] {strides = array<i32>} : memref<128xi32, #tpu.memory_space<vmem>>, vector<16xi32>,
      %swap3A_277 = vector.shape_cast %swap3A_276 : vector<16xi32> to vector<16xi32>
      %swap3A_278 = vector.shape_cast %shift_right_logical3A_274 : vector<16xi32> to vector<16xi32>
      tpu.vector_store %arg10[%swap3A_275], %swap3A_278 {strides = array<i32>} : memref<128xi32, #tpu.memory_space<vmem>>, vector<16xi32>,
      %get3A_279 = arith.index_cast %add3A_170 : i32 to index
      %get3A_280 = arith.constant 96 : index
      %get3A_281 = tpu.vector_load %arg6[%get3A_279, %get3A_280] {strides = array<i32>} : memref<79x128xi32, #tpu.memory_space<vmem>>, vector<1x16xi32>,
      %get3A_282 = vector.shape_cast %get3A_281 : vector<1x16xi32> to vector<16xi32>
      %and3A_283 = arith.constant 65535 : i32
      %and3A_284 = vector.broadcast %and3A_283 : i32 to vector<16xi32>
      %and3A_285 = arith.andi %get3A_282, %and3A_284 : vector<16xi32>
      %swap3A_286 = arith.constant 96 : index
      %swap3A_287 = tpu.vector_load %arg8[%swap3A_286] {strides = array<i32>} : memref<128xi32, #tpu.memory_space<vmem>>, vector<16xi32>,
      %swap3A_288 = vector.shape_cast %swap3A_287 : vector<16xi32> to vector<16xi32>
      %swap3A_289 = vector.shape_cast %and3A_285 : vector<16xi32> to vector<16xi32>
      tpu.vector_store %arg8[%swap3A_286], %swap3A_289 {strides = array<i32>} : memref<128xi32, #tpu.memory_space<vmem>>, vector<16xi32>,
      %shift_right_logical3A_290 = arith.constant 16 : i32
      %shift_right_logical3A_291 = vector.broadcast %shift_right_logical3A_290 : i32 to vector<16xi32>
      %shift_right_logical3A_292 = arith.shrui %get3A_282, %shift_right_logical3A_291 : vector<16xi32>
      %swap3A_293 = arith.constant 96 : index
      %swap3A_294 = tpu.vector_load %arg10[%swap3A_293] {strides = array<i32>} : memref<128xi32, #tpu.memory_space<vmem>>, vector<16xi32>,
      %swap3A_295 = vector.shape_cast %swap3A_294 : vector<16xi32> to vector<16xi32>
      %swap3A_296 = vector.shape_cast %shift_right_logical3A_292 : vector<16xi32> to vector<16xi32>
      tpu.vector_store %arg10[%swap3A_293], %swap3A_296 {strides = array<i32>} : memref<128xi32, #tpu.memory_space<vmem>>, vector<16xi32>,
      %get3A_297 = arith.index_cast %add3A_170 : i32 to index
      %get3A_298 = arith.constant 112 : index
      %get3A_299 = tpu.vector_load %arg6[%get3A_297, %get3A_298] {strides = array<i32>} : memref<79x128xi32, #tpu.memory_space<vmem>>, vector<1x16xi32>,
      %get3A_300 = vector.shape_cast %get3A_299 : vector<1x16xi32> to vector<16xi32>
      %and3A_301 = arith.constant 65535 : i32
      %and3A_302 = vector.broadcast %and3A_301 : i32 to vector<16xi32>
      %and3A_303 = arith.andi %get3A_300, %and3A_302 : vector<16xi32>
      %swap3A_304 = arith.constant 112 : index
      %swap3A_305 = tpu.vector_load %arg8[%swap3A_304] {strides = array<i32>} : memref<128xi32, #tpu.memory_space<vmem>>, vector<16xi32>,
      %swap3A_306 = vector.shape_cast %swap3A_305 : vector<16xi32> to vector<16xi32>
      %swap3A_307 = vector.shape_cast %and3A_303 : vector<16xi32> to vector<16xi32>
      tpu.vector_store %arg8[%swap3A_304], %swap3A_307 {strides = array<i32>} : memref<128xi32, #tpu.memory_space<vmem>>, vector<16xi32>,
      %shift_right_logical3A_308 = arith.constant 16 : i32
      %shift_right_logical3A_309 = vector.broadcast %shift_right_logical3A_308 : i32 to vector<16xi32>
      %shift_right_logical3A_310 = arith.shrui %get3A_300, %shift_right_logical3A_309 : vector<16xi32>
      %swap3A_311 = arith.constant 112 : index
      %swap3A_312 = tpu.vector_load %arg10[%swap3A_311] {strides = array<i32>} : memref<128xi32, #tpu.memory_space<vmem>>, vector<16xi32>,
      %swap3A_313 = vector.shape_cast %swap3A_312 : vector<16xi32> to vector<16xi32>
      %swap3A_314 = vector.shape_cast %shift_right_logical3A_310 : vector<16xi32> to vector<16xi32>
      tpu.vector_store %arg10[%swap3A_311], %swap3A_314 {strides = array<i32>} : memref<128xi32, #tpu.memory_space<vmem>>, vector<16xi32>,
      %dma_start3A_315 = arith.constant 0 : i32
      %dma_start3A_316 = arith.constant 0 : i32
      %dma_start3A_317 = tpu.memref_slice %arg2[%dma_start3A_315, %dma_start3A_316] : memref<10240x128xf32, #tpu.memory_space<hbm>> -> memref<10240x128xf32, #tpu.memory_space<hbm>>
      tpu.enqueue_indirect_dma source(%dma_start3A_317 : memref<10240x128xf32, #tpu.memory_space<hbm>>) target(%arg12 : memref<128x128xf32, #tpu.memory_space<vmem>>) offsets(%arg8 : memref<128xi32, #tpu.memory_space<vmem>>) semaphore(%arg15 : memref<!tpu.dma_semaphore, #tpu.memory_space<semaphore_mem>>)
      %dma_wait3A_318 = arith.constant 0 : i32
      %dma_wait3A_319 = arith.constant 0 : i32
      %dma_wait3A_320 = tpu.memref_slice %arg2[%dma_wait3A_318, %dma_wait3A_319] : memref<10240x128xf32, #tpu.memory_space<hbm>> -> memref<10240x128xf32, #tpu.memory_space<hbm>>
      tpu.wait_indirect_dma semaphore(%arg14 : memref<!tpu.dma_semaphore, #tpu.memory_space<semaphore_mem>>) src(%dma_wait3A_320 : memref<10240x128xf32, #tpu.memory_space<hbm>>) dst(%arg11 : memref<128x128xf32, #tpu.memory_space<vmem>>)
      "tpu.region"() ({
        %run_scoped3A = tpu.sem_alloc : memref<!tpu.dma_semaphore, #tpu.memory_space<semaphore_mem>>
        %dma_start3A_473 = arith.constant 0 : i32
        %dma_start3A_474 = arith.constant 0 : i32
        %dma_start3A_475 = tpu.memref_slice %arg13[%dma_start3A_473, %dma_start3A_474] : memref<10240x128xf32, #tpu.memory_space<vmem_shared>> -> memref<10240x128xf32, #tpu.memory_space<vmem_shared>>
        tpu.enqueue_indirect_dma source(%arg11 : memref<128x128xf32, #tpu.memory_space<vmem>>) target(%dma_start3A_475 : memref<10240x128xf32, #tpu.memory_space<vmem_shared>>) offsets(%arg9 : memref<128xi32, #tpu.memory_space<vmem>>) semaphore(%run_scoped3A : memref<!tpu.dma_semaphore, #tpu.memory_space<semaphore_mem>>) {add = true}
        %dma_wait3A_476 = arith.constant 0 : i32
        %dma_wait3A_477 = arith.constant 0 : i32
        %dma_wait3A_478 = tpu.memref_slice %arg13[%dma_wait3A_476, %dma_wait3A_477] : memref<10240x128xf32, #tpu.memory_space<vmem_shared>> -> memref<10240x128xf32, #tpu.memory_space<vmem_shared>>
        tpu.wait_indirect_dma semaphore(%run_scoped3A : memref<!tpu.dma_semaphore, #tpu.memory_space<semaphore_mem>>) src(%arg11 : memref<128x128xf32, #tpu.memory_space<vmem>>) dst(%dma_wait3A_478 : memref<10240x128xf32, #tpu.memory_space<vmem_shared>>)
        tpu.yield
      }) : () -> ()
      %add3A_321 = arith.constant 2 : i32
      %add3A_322 = arith.addi %mul3A_169, %add3A_321 : i32
      %get3A_323 = arith.index_cast %add3A_322 : i32 to index
      %get3A_324 = arith.constant 0 : index
      %get3A_325 = tpu.vector_load %arg6[%get3A_323, %get3A_324] {strides = array<i32>} : memref<79x128xi32, #tpu.memory_space<vmem>>, vector<1x16xi32>,
      %get3A_326 = vector.shape_cast %get3A_325 : vector<1x16xi32> to vector<16xi32>
      %and3A_327 = arith.constant 65535 : i32
      %and3A_328 = vector.broadcast %and3A_327 : i32 to vector<16xi32>
      %and3A_329 = arith.andi %get3A_326, %and3A_328 : vector<16xi32>
      %swap3A_330 = arith.constant 0 : index
      %swap3A_331 = tpu.vector_load %arg7[%swap3A_330] {strides = array<i32>} : memref<128xi32, #tpu.memory_space<vmem>>, vector<16xi32>,
      %swap3A_332 = vector.shape_cast %swap3A_331 : vector<16xi32> to vector<16xi32>
      %swap3A_333 = vector.shape_cast %and3A_329 : vector<16xi32> to vector<16xi32>
      tpu.vector_store %arg7[%swap3A_330], %swap3A_333 {strides = array<i32>} : memref<128xi32, #tpu.memory_space<vmem>>, vector<16xi32>,
      %shift_right_logical3A_334 = arith.constant 16 : i32
      %shift_right_logical3A_335 = vector.broadcast %shift_right_logical3A_334 : i32 to vector<16xi32>
      %shift_right_logical3A_336 = arith.shrui %get3A_326, %shift_right_logical3A_335 : vector<16xi32>
      %swap3A_337 = arith.constant 0 : index
      %swap3A_338 = tpu.vector_load %arg9[%swap3A_337] {strides = array<i32>} : memref<128xi32, #tpu.memory_space<vmem>>, vector<16xi32>,
      %swap3A_339 = vector.shape_cast %swap3A_338 : vector<16xi32> to vector<16xi32>
      %swap3A_340 = vector.shape_cast %shift_right_logical3A_336 : vector<16xi32> to vector<16xi32>
      tpu.vector_store %arg9[%swap3A_337], %swap3A_340 {strides = array<i32>} : memref<128xi32, #tpu.memory_space<vmem>>, vector<16xi32>,
      %get3A_341 = arith.index_cast %add3A_322 : i32 to index
      %get3A_342 = arith.constant 16 : index
      %get3A_343 = tpu.vector_load %arg6[%get3A_341, %get3A_342] {strides = array<i32>} : memref<79x128xi32, #tpu.memory_space<vmem>>, vector<1x16xi32>,
      %get3A_344 = vector.shape_cast %get3A_343 : vector<1x16xi32> to vector<16xi32>
      %and3A_345 = arith.constant 65535 : i32
      %and3A_346 = vector.broadcast %and3A_345 : i32 to vector<16xi32>
      %and3A_347 = arith.andi %get3A_344, %and3A_346 : vector<16xi32>
      %swap3A_348 = arith.constant 16 : index
      %swap3A_349 = tpu.vector_load %arg7[%swap3A_348] {strides = array<i32>} : memref<128xi32, #tpu.memory_space<vmem>>, vector<16xi32>,
      %swap3A_350 = vector.shape_cast %swap3A_349 : vector<16xi32> to vector<16xi32>
      %swap3A_351 = vector.shape_cast %and3A_347 : vector<16xi32> to vector<16xi32>
      tpu.vector_store %arg7[%swap3A_348], %swap3A_351 {strides = array<i32>} : memref<128xi32, #tpu.memory_space<vmem>>, vector<16xi32>,
      %shift_right_logical3A_352 = arith.constant 16 : i32
      %shift_right_logical3A_353 = vector.broadcast %shift_right_logical3A_352 : i32 to vector<16xi32>
      %shift_right_logical3A_354 = arith.shrui %get3A_344, %shift_right_logical3A_353 : vector<16xi32>
      %swap3A_355 = arith.constant 16 : index
      %swap3A_356 = tpu.vector_load %arg9[%swap3A_355] {strides = array<i32>} : memref<128xi32, #tpu.memory_space<vmem>>, vector<16xi32>,
      %swap3A_357 = vector.shape_cast %swap3A_356 : vector<16xi32> to vector<16xi32>
      %swap3A_358 = vector.shape_cast %shift_right_logical3A_354 : vector<16xi32> to vector<16xi32>
      tpu.vector_store %arg9[%swap3A_355], %swap3A_358 {strides = array<i32>} : memref<128xi32, #tpu.memory_space<vmem>>, vector<16xi32>,
      %get3A_359 = arith.index_cast %add3A_322 : i32 to index
      %get3A_360 = arith.constant 32 : index
      %get3A_361 = tpu.vector_load %arg6[%get3A_359, %get3A_360] {strides = array<i32>} : memref<79x128xi32, #tpu.memory_space<vmem>>, vector<1x16xi32>,
      %get3A_362 = vector.shape_cast %get3A_361 : vector<1x16xi32> to vector<16xi32>
      %and3A_363 = arith.constant 65535 : i32
      %and3A_364 = vector.broadcast %and3A_363 : i32 to vector<16xi32>
      %and3A_365 = arith.andi %get3A_362, %and3A_364 : vector<16xi32>
      %swap3A_366 = arith.constant 32 : index
      %swap3A_367 = tpu.vector_load %arg7[%swap3A_366] {strides = array<i32>} : memref<128xi32, #tpu.memory_space<vmem>>, vector<16xi32>,
      %swap3A_368 = vector.shape_cast %swap3A_367 : vector<16xi32> to vector<16xi32>
      %swap3A_369 = vector.shape_cast %and3A_365 : vector<16xi32> to vector<16xi32>
      tpu.vector_store %arg7[%swap3A_366], %swap3A_369 {strides = array<i32>} : memref<128xi32, #tpu.memory_space<vmem>>, vector<16xi32>,
      %shift_right_logical3A_370 = arith.constant 16 : i32
      %shift_right_logical3A_371 = vector.broadcast %shift_right_logical3A_370 : i32 to vector<16xi32>
      %shift_right_logical3A_372 = arith.shrui %get3A_362, %shift_right_logical3A_371 : vector<16xi32>
      %swap3A_373 = arith.constant 32 : index
      %swap3A_374 = tpu.vector_load %arg9[%swap3A_373] {strides = array<i32>} : memref<128xi32, #tpu.memory_space<vmem>>, vector<16xi32>,
      %swap3A_375 = vector.shape_cast %swap3A_374 : vector<16xi32> to vector<16xi32>
      %swap3A_376 = vector.shape_cast %shift_right_logical3A_372 : vector<16xi32> to vector<16xi32>
      tpu.vector_store %arg9[%swap3A_373], %swap3A_376 {strides = array<i32>} : memref<128xi32, #tpu.memory_space<vmem>>, vector<16xi32>,
      %get3A_377 = arith.index_cast %add3A_322 : i32 to index
      %get3A_378 = arith.constant 48 : index
      %get3A_379 = tpu.vector_load %arg6[%get3A_377, %get3A_378] {strides = array<i32>} : memref<79x128xi32, #tpu.memory_space<vmem>>, vector<1x16xi32>,
      %get3A_380 = vector.shape_cast %get3A_379 : vector<1x16xi32> to vector<16xi32>
      %and3A_381 = arith.constant 65535 : i32
      %and3A_382 = vector.broadcast %and3A_381 : i32 to vector<16xi32>
      %and3A_383 = arith.andi %get3A_380, %and3A_382 : vector<16xi32>
      %swap3A_384 = arith.constant 48 : index
      %swap3A_385 = tpu.vector_load %arg7[%swap3A_384] {strides = array<i32>} : memref<128xi32, #tpu.memory_space<vmem>>, vector<16xi32>,
      %swap3A_386 = vector.shape_cast %swap3A_385 : vector<16xi32> to vector<16xi32>
      %swap3A_387 = vector.shape_cast %and3A_383 : vector<16xi32> to vector<16xi32>
      tpu.vector_store %arg7[%swap3A_384], %swap3A_387 {strides = array<i32>} : memref<128xi32, #tpu.memory_space<vmem>>, vector<16xi32>,
      %shift_right_logical3A_388 = arith.constant 16 : i32
      %shift_right_logical3A_389 = vector.broadcast %shift_right_logical3A_388 : i32 to vector<16xi32>
      %shift_right_logical3A_390 = arith.shrui %get3A_380, %shift_right_logical3A_389 : vector<16xi32>
      %swap3A_391 = arith.constant 48 : index
      %swap3A_392 = tpu.vector_load %arg9[%swap3A_391] {strides = array<i32>} : memref<128xi32, #tpu.memory_space<vmem>>, vector<16xi32>,
      %swap3A_393 = vector.shape_cast %swap3A_392 : vector<16xi32> to vector<16xi32>
      %swap3A_394 = vector.shape_cast %shift_right_logical3A_390 : vector<16xi32> to vector<16xi32>
      tpu.vector_store %arg9[%swap3A_391], %swap3A_394 {strides = array<i32>} : memref<128xi32, #tpu.memory_space<vmem>>, vector<16xi32>,
      %get3A_395 = arith.index_cast %add3A_322 : i32 to index
      %get3A_396 = arith.constant 64 : index
      %get3A_397 = tpu.vector_load %arg6[%get3A_395, %get3A_396] {strides = array<i32>} : memref<79x128xi32, #tpu.memory_space<vmem>>, vector<1x16xi32>,
      %get3A_398 = vector.shape_cast %get3A_397 : vector<1x16xi32> to vector<16xi32>
      %and3A_399 = arith.constant 65535 : i32
      %and3A_400 = vector.broadcast %and3A_399 : i32 to vector<16xi32>
      %and3A_401 = arith.andi %get3A_398, %and3A_400 : vector<16xi32>
      %swap3A_402 = arith.constant 64 : index
      %swap3A_403 = tpu.vector_load %arg7[%swap3A_402] {strides = array<i32>} : memref<128xi32, #tpu.memory_space<vmem>>, vector<16xi32>,
      %swap3A_404 = vector.shape_cast %swap3A_403 : vector<16xi32> to vector<16xi32>
      %swap3A_405 = vector.shape_cast %and3A_401 : vector<16xi32> to vector<16xi32>
      tpu.vector_store %arg7[%swap3A_402], %swap3A_405 {strides = array<i32>} : memref<128xi32, #tpu.memory_space<vmem>>, vector<16xi32>,
      %shift_right_logical3A_406 = arith.constant 16 : i32
      %shift_right_logical3A_407 = vector.broadcast %shift_right_logical3A_406 : i32 to vector<16xi32>
      %shift_right_logical3A_408 = arith.shrui %get3A_398, %shift_right_logical3A_407 : vector<16xi32>
      %swap3A_409 = arith.constant 64 : index
      %swap3A_410 = tpu.vector_load %arg9[%swap3A_409] {strides = array<i32>} : memref<128xi32, #tpu.memory_space<vmem>>, vector<16xi32>,
      %swap3A_411 = vector.shape_cast %swap3A_410 : vector<16xi32> to vector<16xi32>
      %swap3A_412 = vector.shape_cast %shift_right_logical3A_408 : vector<16xi32> to vector<16xi32>
      tpu.vector_store %arg9[%swap3A_409], %swap3A_412 {strides = array<i32>} : memref<128xi32, #tpu.memory_space<vmem>>, vector<16xi32>,
      %get3A_413 = arith.index_cast %add3A_322 : i32 to index
      %get3A_414 = arith.constant 80 : index
      %get3A_415 = tpu.vector_load %arg6[%get3A_413, %get3A_414] {strides = array<i32>} : memref<79x128xi32, #tpu.memory_space<vmem>>, vector<1x16xi32>,
      %get3A_416 = vector.shape_cast %get3A_415 : vector<1x16xi32> to vector<16xi32>
      %and3A_417 = arith.constant 65535 : i32
      %and3A_418 = vector.broadcast %and3A_417 : i32 to vector<16xi32>
      %and3A_419 = arith.andi %get3A_416, %and3A_418 : vector<16xi32>
      %swap3A_420 = arith.constant 80 : index
      %swap3A_421 = tpu.vector_load %arg7[%swap3A_420] {strides = array<i32>} : memref<128xi32, #tpu.memory_space<vmem>>, vector<16xi32>,
      %swap3A_422 = vector.shape_cast %swap3A_421 : vector<16xi32> to vector<16xi32>
      %swap3A_423 = vector.shape_cast %and3A_419 : vector<16xi32> to vector<16xi32>
      tpu.vector_store %arg7[%swap3A_420], %swap3A_423 {strides = array<i32>} : memref<128xi32, #tpu.memory_space<vmem>>, vector<16xi32>,
      %shift_right_logical3A_424 = arith.constant 16 : i32
      %shift_right_logical3A_425 = vector.broadcast %shift_right_logical3A_424 : i32 to vector<16xi32>
      %shift_right_logical3A_426 = arith.shrui %get3A_416, %shift_right_logical3A_425 : vector<16xi32>
      %swap3A_427 = arith.constant 80 : index
      %swap3A_428 = tpu.vector_load %arg9[%swap3A_427] {strides = array<i32>} : memref<128xi32, #tpu.memory_space<vmem>>, vector<16xi32>,
      %swap3A_429 = vector.shape_cast %swap3A_428 : vector<16xi32> to vector<16xi32>
      %swap3A_430 = vector.shape_cast %shift_right_logical3A_426 : vector<16xi32> to vector<16xi32>
      tpu.vector_store %arg9[%swap3A_427], %swap3A_430 {strides = array<i32>} : memref<128xi32, #tpu.memory_space<vmem>>, vector<16xi32>,
      %get3A_431 = arith.index_cast %add3A_322 : i32 to index
      %get3A_432 = arith.constant 96 : index
      %get3A_433 = tpu.vector_load %arg6[%get3A_431, %get3A_432] {strides = array<i32>} : memref<79x128xi32, #tpu.memory_space<vmem>>, vector<1x16xi32>,
      %get3A_434 = vector.shape_cast %get3A_433 : vector<1x16xi32> to vector<16xi32>
      %and3A_435 = arith.constant 65535 : i32
      %and3A_436 = vector.broadcast %and3A_435 : i32 to vector<16xi32>
      %and3A_437 = arith.andi %get3A_434, %and3A_436 : vector<16xi32>
      %swap3A_438 = arith.constant 96 : index
      %swap3A_439 = tpu.vector_load %arg7[%swap3A_438] {strides = array<i32>} : memref<128xi32, #tpu.memory_space<vmem>>, vector<16xi32>,
      %swap3A_440 = vector.shape_cast %swap3A_439 : vector<16xi32> to vector<16xi32>
      %swap3A_441 = vector.shape_cast %and3A_437 : vector<16xi32> to vector<16xi32>
      tpu.vector_store %arg7[%swap3A_438], %swap3A_441 {strides = array<i32>} : memref<128xi32, #tpu.memory_space<vmem>>, vector<16xi32>,
      %shift_right_logical3A_442 = arith.constant 16 : i32
      %shift_right_logical3A_443 = vector.broadcast %shift_right_logical3A_442 : i32 to vector<16xi32>
      %shift_right_logical3A_444 = arith.shrui %get3A_434, %shift_right_logical3A_443 : vector<16xi32>
      %swap3A_445 = arith.constant 96 : index
      %swap3A_446 = tpu.vector_load %arg9[%swap3A_445] {strides = array<i32>} : memref<128xi32, #tpu.memory_space<vmem>>, vector<16xi32>,
      %swap3A_447 = vector.shape_cast %swap3A_446 : vector<16xi32> to vector<16xi32>
      %swap3A_448 = vector.shape_cast %shift_right_logical3A_444 : vector<16xi32> to vector<16xi32>
      tpu.vector_store %arg9[%swap3A_445], %swap3A_448 {strides = array<i32>} : memref<128xi32, #tpu.memory_space<vmem>>, vector<16xi32>,
      %get3A_449 = arith.index_cast %add3A_322 : i32 to index
      %get3A_450 = arith.constant 112 : index
      %get3A_451 = tpu.vector_load %arg6[%get3A_449, %get3A_450] {strides = array<i32>} : memref<79x128xi32, #tpu.memory_space<vmem>>, vector<1x16xi32>,
      %get3A_452 = vector.shape_cast %get3A_451 : vector<1x16xi32> to vector<16xi32>
      %and3A_453 = arith.constant 65535 : i32
      %and3A_454 = vector.broadcast %and3A_453 : i32 to vector<16xi32>
      %and3A_455 = arith.andi %get3A_452, %and3A_454 : vector<16xi32>
      %swap3A_456 = arith.constant 112 : index
      %swap3A_457 = tpu.vector_load %arg7[%swap3A_456] {strides = array<i32>} : memref<128xi32, #tpu.memory_space<vmem>>, vector<16xi32>,
      %swap3A_458 = vector.shape_cast %swap3A_457 : vector<16xi32> to vector<16xi32>
      %swap3A_459 = vector.shape_cast %and3A_455 : vector<16xi32> to vector<16xi32>
      tpu.vector_store %arg7[%swap3A_456], %swap3A_459 {strides = array<i32>} : memref<128xi32, #tpu.memory_space<vmem>>, vector<16xi32>,
      %shift_right_logical3A_460 = arith.constant 16 : i32
      %shift_right_logical3A_461 = vector.broadcast %shift_right_logical3A_460 : i32 to vector<16xi32>
      %shift_right_logical3A_462 = arith.shrui %get3A_452, %shift_right_logical3A_461 : vector<16xi32>
      %swap3A_463 = arith.constant 112 : index
      %swap3A_464 = tpu.vector_load %arg9[%swap3A_463] {strides = array<i32>} : memref<128xi32, #tpu.memory_space<vmem>>, vector<16xi32>,
      %swap3A_465 = vector.shape_cast %swap3A_464 : vector<16xi32> to vector<16xi32>
      %swap3A_466 = vector.shape_cast %shift_right_logical3A_462 : vector<16xi32> to vector<16xi32>
      tpu.vector_store %arg9[%swap3A_463], %swap3A_466 {strides = array<i32>} : memref<128xi32, #tpu.memory_space<vmem>>, vector<16xi32>,
      %dma_start3A_467 = arith.constant 0 : i32
      %dma_start3A_468 = arith.constant 0 : i32
      %dma_start3A_469 = tpu.memref_slice %arg2[%dma_start3A_467, %dma_start3A_468] : memref<10240x128xf32, #tpu.memory_space<hbm>> -> memref<10240x128xf32, #tpu.memory_space<hbm>>
      tpu.enqueue_indirect_dma source(%dma_start3A_469 : memref<10240x128xf32, #tpu.memory_space<hbm>>) target(%arg11 : memref<128x128xf32, #tpu.memory_space<vmem>>) offsets(%arg7 : memref<128xi32, #tpu.memory_space<vmem>>) semaphore(%arg14 : memref<!tpu.dma_semaphore, #tpu.memory_space<semaphore_mem>>)
      %dma_wait3A_470 = arith.constant 0 : i32
      %dma_wait3A_471 = arith.constant 0 : i32
      %dma_wait3A_472 = tpu.memref_slice %arg2[%dma_wait3A_470, %dma_wait3A_471] : memref<10240x128xf32, #tpu.memory_space<hbm>> -> memref<10240x128xf32, #tpu.memory_space<hbm>>
      tpu.wait_indirect_dma semaphore(%arg15 : memref<!tpu.dma_semaphore, #tpu.memory_space<semaphore_mem>>) src(%dma_wait3A_472 : memref<10240x128xf32, #tpu.memory_space<hbm>>) dst(%arg12 : memref<128x128xf32, #tpu.memory_space<vmem>>)
      "tpu.region"() ({
        %run_scoped3A = tpu.sem_alloc : memref<!tpu.dma_semaphore, #tpu.memory_space<semaphore_mem>>
        %dma_start3A_473 = arith.constant 0 : i32
        %dma_start3A_474 = arith.constant 0 : i32
        %dma_start3A_475 = tpu.memref_slice %arg13[%dma_start3A_473, %dma_start3A_474] : memref<10240x128xf32, #tpu.memory_space<vmem_shared>> -> memref<10240x128xf32, #tpu.memory_space<vmem_shared>>
        tpu.enqueue_indirect_dma source(%arg12 : memref<128x128xf32, #tpu.memory_space<vmem>>) target(%dma_start3A_475 : memref<10240x128xf32, #tpu.memory_space<vmem_shared>>) offsets(%arg10 : memref<128xi32, #tpu.memory_space<vmem>>) semaphore(%run_scoped3A : memref<!tpu.dma_semaphore, #tpu.memory_space<semaphore_mem>>) {add = true}
        %dma_wait3A_476 = arith.constant 0 : i32
        %dma_wait3A_477 = arith.constant 0 : i32
        %dma_wait3A_478 = tpu.memref_slice %arg13[%dma_wait3A_476, %dma_wait3A_477] : memref<10240x128xf32, #tpu.memory_space<vmem_shared>> -> memref<10240x128xf32, #tpu.memory_space<vmem_shared>>
        tpu.wait_indirect_dma semaphore(%run_scoped3A : memref<!tpu.dma_semaphore, #tpu.memory_space<semaphore_mem>>) src(%arg12 : memref<128x128xf32, #tpu.memory_space<vmem>>) dst(%dma_wait3A_478 : memref<10240x128xf32, #tpu.memory_space<vmem_shared>>)
        tpu.yield
      }) : () -> ()
    }
    %scan3A_162 = arith.constant 39 : i32
    %dma_wait3A_163 = arith.constant 0 : i32
    %dma_wait3A_164 = arith.constant 0 : i32
    %dma_wait3A_165 = tpu.memref_slice %arg2[%dma_wait3A_163, %dma_wait3A_164] : memref<10240x128xf32, #tpu.memory_space<hbm>> -> memref<10240x128xf32, #tpu.memory_space<hbm>>
    tpu.wait_indirect_dma semaphore(%arg14 : memref<!tpu.dma_semaphore, #tpu.memory_space<semaphore_mem>>) src(%dma_wait3A_165 : memref<10240x128xf32, #tpu.memory_space<hbm>>) dst(%arg11 : memref<128x128xf32, #tpu.memory_space<vmem>>)
    "tpu.region"() ({
      %run_scoped3A = tpu.sem_alloc : memref<!tpu.dma_semaphore, #tpu.memory_space<semaphore_mem>>
      %dma_start3A_167 = arith.constant 0 : i32
      %dma_start3A_168 = arith.constant 0 : i32
      %dma_start3A_169 = tpu.memref_slice %arg13[%dma_start3A_167, %dma_start3A_168] : memref<10240x128xf32, #tpu.memory_space<vmem_shared>> -> memref<10240x128xf32, #tpu.memory_space<vmem_shared>>
      tpu.enqueue_indirect_dma source(%arg11 : memref<128x128xf32, #tpu.memory_space<vmem>>) target(%dma_start3A_169 : memref<10240x128xf32, #tpu.memory_space<vmem_shared>>) offsets(%arg9 : memref<128xi32, #tpu.memory_space<vmem>>) semaphore(%run_scoped3A : memref<!tpu.dma_semaphore, #tpu.memory_space<semaphore_mem>>) {add = true}
      %dma_wait3A_170 = arith.constant 0 : i32
      %dma_wait3A_171 = arith.constant 0 : i32
      %dma_wait3A_172 = tpu.memref_slice %arg13[%dma_wait3A_170, %dma_wait3A_171] : memref<10240x128xf32, #tpu.memory_space<vmem_shared>> -> memref<10240x128xf32, #tpu.memory_space<vmem_shared>>
      tpu.wait_indirect_dma semaphore(%run_scoped3A : memref<!tpu.dma_semaphore, #tpu.memory_space<semaphore_mem>>) src(%arg11 : memref<128x128xf32, #tpu.memory_space<vmem>>) dst(%dma_wait3A_172 : memref<10240x128xf32, #tpu.memory_space<vmem_shared>>)
      tpu.yield
    }) : () -> ()
    %barrier3A_166 = arith.constant 0 : index
    tpu.barrier barrier_id(%barrier3A_166)
    "tpu.region"() ({
      %run_scoped3A = tpu.sem_alloc : memref<!tpu.dma_semaphore, #tpu.memory_space<semaphore_mem>>
      %dma_start3A_167 = arith.constant 0 : i32
      %dma_start3A_168 = tpu.memref_slice %arg5[%arg0, %mul3A_0, %dma_start3A_167] : memref<2x10240x128xf32, #tpu.memory_space<hbm>> -> memref<1x640x128xf32, #tpu.memory_space<hbm>>
      %dma_start3A_169 = tpu.memref_squeeze %dma_start3A_168 : memref<1x640x128xf32, #tpu.memory_space<hbm>> -> memref<640x128xf32, #tpu.memory_space<hbm>>
      %dma_start3A_170 = arith.constant 0 : i32
      %dma_start3A_171 = tpu.memref_slice %arg13[%mul3A_0, %dma_start3A_170] : memref<10240x128xf32, #tpu.memory_space<vmem_shared>> -> memref<640x128xf32, #tpu.memory_space<vmem_shared>>
      tpu.enqueue_dma source(%dma_start3A_171 : memref<640x128xf32, #tpu.memory_space<vmem_shared>>) target(%dma_start3A_169 : memref<640x128xf32, #tpu.memory_space<hbm>>) target_semaphore(%run_scoped3A : memref<!tpu.dma_semaphore, #tpu.memory_space<semaphore_mem>>)
      %dma_wait3A_172 = arith.constant 0 : i32
      %dma_wait3A_173 = tpu.memref_slice %arg5[%arg0, %mul3A_0, %dma_wait3A_172] : memref<2x10240x128xf32, #tpu.memory_space<hbm>> -> memref<1x640x128xf32, #tpu.memory_space<hbm>>
      %dma_wait3A_174 = tpu.memref_squeeze %dma_wait3A_173 : memref<1x640x128xf32, #tpu.memory_space<hbm>> -> memref<640x128xf32, #tpu.memory_space<hbm>>
      %dma_wait3A_175 = arith.constant 0 : i32
      %dma_wait3A_176 = tpu.memref_slice %arg13[%mul3A_0, %dma_wait3A_175] : memref<10240x128xf32, #tpu.memory_space<vmem_shared>> -> memref<640x128xf32, #tpu.memory_space<vmem_shared>>
      tpu.wait_dma2 semaphore(%run_scoped3A : memref<!tpu.dma_semaphore, #tpu.memory_space<semaphore_mem>>) src(%dma_wait3A_176 : memref<640x128xf32, #tpu.memory_space<vmem_shared>>) dst(%dma_wait3A_174 : memref<640x128xf32, #tpu.memory_space<hbm>>)
      tpu.yield
    }) : () -> ()
    return
  }
}

#map = affine_map<(d0, d1) -> (0, 0)>
#map1 = affine_map<(d0, d1) -> (0, 0, 0, 0)>
#map2 = affine_map<(d0, d1) -> (0, 0, 0)>
module attributes {stable_mosaic.version = 14 : i64} {
  func.func @prop_k(%arg0: i32, %arg1: i32, %arg2: memref<10240x128xf32, #tpu.memory_space<hbm>>, %arg3: memref<2x16x79x128xi32, #tpu.memory_space<hbm>>, %arg4: memref<10240x128xf32, #tpu.memory_space<hbm>>, %arg5: memref<2x10240x128xf32, #tpu.memory_space<hbm>>, %arg6: memref<79x128xi32, #tpu.memory_space<vmem>>, %arg7: memref<128xi32, #tpu.memory_space<vmem>>, %arg8: memref<128xi32, #tpu.memory_space<vmem>>, %arg9: memref<128xi32, #tpu.memory_space<vmem>>, %arg10: memref<128xi32, #tpu.memory_space<vmem>>, %arg11: memref<128x128xf32, #tpu.memory_space<vmem>>, %arg12: memref<128x128xf32, #tpu.memory_space<vmem>>, %arg13: memref<10240x128xf32, #tpu.memory_space<vmem_shared>>, %arg14: memref<!tpu.dma_semaphore, #tpu.memory_space<semaphore_mem>>, %arg15: memref<!tpu.dma_semaphore, #tpu.memory_space<semaphore_mem>>, %arg16: memref<!tpu.dma_semaphore, #tpu.memory_space<semaphore_mem>>) attributes {dimension_semantics = [#tpu.dimension_semantics<core_parallel>, #tpu.dimension_semantics<subcore_parallel>], iteration_bounds = array<i64: 2, 16>, scalar_prefetch = 0 : i64, scratch_operands = 11 : i64, tpu.core_type = #tpu.core_type<sc_vector_subcore>, window_params = [{transform_indices = #map}, {transform_indices = #map1}, {transform_indices = #map}, {transform_indices = #map2}]} {
    %mul3A = arith.constant 640 : i32
    %mul3A_0 = arith.muli %arg1, %mul3A : i32
    "tpu.region"() ({
      %run_scoped3A = tpu.sem_alloc : memref<!tpu.dma_semaphore, #tpu.memory_space<semaphore_mem>>
      %dma_start3A_167 = arith.constant 0 : i32
      %dma_start3A_168 = arith.constant 0 : i32
      %dma_start3A_169 = tpu.memref_slice %arg3[%arg0, %arg1, %dma_start3A_167, %dma_start3A_168] : memref<2x16x79x128xi32, #tpu.memory_space<hbm>> -> memref<1x1x79x128xi32, #tpu.memory_space<hbm>>
      %dma_start3A_170 = tpu.memref_squeeze %dma_start3A_169 : memref<1x1x79x128xi32, #tpu.memory_space<hbm>> -> memref<79x128xi32, #tpu.memory_space<hbm>>
      %dma_start3A_171 = arith.constant 0 : i32
      %dma_start3A_172 = arith.constant 0 : i32
      %dma_start3A_173 = tpu.memref_slice %arg3[%arg0, %arg1, %dma_start3A_171, %dma_start3A_172] : memref<2x16x79x128xi32, #tpu.memory_space<hbm>> -> memref<1x1x79x128xi32, #tpu.memory_space<hbm>>
      %dma_start3A_174 = tpu.memref_squeeze %dma_start3A_173 : memref<1x1x79x128xi32, #tpu.memory_space<hbm>> -> memref<79x128xi32, #tpu.memory_space<hbm>>
      tpu.enqueue_dma source(%dma_start3A_174 : memref<79x128xi32, #tpu.memory_space<hbm>>) target(%arg6 : memref<79x128xi32, #tpu.memory_space<vmem>>) target_semaphore(%run_scoped3A : memref<!tpu.dma_semaphore, #tpu.memory_space<semaphore_mem>>)
      %dma_wait3A_175 = arith.constant 0 : i32
      %dma_wait3A_176 = arith.constant 0 : i32
      %dma_wait3A_177 = tpu.memref_slice %arg3[%arg0, %arg1, %dma_wait3A_175, %dma_wait3A_176] : memref<2x16x79x128xi32, #tpu.memory_space<hbm>> -> memref<1x1x79x128xi32, #tpu.memory_space<hbm>>
      %dma_wait3A_178 = tpu.memref_squeeze %dma_wait3A_177 : memref<1x1x79x128xi32, #tpu.memory_space<hbm>> -> memref<79x128xi32, #tpu.memory_space<hbm>>
      %dma_wait3A_179 = arith.constant 0 : i32
      %dma_wait3A_180 = arith.constant 0 : i32
      %dma_wait3A_181 = tpu.memref_slice %arg3[%arg0, %arg1, %dma_wait3A_179, %dma_wait3A_180] : memref<2x16x79x128xi32, #tpu.memory_space<hbm>> -> memref<1x1x79x128xi32, #tpu.memory_space<hbm>>
      %dma_wait3A_182 = tpu.memref_squeeze %dma_wait3A_181 : memref<1x1x79x128xi32, #tpu.memory_space<hbm>> -> memref<79x128xi32, #tpu.memory_space<hbm>>
      tpu.wait_dma2 semaphore(%run_scoped3A : memref<!tpu.dma_semaphore, #tpu.memory_space<semaphore_mem>>) src(%dma_wait3A_182 : memref<79x128xi32, #tpu.memory_space<hbm>>) dst(%arg6 : memref<79x128xi32, #tpu.memory_space<vmem>>)
      tpu.yield
    }) : () -> ()
    %dma_start3A = arith.constant 0 : i32
    %dma_start3A_1 = tpu.memref_slice %arg13[%mul3A_0, %dma_start3A] : memref<10240x128xf32, #tpu.memory_space<vmem_shared>> -> memref<640x128xf32, #tpu.memory_space<vmem_shared>>
    %dma_start3A_2 = arith.constant 0 : i32
    %dma_start3A_3 = tpu.memref_slice %arg4[%mul3A_0, %dma_start3A_2] : memref<10240x128xf32, #tpu.memory_space<hbm>> -> memref<640x128xf32, #tpu.memory_space<hbm>>
    tpu.enqueue_dma source(%dma_start3A_3 : memref<640x128xf32, #tpu.memory_space<hbm>>) target(%dma_start3A_1 : memref<640x128xf32, #tpu.memory_space<vmem_shared>>) target_semaphore(%arg16 : memref<!tpu.dma_semaphore, #tpu.memory_space<semaphore_mem>>)
    %get3A = arith.constant 0 : i32
    %get3A_4 = arith.index_cast %get3A : i32 to index
    %get3A_5 = arith.constant 0 : index
    %get3A_6 = tpu.vector_load %arg6[%get3A_4, %get3A_5] {strides = array<i32>} : memref<79x128xi32, #tpu.memory_space<vmem>>, vector<1x16xi32>,
    %get3A_7 = vector.shape_cast %get3A_6 : vector<1x16xi32> to vector<16xi32>
    %and3A = arith.constant 65535 : i32
    %and3A_8 = vector.broadcast %and3A : i32 to vector<16xi32>
    %and3A_9 = arith.andi %get3A_7, %and3A_8 : vector<16xi32>
    %swap3A = arith.constant 0 : index
    %swap3A_10 = tpu.vector_load %arg7[%swap3A] {strides = array<i32>} : memref<128xi32, #tpu.memory_space<vmem>>, vector<16xi32>,
    %swap3A_11 = vector.shape_cast %swap3A_10 : vector<16xi32> to vector<16xi32>
    %swap3A_12 = vector.shape_cast %and3A_9 : vector<16xi32> to vector<16xi32>
    tpu.vector_store %arg7[%swap3A], %swap3A_12 {strides = array<i32>} : memref<128xi32, #tpu.memory_space<vmem>>, vector<16xi32>,
    %shift_right_logical3A = arith.constant 16 : i32
    %shift_right_logical3A_13 = vector.broadcast %shift_right_logical3A : i32 to vector<16xi32>
    %shift_right_logical3A_14 = arith.shrui %get3A_7, %shift_right_logical3A_13 : vector<16xi32>
    %swap3A_15 = arith.constant 0 : index
    %swap3A_16 = tpu.vector_load %arg9[%swap3A_15] {strides = array<i32>} : memref<128xi32, #tpu.memory_space<vmem>>, vector<16xi32>,
    %swap3A_17 = vector.shape_cast %swap3A_16 : vector<16xi32> to vector<16xi32>
    %swap3A_18 = vector.shape_cast %shift_right_logical3A_14 : vector<16xi32> to vector<16xi32>
    tpu.vector_store %arg9[%swap3A_15], %swap3A_18 {strides = array<i32>} : memref<128xi32, #tpu.memory_space<vmem>>, vector<16xi32>,
    %get3A_19 = arith.constant 0 : i32
    %get3A_20 = arith.index_cast %get3A_19 : i32 to index
    %get3A_21 = arith.constant 16 : index
    %get3A_22 = tpu.vector_load %arg6[%get3A_20, %get3A_21] {strides = array<i32>} : memref<79x128xi32, #tpu.memory_space<vmem>>, vector<1x16xi32>,
    %get3A_23 = vector.shape_cast %get3A_22 : vector<1x16xi32> to vector<16xi32>
    %and3A_24 = arith.constant 65535 : i32
    %and3A_25 = vector.broadcast %and3A_24 : i32 to vector<16xi32>
    %and3A_26 = arith.andi %get3A_23, %and3A_25 : vector<16xi32>
    %swap3A_27 = arith.constant 16 : index
    %swap3A_28 = tpu.vector_load %arg7[%swap3A_27] {strides = array<i32>} : memref<128xi32, #tpu.memory_space<vmem>>, vector<16xi32>,
    %swap3A_29 = vector.shape_cast %swap3A_28 : vector<16xi32> to vector<16xi32>
    %swap3A_30 = vector.shape_cast %and3A_26 : vector<16xi32> to vector<16xi32>
    tpu.vector_store %arg7[%swap3A_27], %swap3A_30 {strides = array<i32>} : memref<128xi32, #tpu.memory_space<vmem>>, vector<16xi32>,
    %shift_right_logical3A_31 = arith.constant 16 : i32
    %shift_right_logical3A_32 = vector.broadcast %shift_right_logical3A_31 : i32 to vector<16xi32>
    %shift_right_logical3A_33 = arith.shrui %get3A_23, %shift_right_logical3A_32 : vector<16xi32>
    %swap3A_34 = arith.constant 16 : index
    %swap3A_35 = tpu.vector_load %arg9[%swap3A_34] {strides = array<i32>} : memref<128xi32, #tpu.memory_space<vmem>>, vector<16xi32>,
    %swap3A_36 = vector.shape_cast %swap3A_35 : vector<16xi32> to vector<16xi32>
    %swap3A_37 = vector.shape_cast %shift_right_logical3A_33 : vector<16xi32> to vector<16xi32>
    tpu.vector_store %arg9[%swap3A_34], %swap3A_37 {strides = array<i32>} : memref<128xi32, #tpu.memory_space<vmem>>, vector<16xi32>,
    %get3A_38 = arith.constant 0 : i32
    %get3A_39 = arith.index_cast %get3A_38 : i32 to index
    %get3A_40 = arith.constant 32 : index
    %get3A_41 = tpu.vector_load %arg6[%get3A_39, %get3A_40] {strides = array<i32>} : memref<79x128xi32, #tpu.memory_space<vmem>>, vector<1x16xi32>,
    %get3A_42 = vector.shape_cast %get3A_41 : vector<1x16xi32> to vector<16xi32>
    %and3A_43 = arith.constant 65535 : i32
    %and3A_44 = vector.broadcast %and3A_43 : i32 to vector<16xi32>
    %and3A_45 = arith.andi %get3A_42, %and3A_44 : vector<16xi32>
    %swap3A_46 = arith.constant 32 : index
    %swap3A_47 = tpu.vector_load %arg7[%swap3A_46] {strides = array<i32>} : memref<128xi32, #tpu.memory_space<vmem>>, vector<16xi32>,
    %swap3A_48 = vector.shape_cast %swap3A_47 : vector<16xi32> to vector<16xi32>
    %swap3A_49 = vector.shape_cast %and3A_45 : vector<16xi32> to vector<16xi32>
    tpu.vector_store %arg7[%swap3A_46], %swap3A_49 {strides = array<i32>} : memref<128xi32, #tpu.memory_space<vmem>>, vector<16xi32>,
    %shift_right_logical3A_50 = arith.constant 16 : i32
    %shift_right_logical3A_51 = vector.broadcast %shift_right_logical3A_50 : i32 to vector<16xi32>
    %shift_right_logical3A_52 = arith.shrui %get3A_42, %shift_right_logical3A_51 : vector<16xi32>
    %swap3A_53 = arith.constant 32 : index
    %swap3A_54 = tpu.vector_load %arg9[%swap3A_53] {strides = array<i32>} : memref<128xi32, #tpu.memory_space<vmem>>, vector<16xi32>,
    %swap3A_55 = vector.shape_cast %swap3A_54 : vector<16xi32> to vector<16xi32>
    %swap3A_56 = vector.shape_cast %shift_right_logical3A_52 : vector<16xi32> to vector<16xi32>
    tpu.vector_store %arg9[%swap3A_53], %swap3A_56 {strides = array<i32>} : memref<128xi32, #tpu.memory_space<vmem>>, vector<16xi32>,
    %get3A_57 = arith.constant 0 : i32
    %get3A_58 = arith.index_cast %get3A_57 : i32 to index
    %get3A_59 = arith.constant 48 : index
    %get3A_60 = tpu.vector_load %arg6[%get3A_58, %get3A_59] {strides = array<i32>} : memref<79x128xi32, #tpu.memory_space<vmem>>, vector<1x16xi32>,
    %get3A_61 = vector.shape_cast %get3A_60 : vector<1x16xi32> to vector<16xi32>
    %and3A_62 = arith.constant 65535 : i32
    %and3A_63 = vector.broadcast %and3A_62 : i32 to vector<16xi32>
    %and3A_64 = arith.andi %get3A_61, %and3A_63 : vector<16xi32>
    %swap3A_65 = arith.constant 48 : index
    %swap3A_66 = tpu.vector_load %arg7[%swap3A_65] {strides = array<i32>} : memref<128xi32, #tpu.memory_space<vmem>>, vector<16xi32>,
    %swap3A_67 = vector.shape_cast %swap3A_66 : vector<16xi32> to vector<16xi32>
    %swap3A_68 = vector.shape_cast %and3A_64 : vector<16xi32> to vector<16xi32>
    tpu.vector_store %arg7[%swap3A_65], %swap3A_68 {strides = array<i32>} : memref<128xi32, #tpu.memory_space<vmem>>, vector<16xi32>,
    %shift_right_logical3A_69 = arith.constant 16 : i32
    %shift_right_logical3A_70 = vector.broadcast %shift_right_logical3A_69 : i32 to vector<16xi32>
    %shift_right_logical3A_71 = arith.shrui %get3A_61, %shift_right_logical3A_70 : vector<16xi32>
    %swap3A_72 = arith.constant 48 : index
    %swap3A_73 = tpu.vector_load %arg9[%swap3A_72] {strides = array<i32>} : memref<128xi32, #tpu.memory_space<vmem>>, vector<16xi32>,
    %swap3A_74 = vector.shape_cast %swap3A_73 : vector<16xi32> to vector<16xi32>
    %swap3A_75 = vector.shape_cast %shift_right_logical3A_71 : vector<16xi32> to vector<16xi32>
    tpu.vector_store %arg9[%swap3A_72], %swap3A_75 {strides = array<i32>} : memref<128xi32, #tpu.memory_space<vmem>>, vector<16xi32>,
    %get3A_76 = arith.constant 0 : i32
    %get3A_77 = arith.index_cast %get3A_76 : i32 to index
    %get3A_78 = arith.constant 64 : index
    %get3A_79 = tpu.vector_load %arg6[%get3A_77, %get3A_78] {strides = array<i32>} : memref<79x128xi32, #tpu.memory_space<vmem>>, vector<1x16xi32>,
    %get3A_80 = vector.shape_cast %get3A_79 : vector<1x16xi32> to vector<16xi32>
    %and3A_81 = arith.constant 65535 : i32
    %and3A_82 = vector.broadcast %and3A_81 : i32 to vector<16xi32>
    %and3A_83 = arith.andi %get3A_80, %and3A_82 : vector<16xi32>
    %swap3A_84 = arith.constant 64 : index
    %swap3A_85 = tpu.vector_load %arg7[%swap3A_84] {strides = array<i32>} : memref<128xi32, #tpu.memory_space<vmem>>, vector<16xi32>,
    %swap3A_86 = vector.shape_cast %swap3A_85 : vector<16xi32> to vector<16xi32>
    %swap3A_87 = vector.shape_cast %and3A_83 : vector<16xi32> to vector<16xi32>
    tpu.vector_store %arg7[%swap3A_84], %swap3A_87 {strides = array<i32>} : memref<128xi32, #tpu.memory_space<vmem>>, vector<16xi32>,
    %shift_right_logical3A_88 = arith.constant 16 : i32
    %shift_right_logical3A_89 = vector.broadcast %shift_right_logical3A_88 : i32 to vector<16xi32>
    %shift_right_logical3A_90 = arith.shrui %get3A_80, %shift_right_logical3A_89 : vector<16xi32>
    %swap3A_91 = arith.constant 64 : index
    %swap3A_92 = tpu.vector_load %arg9[%swap3A_91] {strides = array<i32>} : memref<128xi32, #tpu.memory_space<vmem>>, vector<16xi32>,
    %swap3A_93 = vector.shape_cast %swap3A_92 : vector<16xi32> to vector<16xi32>
    %swap3A_94 = vector.shape_cast %shift_right_logical3A_90 : vector<16xi32> to vector<16xi32>
    tpu.vector_store %arg9[%swap3A_91], %swap3A_94 {strides = array<i32>} : memref<128xi32, #tpu.memory_space<vmem>>, vector<16xi32>,
    %get3A_95 = arith.constant 0 : i32
    %get3A_96 = arith.index_cast %get3A_95 : i32 to index
    %get3A_97 = arith.constant 80 : index
    %get3A_98 = tpu.vector_load %arg6[%get3A_96, %get3A_97] {strides = array<i32>} : memref<79x128xi32, #tpu.memory_space<vmem>>, vector<1x16xi32>,
    %get3A_99 = vector.shape_cast %get3A_98 : vector<1x16xi32> to vector<16xi32>
    %and3A_100 = arith.constant 65535 : i32
    %and3A_101 = vector.broadcast %and3A_100 : i32 to vector<16xi32>
    %and3A_102 = arith.andi %get3A_99, %and3A_101 : vector<16xi32>
    %swap3A_103 = arith.constant 80 : index
    %swap3A_104 = tpu.vector_load %arg7[%swap3A_103] {strides = array<i32>} : memref<128xi32, #tpu.memory_space<vmem>>, vector<16xi32>,
    %swap3A_105 = vector.shape_cast %swap3A_104 : vector<16xi32> to vector<16xi32>
    %swap3A_106 = vector.shape_cast %and3A_102 : vector<16xi32> to vector<16xi32>
    tpu.vector_store %arg7[%swap3A_103], %swap3A_106 {strides = array<i32>} : memref<128xi32, #tpu.memory_space<vmem>>, vector<16xi32>,
    %shift_right_logical3A_107 = arith.constant 16 : i32
    %shift_right_logical3A_108 = vector.broadcast %shift_right_logical3A_107 : i32 to vector<16xi32>
    %shift_right_logical3A_109 = arith.shrui %get3A_99, %shift_right_logical3A_108 : vector<16xi32>
    %swap3A_110 = arith.constant 80 : index
    %swap3A_111 = tpu.vector_load %arg9[%swap3A_110] {strides = array<i32>} : memref<128xi32, #tpu.memory_space<vmem>>, vector<16xi32>,
    %swap3A_112 = vector.shape_cast %swap3A_111 : vector<16xi32> to vector<16xi32>
    %swap3A_113 = vector.shape_cast %shift_right_logical3A_109 : vector<16xi32> to vector<16xi32>
    tpu.vector_store %arg9[%swap3A_110], %swap3A_113 {strides = array<i32>} : memref<128xi32, #tpu.memory_space<vmem>>, vector<16xi32>,
    %get3A_114 = arith.constant 0 : i32
    %get3A_115 = arith.index_cast %get3A_114 : i32 to index
    %get3A_116 = arith.constant 96 : index
    %get3A_117 = tpu.vector_load %arg6[%get3A_115, %get3A_116] {strides = array<i32>} : memref<79x128xi32, #tpu.memory_space<vmem>>, vector<1x16xi32>,
    %get3A_118 = vector.shape_cast %get3A_117 : vector<1x16xi32> to vector<16xi32>
    %and3A_119 = arith.constant 65535 : i32
    %and3A_120 = vector.broadcast %and3A_119 : i32 to vector<16xi32>
    %and3A_121 = arith.andi %get3A_118, %and3A_120 : vector<16xi32>
    %swap3A_122 = arith.constant 96 : index
    %swap3A_123 = tpu.vector_load %arg7[%swap3A_122] {strides = array<i32>} : memref<128xi32, #tpu.memory_space<vmem>>, vector<16xi32>,
    %swap3A_124 = vector.shape_cast %swap3A_123 : vector<16xi32> to vector<16xi32>
    %swap3A_125 = vector.shape_cast %and3A_121 : vector<16xi32> to vector<16xi32>
    tpu.vector_store %arg7[%swap3A_122], %swap3A_125 {strides = array<i32>} : memref<128xi32, #tpu.memory_space<vmem>>, vector<16xi32>,
    %shift_right_logical3A_126 = arith.constant 16 : i32
    %shift_right_logical3A_127 = vector.broadcast %shift_right_logical3A_126 : i32 to vector<16xi32>
    %shift_right_logical3A_128 = arith.shrui %get3A_118, %shift_right_logical3A_127 : vector<16xi32>
    %swap3A_129 = arith.constant 96 : index
    %swap3A_130 = tpu.vector_load %arg9[%swap3A_129] {strides = array<i32>} : memref<128xi32, #tpu.memory_space<vmem>>, vector<16xi32>,
    %swap3A_131 = vector.shape_cast %swap3A_130 : vector<16xi32> to vector<16xi32>
    %swap3A_132 = vector.shape_cast %shift_right_logical3A_128 : vector<16xi32> to vector<16xi32>
    tpu.vector_store %arg9[%swap3A_129], %swap3A_132 {strides = array<i32>} : memref<128xi32, #tpu.memory_space<vmem>>, vector<16xi32>,
    %get3A_133 = arith.constant 0 : i32
    %get3A_134 = arith.index_cast %get3A_133 : i32 to index
    %get3A_135 = arith.constant 112 : index
    %get3A_136 = tpu.vector_load %arg6[%get3A_134, %get3A_135] {strides = array<i32>} : memref<79x128xi32, #tpu.memory_space<vmem>>, vector<1x16xi32>,
    %get3A_137 = vector.shape_cast %get3A_136 : vector<1x16xi32> to vector<16xi32>
    %and3A_138 = arith.constant 65535 : i32
    %and3A_139 = vector.broadcast %and3A_138 : i32 to vector<16xi32>
    %and3A_140 = arith.andi %get3A_137, %and3A_139 : vector<16xi32>
    %swap3A_141 = arith.constant 112 : index
    %swap3A_142 = tpu.vector_load %arg7[%swap3A_141] {strides = array<i32>} : memref<128xi32, #tpu.memory_space<vmem>>, vector<16xi32>,
    %swap3A_143 = vector.shape_cast %swap3A_142 : vector<16xi32> to vector<16xi32>
    %swap3A_144 = vector.shape_cast %and3A_140 : vector<16xi32> to vector<16xi32>
    tpu.vector_store %arg7[%swap3A_141], %swap3A_144 {strides = array<i32>} : memref<128xi32, #tpu.memory_space<vmem>>, vector<16xi32>,
    %shift_right_logical3A_145 = arith.constant 16 : i32
    %shift_right_logical3A_146 = vector.broadcast %shift_right_logical3A_145 : i32 to vector<16xi32>
    %shift_right_logical3A_147 = arith.shrui %get3A_137, %shift_right_logical3A_146 : vector<16xi32>
    %swap3A_148 = arith.constant 112 : index
    %swap3A_149 = tpu.vector_load %arg9[%swap3A_148] {strides = array<i32>} : memref<128xi32, #tpu.memory_space<vmem>>, vector<16xi32>,
    %swap3A_150 = vector.shape_cast %swap3A_149 : vector<16xi32> to vector<16xi32>
    %swap3A_151 = vector.shape_cast %shift_right_logical3A_147 : vector<16xi32> to vector<16xi32>
    tpu.vector_store %arg9[%swap3A_148], %swap3A_151 {strides = array<i32>} : memref<128xi32, #tpu.memory_space<vmem>>, vector<16xi32>,
    %dma_start3A_152 = arith.constant 0 : i32
    %dma_start3A_153 = arith.constant 0 : i32
    %dma_start3A_154 = tpu.memref_slice %arg2[%dma_start3A_152, %dma_start3A_153] : memref<10240x128xf32, #tpu.memory_space<hbm>> -> memref<10240x128xf32, #tpu.memory_space<hbm>>
    tpu.enqueue_indirect_dma source(%dma_start3A_154 : memref<10240x128xf32, #tpu.memory_space<hbm>>) target(%arg11 : memref<128x128xf32, #tpu.memory_space<vmem>>) offsets(%arg7 : memref<128xi32, #tpu.memory_space<vmem>>) semaphore(%arg14 : memref<!tpu.dma_semaphore, #tpu.memory_space<semaphore_mem>>)
    %dma_wait3A = arith.constant 0 : i32
    %dma_wait3A_155 = tpu.memref_slice %arg13[%mul3A_0, %dma_wait3A] : memref<10240x128xf32, #tpu.memory_space<vmem_shared>> -> memref<640x128xf32, #tpu.memory_space<vmem_shared>>
    %dma_wait3A_156 = arith.constant 0 : i32
    %dma_wait3A_157 = tpu.memref_slice %arg4[%mul3A_0, %dma_wait3A_156] : memref<10240x128xf32, #tpu.memory_space<hbm>> -> memref<640x128xf32, #tpu.memory_space<hbm>>
    tpu.wait_dma2 semaphore(%arg16 : memref<!tpu.dma_semaphore, #tpu.memory_space<semaphore_mem>>) src(%dma_wait3A_157 : memref<640x128xf32, #tpu.memory_space<hbm>>) dst(%dma_wait3A_155 : memref<640x128xf32, #tpu.memory_space<vmem_shared>>)
    %barrier3A = arith.constant 0 : index
    tpu.barrier barrier_id(%barrier3A)
    %scan3A = arith.constant 0 : i32
    %scan3A_158 = arith.constant 0 : i32
    %scan3A_159 = arith.constant 39 : i32
    %scan3A_160 = arith.addi %scan3A_158, %scan3A_159 : i32
    %scan3A_161 = arith.constant 1 : i32
    scf.for %scan3A_167 = %scan3A_158 to %scan3A_160 step %scan3A_161  : i32 {
      %mul3A_168 = arith.constant 2 : i32
      %mul3A_169 = arith.muli %mul3A_168, %scan3A_167 : i32
      %add3A = arith.constant 1 : i32
      %add3A_170 = arith.addi %mul3A_169, %add3A : i32
      %get3A_171 = arith.index_cast %add3A_170 : i32 to index
      %get3A_172 = arith.constant 0 : index
      %get3A_173 = tpu.vector_load %arg6[%get3A_171, %get3A_172] {strides = array<i32>} : memref<79x128xi32, #tpu.memory_space<vmem>>, vector<1x16xi32>,
      %get3A_174 = vector.shape_cast %get3A_173 : vector<1x16xi32> to vector<16xi32>
      %and3A_175 = arith.constant 65535 : i32
      %and3A_176 = vector.broadcast %and3A_175 : i32 to vector<16xi32>
      %and3A_177 = arith.andi %get3A_174, %and3A_176 : vector<16xi32>
      %swap3A_178 = arith.constant 0 : index
      %swap3A_179 = tpu.vector_load %arg8[%swap3A_178] {strides = array<i32>} : memref<128xi32, #tpu.memory_space<vmem>>, vector<16xi32>,
      %swap3A_180 = vector.shape_cast %swap3A_179 : vector<16xi32> to vector<16xi32>
      %swap3A_181 = vector.shape_cast %and3A_177 : vector<16xi32> to vector<16xi32>
      tpu.vector_store %arg8[%swap3A_178], %swap3A_181 {strides = array<i32>} : memref<128xi32, #tpu.memory_space<vmem>>, vector<16xi32>,
      %shift_right_logical3A_182 = arith.constant 16 : i32
      %shift_right_logical3A_183 = vector.broadcast %shift_right_logical3A_182 : i32 to vector<16xi32>
      %shift_right_logical3A_184 = arith.shrui %get3A_174, %shift_right_logical3A_183 : vector<16xi32>
      %swap3A_185 = arith.constant 0 : index
      %swap3A_186 = tpu.vector_load %arg10[%swap3A_185] {strides = array<i32>} : memref<128xi32, #tpu.memory_space<vmem>>, vector<16xi32>,
      %swap3A_187 = vector.shape_cast %swap3A_186 : vector<16xi32> to vector<16xi32>
      %swap3A_188 = vector.shape_cast %shift_right_logical3A_184 : vector<16xi32> to vector<16xi32>
      tpu.vector_store %arg10[%swap3A_185], %swap3A_188 {strides = array<i32>} : memref<128xi32, #tpu.memory_space<vmem>>, vector<16xi32>,
      %get3A_189 = arith.index_cast %add3A_170 : i32 to index
      %get3A_190 = arith.constant 16 : index
      %get3A_191 = tpu.vector_load %arg6[%get3A_189, %get3A_190] {strides = array<i32>} : memref<79x128xi32, #tpu.memory_space<vmem>>, vector<1x16xi32>,
      %get3A_192 = vector.shape_cast %get3A_191 : vector<1x16xi32> to vector<16xi32>
      %and3A_193 = arith.constant 65535 : i32
      %and3A_194 = vector.broadcast %and3A_193 : i32 to vector<16xi32>
      %and3A_195 = arith.andi %get3A_192, %and3A_194 : vector<16xi32>
      %swap3A_196 = arith.constant 16 : index
      %swap3A_197 = tpu.vector_load %arg8[%swap3A_196] {strides = array<i32>} : memref<128xi32, #tpu.memory_space<vmem>>, vector<16xi32>,
      %swap3A_198 = vector.shape_cast %swap3A_197 : vector<16xi32> to vector<16xi32>
      %swap3A_199 = vector.shape_cast %and3A_195 : vector<16xi32> to vector<16xi32>
      tpu.vector_store %arg8[%swap3A_196], %swap3A_199 {strides = array<i32>} : memref<128xi32, #tpu.memory_space<vmem>>, vector<16xi32>,
      %shift_right_logical3A_200 = arith.constant 16 : i32
      %shift_right_logical3A_201 = vector.broadcast %shift_right_logical3A_200 : i32 to vector<16xi32>
      %shift_right_logical3A_202 = arith.shrui %get3A_192, %shift_right_logical3A_201 : vector<16xi32>
      %swap3A_203 = arith.constant 16 : index
      %swap3A_204 = tpu.vector_load %arg10[%swap3A_203] {strides = array<i32>} : memref<128xi32, #tpu.memory_space<vmem>>, vector<16xi32>,
      %swap3A_205 = vector.shape_cast %swap3A_204 : vector<16xi32> to vector<16xi32>
      %swap3A_206 = vector.shape_cast %shift_right_logical3A_202 : vector<16xi32> to vector<16xi32>
      tpu.vector_store %arg10[%swap3A_203], %swap3A_206 {strides = array<i32>} : memref<128xi32, #tpu.memory_space<vmem>>, vector<16xi32>,
      %get3A_207 = arith.index_cast %add3A_170 : i32 to index
      %get3A_208 = arith.constant 32 : index
      %get3A_209 = tpu.vector_load %arg6[%get3A_207, %get3A_208] {strides = array<i32>} : memref<79x128xi32, #tpu.memory_space<vmem>>, vector<1x16xi32>,
      %get3A_210 = vector.shape_cast %get3A_209 : vector<1x16xi32> to vector<16xi32>
      %and3A_211 = arith.constant 65535 : i32
      %and3A_212 = vector.broadcast %and3A_211 : i32 to vector<16xi32>
      %and3A_213 = arith.andi %get3A_210, %and3A_212 : vector<16xi32>
      %swap3A_214 = arith.constant 32 : index
      %swap3A_215 = tpu.vector_load %arg8[%swap3A_214] {strides = array<i32>} : memref<128xi32, #tpu.memory_space<vmem>>, vector<16xi32>,
      %swap3A_216 = vector.shape_cast %swap3A_215 : vector<16xi32> to vector<16xi32>
      %swap3A_217 = vector.shape_cast %and3A_213 : vector<16xi32> to vector<16xi32>
      tpu.vector_store %arg8[%swap3A_214], %swap3A_217 {strides = array<i32>} : memref<128xi32, #tpu.memory_space<vmem>>, vector<16xi32>,
      %shift_right_logical3A_218 = arith.constant 16 : i32
      %shift_right_logical3A_219 = vector.broadcast %shift_right_logical3A_218 : i32 to vector<16xi32>
      %shift_right_logical3A_220 = arith.shrui %get3A_210, %shift_right_logical3A_219 : vector<16xi32>
      %swap3A_221 = arith.constant 32 : index
      %swap3A_222 = tpu.vector_load %arg10[%swap3A_221] {strides = array<i32>} : memref<128xi32, #tpu.memory_space<vmem>>, vector<16xi32>,
      %swap3A_223 = vector.shape_cast %swap3A_222 : vector<16xi32> to vector<16xi32>
      %swap3A_224 = vector.shape_cast %shift_right_logical3A_220 : vector<16xi32> to vector<16xi32>
      tpu.vector_store %arg10[%swap3A_221], %swap3A_224 {strides = array<i32>} : memref<128xi32, #tpu.memory_space<vmem>>, vector<16xi32>,
      %get3A_225 = arith.index_cast %add3A_170 : i32 to index
      %get3A_226 = arith.constant 48 : index
      %get3A_227 = tpu.vector_load %arg6[%get3A_225, %get3A_226] {strides = array<i32>} : memref<79x128xi32, #tpu.memory_space<vmem>>, vector<1x16xi32>,
      %get3A_228 = vector.shape_cast %get3A_227 : vector<1x16xi32> to vector<16xi32>
      %and3A_229 = arith.constant 65535 : i32
      %and3A_230 = vector.broadcast %and3A_229 : i32 to vector<16xi32>
      %and3A_231 = arith.andi %get3A_228, %and3A_230 : vector<16xi32>
      %swap3A_232 = arith.constant 48 : index
      %swap3A_233 = tpu.vector_load %arg8[%swap3A_232] {strides = array<i32>} : memref<128xi32, #tpu.memory_space<vmem>>, vector<16xi32>,
      %swap3A_234 = vector.shape_cast %swap3A_233 : vector<16xi32> to vector<16xi32>
      %swap3A_235 = vector.shape_cast %and3A_231 : vector<16xi32> to vector<16xi32>
      tpu.vector_store %arg8[%swap3A_232], %swap3A_235 {strides = array<i32>} : memref<128xi32, #tpu.memory_space<vmem>>, vector<16xi32>,
      %shift_right_logical3A_236 = arith.constant 16 : i32
      %shift_right_logical3A_237 = vector.broadcast %shift_right_logical3A_236 : i32 to vector<16xi32>
      %shift_right_logical3A_238 = arith.shrui %get3A_228, %shift_right_logical3A_237 : vector<16xi32>
      %swap3A_239 = arith.constant 48 : index
      %swap3A_240 = tpu.vector_load %arg10[%swap3A_239] {strides = array<i32>} : memref<128xi32, #tpu.memory_space<vmem>>, vector<16xi32>,
      %swap3A_241 = vector.shape_cast %swap3A_240 : vector<16xi32> to vector<16xi32>
      %swap3A_242 = vector.shape_cast %shift_right_logical3A_238 : vector<16xi32> to vector<16xi32>
      tpu.vector_store %arg10[%swap3A_239], %swap3A_242 {strides = array<i32>} : memref<128xi32, #tpu.memory_space<vmem>>, vector<16xi32>,
      %get3A_243 = arith.index_cast %add3A_170 : i32 to index
      %get3A_244 = arith.constant 64 : index
      %get3A_245 = tpu.vector_load %arg6[%get3A_243, %get3A_244] {strides = array<i32>} : memref<79x128xi32, #tpu.memory_space<vmem>>, vector<1x16xi32>,
      %get3A_246 = vector.shape_cast %get3A_245 : vector<1x16xi32> to vector<16xi32>
      %and3A_247 = arith.constant 65535 : i32
      %and3A_248 = vector.broadcast %and3A_247 : i32 to vector<16xi32>
      %and3A_249 = arith.andi %get3A_246, %and3A_248 : vector<16xi32>
      %swap3A_250 = arith.constant 64 : index
      %swap3A_251 = tpu.vector_load %arg8[%swap3A_250] {strides = array<i32>} : memref<128xi32, #tpu.memory_space<vmem>>, vector<16xi32>,
      %swap3A_252 = vector.shape_cast %swap3A_251 : vector<16xi32> to vector<16xi32>
      %swap3A_253 = vector.shape_cast %and3A_249 : vector<16xi32> to vector<16xi32>
      tpu.vector_store %arg8[%swap3A_250], %swap3A_253 {strides = array<i32>} : memref<128xi32, #tpu.memory_space<vmem>>, vector<16xi32>,
      %shift_right_logical3A_254 = arith.constant 16 : i32
      %shift_right_logical3A_255 = vector.broadcast %shift_right_logical3A_254 : i32 to vector<16xi32>
      %shift_right_logical3A_256 = arith.shrui %get3A_246, %shift_right_logical3A_255 : vector<16xi32>
      %swap3A_257 = arith.constant 64 : index
      %swap3A_258 = tpu.vector_load %arg10[%swap3A_257] {strides = array<i32>} : memref<128xi32, #tpu.memory_space<vmem>>, vector<16xi32>,
      %swap3A_259 = vector.shape_cast %swap3A_258 : vector<16xi32> to vector<16xi32>
      %swap3A_260 = vector.shape_cast %shift_right_logical3A_256 : vector<16xi32> to vector<16xi32>
      tpu.vector_store %arg10[%swap3A_257], %swap3A_260 {strides = array<i32>} : memref<128xi32, #tpu.memory_space<vmem>>, vector<16xi32>,
      %get3A_261 = arith.index_cast %add3A_170 : i32 to index
      %get3A_262 = arith.constant 80 : index
      %get3A_263 = tpu.vector_load %arg6[%get3A_261, %get3A_262] {strides = array<i32>} : memref<79x128xi32, #tpu.memory_space<vmem>>, vector<1x16xi32>,
      %get3A_264 = vector.shape_cast %get3A_263 : vector<1x16xi32> to vector<16xi32>
      %and3A_265 = arith.constant 65535 : i32
      %and3A_266 = vector.broadcast %and3A_265 : i32 to vector<16xi32>
      %and3A_267 = arith.andi %get3A_264, %and3A_266 : vector<16xi32>
      %swap3A_268 = arith.constant 80 : index
      %swap3A_269 = tpu.vector_load %arg8[%swap3A_268] {strides = array<i32>} : memref<128xi32, #tpu.memory_space<vmem>>, vector<16xi32>,
      %swap3A_270 = vector.shape_cast %swap3A_269 : vector<16xi32> to vector<16xi32>
      %swap3A_271 = vector.shape_cast %and3A_267 : vector<16xi32> to vector<16xi32>
      tpu.vector_store %arg8[%swap3A_268], %swap3A_271 {strides = array<i32>} : memref<128xi32, #tpu.memory_space<vmem>>, vector<16xi32>,
      %shift_right_logical3A_272 = arith.constant 16 : i32
      %shift_right_logical3A_273 = vector.broadcast %shift_right_logical3A_272 : i32 to vector<16xi32>
      %shift_right_logical3A_274 = arith.shrui %get3A_264, %shift_right_logical3A_273 : vector<16xi32>
      %swap3A_275 = arith.constant 80 : index
      %swap3A_276 = tpu.vector_load %arg10[%swap3A_275] {strides = array<i32>} : memref<128xi32, #tpu.memory_space<vmem>>, vector<16xi32>,
      %swap3A_277 = vector.shape_cast %swap3A_276 : vector<16xi32> to vector<16xi32>
      %swap3A_278 = vector.shape_cast %shift_right_logical3A_274 : vector<16xi32> to vector<16xi32>
      tpu.vector_store %arg10[%swap3A_275], %swap3A_278 {strides = array<i32>} : memref<128xi32, #tpu.memory_space<vmem>>, vector<16xi32>,
      %get3A_279 = arith.index_cast %add3A_170 : i32 to index
      %get3A_280 = arith.constant 96 : index
      %get3A_281 = tpu.vector_load %arg6[%get3A_279, %get3A_280] {strides = array<i32>} : memref<79x128xi32, #tpu.memory_space<vmem>>, vector<1x16xi32>,
      %get3A_282 = vector.shape_cast %get3A_281 : vector<1x16xi32> to vector<16xi32>
      %and3A_283 = arith.constant 65535 : i32
      %and3A_284 = vector.broadcast %and3A_283 : i32 to vector<16xi32>
      %and3A_285 = arith.andi %get3A_282, %and3A_284 : vector<16xi32>
      %swap3A_286 = arith.constant 96 : index
      %swap3A_287 = tpu.vector_load %arg8[%swap3A_286] {strides = array<i32>} : memref<128xi32, #tpu.memory_space<vmem>>, vector<16xi32>,
      %swap3A_288 = vector.shape_cast %swap3A_287 : vector<16xi32> to vector<16xi32>
      %swap3A_289 = vector.shape_cast %and3A_285 : vector<16xi32> to vector<16xi32>
      tpu.vector_store %arg8[%swap3A_286], %swap3A_289 {strides = array<i32>} : memref<128xi32, #tpu.memory_space<vmem>>, vector<16xi32>,
      %shift_right_logical3A_290 = arith.constant 16 : i32
      %shift_right_logical3A_291 = vector.broadcast %shift_right_logical3A_290 : i32 to vector<16xi32>
      %shift_right_logical3A_292 = arith.shrui %get3A_282, %shift_right_logical3A_291 : vector<16xi32>
      %swap3A_293 = arith.constant 96 : index
      %swap3A_294 = tpu.vector_load %arg10[%swap3A_293] {strides = array<i32>} : memref<128xi32, #tpu.memory_space<vmem>>, vector<16xi32>,
      %swap3A_295 = vector.shape_cast %swap3A_294 : vector<16xi32> to vector<16xi32>
      %swap3A_296 = vector.shape_cast %shift_right_logical3A_292 : vector<16xi32> to vector<16xi32>
      tpu.vector_store %arg10[%swap3A_293], %swap3A_296 {strides = array<i32>} : memref<128xi32, #tpu.memory_space<vmem>>, vector<16xi32>,
      %get3A_297 = arith.index_cast %add3A_170 : i32 to index
      %get3A_298 = arith.constant 112 : index
      %get3A_299 = tpu.vector_load %arg6[%get3A_297, %get3A_298] {strides = array<i32>} : memref<79x128xi32, #tpu.memory_space<vmem>>, vector<1x16xi32>,
      %get3A_300 = vector.shape_cast %get3A_299 : vector<1x16xi32> to vector<16xi32>
      %and3A_301 = arith.constant 65535 : i32
      %and3A_302 = vector.broadcast %and3A_301 : i32 to vector<16xi32>
      %and3A_303 = arith.andi %get3A_300, %and3A_302 : vector<16xi32>
      %swap3A_304 = arith.constant 112 : index
      %swap3A_305 = tpu.vector_load %arg8[%swap3A_304] {strides = array<i32>} : memref<128xi32, #tpu.memory_space<vmem>>, vector<16xi32>,
      %swap3A_306 = vector.shape_cast %swap3A_305 : vector<16xi32> to vector<16xi32>
      %swap3A_307 = vector.shape_cast %and3A_303 : vector<16xi32> to vector<16xi32>
      tpu.vector_store %arg8[%swap3A_304], %swap3A_307 {strides = array<i32>} : memref<128xi32, #tpu.memory_space<vmem>>, vector<16xi32>,
      %shift_right_logical3A_308 = arith.constant 16 : i32
      %shift_right_logical3A_309 = vector.broadcast %shift_right_logical3A_308 : i32 to vector<16xi32>
      %shift_right_logical3A_310 = arith.shrui %get3A_300, %shift_right_logical3A_309 : vector<16xi32>
      %swap3A_311 = arith.constant 112 : index
      %swap3A_312 = tpu.vector_load %arg10[%swap3A_311] {strides = array<i32>} : memref<128xi32, #tpu.memory_space<vmem>>, vector<16xi32>,
      %swap3A_313 = vector.shape_cast %swap3A_312 : vector<16xi32> to vector<16xi32>
      %swap3A_314 = vector.shape_cast %shift_right_logical3A_310 : vector<16xi32> to vector<16xi32>
      tpu.vector_store %arg10[%swap3A_311], %swap3A_314 {strides = array<i32>} : memref<128xi32, #tpu.memory_space<vmem>>, vector<16xi32>,
      %dma_start3A_315 = arith.constant 0 : i32
      %dma_start3A_316 = arith.constant 0 : i32
      %dma_start3A_317 = tpu.memref_slice %arg2[%dma_start3A_315, %dma_start3A_316] : memref<10240x128xf32, #tpu.memory_space<hbm>> -> memref<10240x128xf32, #tpu.memory_space<hbm>>
      tpu.enqueue_indirect_dma source(%dma_start3A_317 : memref<10240x128xf32, #tpu.memory_space<hbm>>) target(%arg12 : memref<128x128xf32, #tpu.memory_space<vmem>>) offsets(%arg8 : memref<128xi32, #tpu.memory_space<vmem>>) semaphore(%arg15 : memref<!tpu.dma_semaphore, #tpu.memory_space<semaphore_mem>>)
      %dma_wait3A_318 = arith.constant 0 : i32
      %dma_wait3A_319 = arith.constant 0 : i32
      %dma_wait3A_320 = tpu.memref_slice %arg2[%dma_wait3A_318, %dma_wait3A_319] : memref<10240x128xf32, #tpu.memory_space<hbm>> -> memref<10240x128xf32, #tpu.memory_space<hbm>>
      tpu.wait_indirect_dma semaphore(%arg14 : memref<!tpu.dma_semaphore, #tpu.memory_space<semaphore_mem>>) src(%dma_wait3A_320 : memref<10240x128xf32, #tpu.memory_space<hbm>>) dst(%arg11 : memref<128x128xf32, #tpu.memory_space<vmem>>)
      "tpu.region"() ({
        %run_scoped3A = tpu.sem_alloc : memref<!tpu.dma_semaphore, #tpu.memory_space<semaphore_mem>>
        %dma_start3A_473 = arith.constant 0 : i32
        %dma_start3A_474 = arith.constant 0 : i32
        %dma_start3A_475 = tpu.memref_slice %arg13[%dma_start3A_473, %dma_start3A_474] : memref<10240x128xf32, #tpu.memory_space<vmem_shared>> -> memref<10240x128xf32, #tpu.memory_space<vmem_shared>>
        tpu.enqueue_indirect_dma source(%arg11 : memref<128x128xf32, #tpu.memory_space<vmem>>) target(%dma_start3A_475 : memref<10240x128xf32, #tpu.memory_space<vmem_shared>>) offsets(%arg9 : memref<128xi32, #tpu.memory_space<vmem>>) semaphore(%run_scoped3A : memref<!tpu.dma_semaphore, #tpu.memory_space<semaphore_mem>>) {add = true}
        %dma_wait3A_476 = arith.constant 0 : i32
        %dma_wait3A_477 = arith.constant 0 : i32
        %dma_wait3A_478 = tpu.memref_slice %arg13[%dma_wait3A_476, %dma_wait3A_477] : memref<10240x128xf32, #tpu.memory_space<vmem_shared>> -> memref<10240x128xf32, #tpu.memory_space<vmem_shared>>
        tpu.wait_indirect_dma semaphore(%run_scoped3A : memref<!tpu.dma_semaphore, #tpu.memory_space<semaphore_mem>>) src(%arg11 : memref<128x128xf32, #tpu.memory_space<vmem>>) dst(%dma_wait3A_478 : memref<10240x128xf32, #tpu.memory_space<vmem_shared>>)
        tpu.yield
      }) : () -> ()
      %add3A_321 = arith.constant 2 : i32
      %add3A_322 = arith.addi %mul3A_169, %add3A_321 : i32
      %get3A_323 = arith.index_cast %add3A_322 : i32 to index
      %get3A_324 = arith.constant 0 : index
      %get3A_325 = tpu.vector_load %arg6[%get3A_323, %get3A_324] {strides = array<i32>} : memref<79x128xi32, #tpu.memory_space<vmem>>, vector<1x16xi32>,
      %get3A_326 = vector.shape_cast %get3A_325 : vector<1x16xi32> to vector<16xi32>
      %and3A_327 = arith.constant 65535 : i32
      %and3A_328 = vector.broadcast %and3A_327 : i32 to vector<16xi32>
      %and3A_329 = arith.andi %get3A_326, %and3A_328 : vector<16xi32>
      %swap3A_330 = arith.constant 0 : index
      %swap3A_331 = tpu.vector_load %arg7[%swap3A_330] {strides = array<i32>} : memref<128xi32, #tpu.memory_space<vmem>>, vector<16xi32>,
      %swap3A_332 = vector.shape_cast %swap3A_331 : vector<16xi32> to vector<16xi32>
      %swap3A_333 = vector.shape_cast %and3A_329 : vector<16xi32> to vector<16xi32>
      tpu.vector_store %arg7[%swap3A_330], %swap3A_333 {strides = array<i32>} : memref<128xi32, #tpu.memory_space<vmem>>, vector<16xi32>,
      %shift_right_logical3A_334 = arith.constant 16 : i32
      %shift_right_logical3A_335 = vector.broadcast %shift_right_logical3A_334 : i32 to vector<16xi32>
      %shift_right_logical3A_336 = arith.shrui %get3A_326, %shift_right_logical3A_335 : vector<16xi32>
      %swap3A_337 = arith.constant 0 : index
      %swap3A_338 = tpu.vector_load %arg9[%swap3A_337] {strides = array<i32>} : memref<128xi32, #tpu.memory_space<vmem>>, vector<16xi32>,
      %swap3A_339 = vector.shape_cast %swap3A_338 : vector<16xi32> to vector<16xi32>
      %swap3A_340 = vector.shape_cast %shift_right_logical3A_336 : vector<16xi32> to vector<16xi32>
      tpu.vector_store %arg9[%swap3A_337], %swap3A_340 {strides = array<i32>} : memref<128xi32, #tpu.memory_space<vmem>>, vector<16xi32>,
      %get3A_341 = arith.index_cast %add3A_322 : i32 to index
      %get3A_342 = arith.constant 16 : index
      %get3A_343 = tpu.vector_load %arg6[%get3A_341, %get3A_342] {strides = array<i32>} : memref<79x128xi32, #tpu.memory_space<vmem>>, vector<1x16xi32>,
      %get3A_344 = vector.shape_cast %get3A_343 : vector<1x16xi32> to vector<16xi32>
      %and3A_345 = arith.constant 65535 : i32
      %and3A_346 = vector.broadcast %and3A_345 : i32 to vector<16xi32>
      %and3A_347 = arith.andi %get3A_344, %and3A_346 : vector<16xi32>
      %swap3A_348 = arith.constant 16 : index
      %swap3A_349 = tpu.vector_load %arg7[%swap3A_348] {strides = array<i32>} : memref<128xi32, #tpu.memory_space<vmem>>, vector<16xi32>,
      %swap3A_350 = vector.shape_cast %swap3A_349 : vector<16xi32> to vector<16xi32>
      %swap3A_351 = vector.shape_cast %and3A_347 : vector<16xi32> to vector<16xi32>
      tpu.vector_store %arg7[%swap3A_348], %swap3A_351 {strides = array<i32>} : memref<128xi32, #tpu.memory_space<vmem>>, vector<16xi32>,
      %shift_right_logical3A_352 = arith.constant 16 : i32
      %shift_right_logical3A_353 = vector.broadcast %shift_right_logical3A_352 : i32 to vector<16xi32>
      %shift_right_logical3A_354 = arith.shrui %get3A_344, %shift_right_logical3A_353 : vector<16xi32>
      %swap3A_355 = arith.constant 16 : index
      %swap3A_356 = tpu.vector_load %arg9[%swap3A_355] {strides = array<i32>} : memref<128xi32, #tpu.memory_space<vmem>>, vector<16xi32>,
      %swap3A_357 = vector.shape_cast %swap3A_356 : vector<16xi32> to vector<16xi32>
      %swap3A_358 = vector.shape_cast %shift_right_logical3A_354 : vector<16xi32> to vector<16xi32>
      tpu.vector_store %arg9[%swap3A_355], %swap3A_358 {strides = array<i32>} : memref<128xi32, #tpu.memory_space<vmem>>, vector<16xi32>,
      %get3A_359 = arith.index_cast %add3A_322 : i32 to index
      %get3A_360 = arith.constant 32 : index
      %get3A_361 = tpu.vector_load %arg6[%get3A_359, %get3A_360] {strides = array<i32>} : memref<79x128xi32, #tpu.memory_space<vmem>>, vector<1x16xi32>,
      %get3A_362 = vector.shape_cast %get3A_361 : vector<1x16xi32> to vector<16xi32>
      %and3A_363 = arith.constant 65535 : i32
      %and3A_364 = vector.broadcast %and3A_363 : i32 to vector<16xi32>
      %and3A_365 = arith.andi %get3A_362, %and3A_364 : vector<16xi32>
      %swap3A_366 = arith.constant 32 : index
      %swap3A_367 = tpu.vector_load %arg7[%swap3A_366] {strides = array<i32>} : memref<128xi32, #tpu.memory_space<vmem>>, vector<16xi32>,
      %swap3A_368 = vector.shape_cast %swap3A_367 : vector<16xi32> to vector<16xi32>
      %swap3A_369 = vector.shape_cast %and3A_365 : vector<16xi32> to vector<16xi32>
      tpu.vector_store %arg7[%swap3A_366], %swap3A_369 {strides = array<i32>} : memref<128xi32, #tpu.memory_space<vmem>>, vector<16xi32>,
      %shift_right_logical3A_370 = arith.constant 16 : i32
      %shift_right_logical3A_371 = vector.broadcast %shift_right_logical3A_370 : i32 to vector<16xi32>
      %shift_right_logical3A_372 = arith.shrui %get3A_362, %shift_right_logical3A_371 : vector<16xi32>
      %swap3A_373 = arith.constant 32 : index
      %swap3A_374 = tpu.vector_load %arg9[%swap3A_373] {strides = array<i32>} : memref<128xi32, #tpu.memory_space<vmem>>, vector<16xi32>,
      %swap3A_375 = vector.shape_cast %swap3A_374 : vector<16xi32> to vector<16xi32>
      %swap3A_376 = vector.shape_cast %shift_right_logical3A_372 : vector<16xi32> to vector<16xi32>
      tpu.vector_store %arg9[%swap3A_373], %swap3A_376 {strides = array<i32>} : memref<128xi32, #tpu.memory_space<vmem>>, vector<16xi32>,
      %get3A_377 = arith.index_cast %add3A_322 : i32 to index
      %get3A_378 = arith.constant 48 : index
      %get3A_379 = tpu.vector_load %arg6[%get3A_377, %get3A_378] {strides = array<i32>} : memref<79x128xi32, #tpu.memory_space<vmem>>, vector<1x16xi32>,
      %get3A_380 = vector.shape_cast %get3A_379 : vector<1x16xi32> to vector<16xi32>
      %and3A_381 = arith.constant 65535 : i32
      %and3A_382 = vector.broadcast %and3A_381 : i32 to vector<16xi32>
      %and3A_383 = arith.andi %get3A_380, %and3A_382 : vector<16xi32>
      %swap3A_384 = arith.constant 48 : index
      %swap3A_385 = tpu.vector_load %arg7[%swap3A_384] {strides = array<i32>} : memref<128xi32, #tpu.memory_space<vmem>>, vector<16xi32>,
      %swap3A_386 = vector.shape_cast %swap3A_385 : vector<16xi32> to vector<16xi32>
      %swap3A_387 = vector.shape_cast %and3A_383 : vector<16xi32> to vector<16xi32>
      tpu.vector_store %arg7[%swap3A_384], %swap3A_387 {strides = array<i32>} : memref<128xi32, #tpu.memory_space<vmem>>, vector<16xi32>,
      %shift_right_logical3A_388 = arith.constant 16 : i32
      %shift_right_logical3A_389 = vector.broadcast %shift_right_logical3A_388 : i32 to vector<16xi32>
      %shift_right_logical3A_390 = arith.shrui %get3A_380, %shift_right_logical3A_389 : vector<16xi32>
      %swap3A_391 = arith.constant 48 : index
      %swap3A_392 = tpu.vector_load %arg9[%swap3A_391] {strides = array<i32>} : memref<128xi32, #tpu.memory_space<vmem>>, vector<16xi32>,
      %swap3A_393 = vector.shape_cast %swap3A_392 : vector<16xi32> to vector<16xi32>
      %swap3A_394 = vector.shape_cast %shift_right_logical3A_390 : vector<16xi32> to vector<16xi32>
      tpu.vector_store %arg9[%swap3A_391], %swap3A_394 {strides = array<i32>} : memref<128xi32, #tpu.memory_space<vmem>>, vector<16xi32>,
      %get3A_395 = arith.index_cast %add3A_322 : i32 to index
      %get3A_396 = arith.constant 64 : index
      %get3A_397 = tpu.vector_load %arg6[%get3A_395, %get3A_396] {strides = array<i32>} : memref<79x128xi32, #tpu.memory_space<vmem>>, vector<1x16xi32>,
      %get3A_398 = vector.shape_cast %get3A_397 : vector<1x16xi32> to vector<16xi32>
      %and3A_399 = arith.constant 65535 : i32
      %and3A_400 = vector.broadcast %and3A_399 : i32 to vector<16xi32>
      %and3A_401 = arith.andi %get3A_398, %and3A_400 : vector<16xi32>
      %swap3A_402 = arith.constant 64 : index
      %swap3A_403 = tpu.vector_load %arg7[%swap3A_402] {strides = array<i32>} : memref<128xi32, #tpu.memory_space<vmem>>, vector<16xi32>,
      %swap3A_404 = vector.shape_cast %swap3A_403 : vector<16xi32> to vector<16xi32>
      %swap3A_405 = vector.shape_cast %and3A_401 : vector<16xi32> to vector<16xi32>
      tpu.vector_store %arg7[%swap3A_402], %swap3A_405 {strides = array<i32>} : memref<128xi32, #tpu.memory_space<vmem>>, vector<16xi32>,
      %shift_right_logical3A_406 = arith.constant 16 : i32
      %shift_right_logical3A_407 = vector.broadcast %shift_right_logical3A_406 : i32 to vector<16xi32>
      %shift_right_logical3A_408 = arith.shrui %get3A_398, %shift_right_logical3A_407 : vector<16xi32>
      %swap3A_409 = arith.constant 64 : index
      %swap3A_410 = tpu.vector_load %arg9[%swap3A_409] {strides = array<i32>} : memref<128xi32, #tpu.memory_space<vmem>>, vector<16xi32>,
      %swap3A_411 = vector.shape_cast %swap3A_410 : vector<16xi32> to vector<16xi32>
      %swap3A_412 = vector.shape_cast %shift_right_logical3A_408 : vector<16xi32> to vector<16xi32>
      tpu.vector_store %arg9[%swap3A_409], %swap3A_412 {strides = array<i32>} : memref<128xi32, #tpu.memory_space<vmem>>, vector<16xi32>,
      %get3A_413 = arith.index_cast %add3A_322 : i32 to index
      %get3A_414 = arith.constant 80 : index
      %get3A_415 = tpu.vector_load %arg6[%get3A_413, %get3A_414] {strides = array<i32>} : memref<79x128xi32, #tpu.memory_space<vmem>>, vector<1x16xi32>,
      %get3A_416 = vector.shape_cast %get3A_415 : vector<1x16xi32> to vector<16xi32>
      %and3A_417 = arith.constant 65535 : i32
      %and3A_418 = vector.broadcast %and3A_417 : i32 to vector<16xi32>
      %and3A_419 = arith.andi %get3A_416, %and3A_418 : vector<16xi32>
      %swap3A_420 = arith.constant 80 : index
      %swap3A_421 = tpu.vector_load %arg7[%swap3A_420] {strides = array<i32>} : memref<128xi32, #tpu.memory_space<vmem>>, vector<16xi32>,
      %swap3A_422 = vector.shape_cast %swap3A_421 : vector<16xi32> to vector<16xi32>
      %swap3A_423 = vector.shape_cast %and3A_419 : vector<16xi32> to vector<16xi32>
      tpu.vector_store %arg7[%swap3A_420], %swap3A_423 {strides = array<i32>} : memref<128xi32, #tpu.memory_space<vmem>>, vector<16xi32>,
      %shift_right_logical3A_424 = arith.constant 16 : i32
      %shift_right_logical3A_425 = vector.broadcast %shift_right_logical3A_424 : i32 to vector<16xi32>
      %shift_right_logical3A_426 = arith.shrui %get3A_416, %shift_right_logical3A_425 : vector<16xi32>
      %swap3A_427 = arith.constant 80 : index
      %swap3A_428 = tpu.vector_load %arg9[%swap3A_427] {strides = array<i32>} : memref<128xi32, #tpu.memory_space<vmem>>, vector<16xi32>,
      %swap3A_429 = vector.shape_cast %swap3A_428 : vector<16xi32> to vector<16xi32>
      %swap3A_430 = vector.shape_cast %shift_right_logical3A_426 : vector<16xi32> to vector<16xi32>
      tpu.vector_store %arg9[%swap3A_427], %swap3A_430 {strides = array<i32>} : memref<128xi32, #tpu.memory_space<vmem>>, vector<16xi32>,
      %get3A_431 = arith.index_cast %add3A_322 : i32 to index
      %get3A_432 = arith.constant 96 : index
      %get3A_433 = tpu.vector_load %arg6[%get3A_431, %get3A_432] {strides = array<i32>} : memref<79x128xi32, #tpu.memory_space<vmem>>, vector<1x16xi32>,
      %get3A_434 = vector.shape_cast %get3A_433 : vector<1x16xi32> to vector<16xi32>
      %and3A_435 = arith.constant 65535 : i32
      %and3A_436 = vector.broadcast %and3A_435 : i32 to vector<16xi32>
      %and3A_437 = arith.andi %get3A_434, %and3A_436 : vector<16xi32>
      %swap3A_438 = arith.constant 96 : index
      %swap3A_439 = tpu.vector_load %arg7[%swap3A_438] {strides = array<i32>} : memref<128xi32, #tpu.memory_space<vmem>>, vector<16xi32>,
      %swap3A_440 = vector.shape_cast %swap3A_439 : vector<16xi32> to vector<16xi32>
      %swap3A_441 = vector.shape_cast %and3A_437 : vector<16xi32> to vector<16xi32>
      tpu.vector_store %arg7[%swap3A_438], %swap3A_441 {strides = array<i32>} : memref<128xi32, #tpu.memory_space<vmem>>, vector<16xi32>,
      %shift_right_logical3A_442 = arith.constant 16 : i32
      %shift_right_logical3A_443 = vector.broadcast %shift_right_logical3A_442 : i32 to vector<16xi32>
      %shift_right_logical3A_444 = arith.shrui %get3A_434, %shift_right_logical3A_443 : vector<16xi32>
      %swap3A_445 = arith.constant 96 : index
      %swap3A_446 = tpu.vector_load %arg9[%swap3A_445] {strides = array<i32>} : memref<128xi32, #tpu.memory_space<vmem>>, vector<16xi32>,
      %swap3A_447 = vector.shape_cast %swap3A_446 : vector<16xi32> to vector<16xi32>
      %swap3A_448 = vector.shape_cast %shift_right_logical3A_444 : vector<16xi32> to vector<16xi32>
      tpu.vector_store %arg9[%swap3A_445], %swap3A_448 {strides = array<i32>} : memref<128xi32, #tpu.memory_space<vmem>>, vector<16xi32>,
      %get3A_449 = arith.index_cast %add3A_322 : i32 to index
      %get3A_450 = arith.constant 112 : index
      %get3A_451 = tpu.vector_load %arg6[%get3A_449, %get3A_450] {strides = array<i32>} : memref<79x128xi32, #tpu.memory_space<vmem>>, vector<1x16xi32>,
      %get3A_452 = vector.shape_cast %get3A_451 : vector<1x16xi32> to vector<16xi32>
      %and3A_453 = arith.constant 65535 : i32
      %and3A_454 = vector.broadcast %and3A_453 : i32 to vector<16xi32>
      %and3A_455 = arith.andi %get3A_452, %and3A_454 : vector<16xi32>
      %swap3A_456 = arith.constant 112 : index
      %swap3A_457 = tpu.vector_load %arg7[%swap3A_456] {strides = array<i32>} : memref<128xi32, #tpu.memory_space<vmem>>, vector<16xi32>,
      %swap3A_458 = vector.shape_cast %swap3A_457 : vector<16xi32> to vector<16xi32>
      %swap3A_459 = vector.shape_cast %and3A_455 : vector<16xi32> to vector<16xi32>
      tpu.vector_store %arg7[%swap3A_456], %swap3A_459 {strides = array<i32>} : memref<128xi32, #tpu.memory_space<vmem>>, vector<16xi32>,
      %shift_right_logical3A_460 = arith.constant 16 : i32
      %shift_right_logical3A_461 = vector.broadcast %shift_right_logical3A_460 : i32 to vector<16xi32>
      %shift_right_logical3A_462 = arith.shrui %get3A_452, %shift_right_logical3A_461 : vector<16xi32>
      %swap3A_463 = arith.constant 112 : index
      %swap3A_464 = tpu.vector_load %arg9[%swap3A_463] {strides = array<i32>} : memref<128xi32, #tpu.memory_space<vmem>>, vector<16xi32>,
      %swap3A_465 = vector.shape_cast %swap3A_464 : vector<16xi32> to vector<16xi32>
      %swap3A_466 = vector.shape_cast %shift_right_logical3A_462 : vector<16xi32> to vector<16xi32>
      tpu.vector_store %arg9[%swap3A_463], %swap3A_466 {strides = array<i32>} : memref<128xi32, #tpu.memory_space<vmem>>, vector<16xi32>,
      %dma_start3A_467 = arith.constant 0 : i32
      %dma_start3A_468 = arith.constant 0 : i32
      %dma_start3A_469 = tpu.memref_slice %arg2[%dma_start3A_467, %dma_start3A_468] : memref<10240x128xf32, #tpu.memory_space<hbm>> -> memref<10240x128xf32, #tpu.memory_space<hbm>>
      tpu.enqueue_indirect_dma source(%dma_start3A_469 : memref<10240x128xf32, #tpu.memory_space<hbm>>) target(%arg11 : memref<128x128xf32, #tpu.memory_space<vmem>>) offsets(%arg7 : memref<128xi32, #tpu.memory_space<vmem>>) semaphore(%arg14 : memref<!tpu.dma_semaphore, #tpu.memory_space<semaphore_mem>>)
      %dma_wait3A_470 = arith.constant 0 : i32
      %dma_wait3A_471 = arith.constant 0 : i32
      %dma_wait3A_472 = tpu.memref_slice %arg2[%dma_wait3A_470, %dma_wait3A_471] : memref<10240x128xf32, #tpu.memory_space<hbm>> -> memref<10240x128xf32, #tpu.memory_space<hbm>>
      tpu.wait_indirect_dma semaphore(%arg15 : memref<!tpu.dma_semaphore, #tpu.memory_space<semaphore_mem>>) src(%dma_wait3A_472 : memref<10240x128xf32, #tpu.memory_space<hbm>>) dst(%arg12 : memref<128x128xf32, #tpu.memory_space<vmem>>)
      "tpu.region"() ({
        %run_scoped3A = tpu.sem_alloc : memref<!tpu.dma_semaphore, #tpu.memory_space<semaphore_mem>>
        %dma_start3A_473 = arith.constant 0 : i32
        %dma_start3A_474 = arith.constant 0 : i32
        %dma_start3A_475 = tpu.memref_slice %arg13[%dma_start3A_473, %dma_start3A_474] : memref<10240x128xf32, #tpu.memory_space<vmem_shared>> -> memref<10240x128xf32, #tpu.memory_space<vmem_shared>>
        tpu.enqueue_indirect_dma source(%arg12 : memref<128x128xf32, #tpu.memory_space<vmem>>) target(%dma_start3A_475 : memref<10240x128xf32, #tpu.memory_space<vmem_shared>>) offsets(%arg10 : memref<128xi32, #tpu.memory_space<vmem>>) semaphore(%run_scoped3A : memref<!tpu.dma_semaphore, #tpu.memory_space<semaphore_mem>>) {add = true}
        %dma_wait3A_476 = arith.constant 0 : i32
        %dma_wait3A_477 = arith.constant 0 : i32
        %dma_wait3A_478 = tpu.memref_slice %arg13[%dma_wait3A_476, %dma_wait3A_477] : memref<10240x128xf32, #tpu.memory_space<vmem_shared>> -> memref<10240x128xf32, #tpu.memory_space<vmem_shared>>
        tpu.wait_indirect_dma semaphore(%run_scoped3A : memref<!tpu.dma_semaphore, #tpu.memory_space<semaphore_mem>>) src(%arg12 : memref<128x128xf32, #tpu.memory_space<vmem>>) dst(%dma_wait3A_478 : memref<10240x128xf32, #tpu.memory_space<vmem_shared>>)
        tpu.yield
      }) : () -> ()
    }
    %scan3A_162 = arith.constant 39 : i32
    %dma_wait3A_163 = arith.constant 0 : i32
    %dma_wait3A_164 = arith.constant 0 : i32
    %dma_wait3A_165 = tpu.memref_slice %arg2[%dma_wait3A_163, %dma_wait3A_164] : memref<10240x128xf32, #tpu.memory_space<hbm>> -> memref<10240x128xf32, #tpu.memory_space<hbm>>
    tpu.wait_indirect_dma semaphore(%arg14 : memref<!tpu.dma_semaphore, #tpu.memory_space<semaphore_mem>>) src(%dma_wait3A_165 : memref<10240x128xf32, #tpu.memory_space<hbm>>) dst(%arg11 : memref<128x128xf32, #tpu.memory_space<vmem>>)
    "tpu.region"() ({
      %run_scoped3A = tpu.sem_alloc : memref<!tpu.dma_semaphore, #tpu.memory_space<semaphore_mem>>
      %dma_start3A_167 = arith.constant 0 : i32
      %dma_start3A_168 = arith.constant 0 : i32
      %dma_start3A_169 = tpu.memref_slice %arg13[%dma_start3A_167, %dma_start3A_168] : memref<10240x128xf32, #tpu.memory_space<vmem_shared>> -> memref<10240x128xf32, #tpu.memory_space<vmem_shared>>
      tpu.enqueue_indirect_dma source(%arg11 : memref<128x128xf32, #tpu.memory_space<vmem>>) target(%dma_start3A_169 : memref<10240x128xf32, #tpu.memory_space<vmem_shared>>) offsets(%arg9 : memref<128xi32, #tpu.memory_space<vmem>>) semaphore(%run_scoped3A : memref<!tpu.dma_semaphore, #tpu.memory_space<semaphore_mem>>) {add = true}
      %dma_wait3A_170 = arith.constant 0 : i32
      %dma_wait3A_171 = arith.constant 0 : i32
      %dma_wait3A_172 = tpu.memref_slice %arg13[%dma_wait3A_170, %dma_wait3A_171] : memref<10240x128xf32, #tpu.memory_space<vmem_shared>> -> memref<10240x128xf32, #tpu.memory_space<vmem_shared>>
      tpu.wait_indirect_dma semaphore(%run_scoped3A : memref<!tpu.dma_semaphore, #tpu.memory_space<semaphore_mem>>) src(%arg11 : memref<128x128xf32, #tpu.memory_space<vmem>>) dst(%dma_wait3A_172 : memref<10240x128xf32, #tpu.memory_space<vmem_shared>>)
      tpu.yield
    }) : () -> ()
    %barrier3A_166 = arith.constant 0 : index
    tpu.barrier barrier_id(%barrier3A_166)
    "tpu.region"() ({
      %run_scoped3A = tpu.sem_alloc : memref<!tpu.dma_semaphore, #tpu.memory_space<semaphore_mem>>
      %dma_start3A_167 = arith.constant 0 : i32
      %dma_start3A_168 = tpu.memref_slice %arg5[%arg0, %mul3A_0, %dma_start3A_167] : memref<2x10240x128xf32, #tpu.memory_space<hbm>> -> memref<1x640x128xf32, #tpu.memory_space<hbm>>
      %dma_start3A_169 = tpu.memref_squeeze %dma_start3A_168 : memref<1x640x128xf32, #tpu.memory_space<hbm>> -> memref<640x128xf32, #tpu.memory_space<hbm>>
      %dma_start3A_170 = arith.constant 0 : i32
      %dma_start3A_171 = tpu.memref_slice %arg13[%mul3A_0, %dma_start3A_170] : memref<10240x128xf32, #tpu.memory_space<vmem_shared>> -> memref<640x128xf32, #tpu.memory_space<vmem_shared>>
      tpu.enqueue_dma source(%dma_start3A_171 : memref<640x128xf32, #tpu.memory_space<vmem_shared>>) target(%dma_start3A_169 : memref<640x128xf32, #tpu.memory_space<hbm>>) target_semaphore(%run_scoped3A : memref<!tpu.dma_semaphore, #tpu.memory_space<semaphore_mem>>)
      %dma_wait3A_172 = arith.constant 0 : i32
      %dma_wait3A_173 = tpu.memref_slice %arg5[%arg0, %mul3A_0, %dma_wait3A_172] : memref<2x10240x128xf32, #tpu.memory_space<hbm>> -> memref<1x640x128xf32, #tpu.memory_space<hbm>>
      %dma_wait3A_174 = tpu.memref_squeeze %dma_wait3A_173 : memref<1x640x128xf32, #tpu.memory_space<hbm>> -> memref<640x128xf32, #tpu.memory_space<hbm>>
      %dma_wait3A_175 = arith.constant 0 : i32
      %dma_wait3A_176 = tpu.memref_slice %arg13[%mul3A_0, %dma_wait3A_175] : memref<10240x128xf32, #tpu.memory_space<vmem_shared>> -> memref<640x128xf32, #tpu.memory_space<vmem_shared>>
      tpu.wait_dma2 semaphore(%run_scoped3A : memref<!tpu.dma_semaphore, #tpu.memory_space<semaphore_mem>>) src(%dma_wait3A_176 : memref<640x128xf32, #tpu.memory_space<vmem_shared>>) dst(%dma_wait3A_174 : memref<640x128xf32, #tpu.memory_space<hbm>>)
      tpu.yield
    }) : () -> ()
    return
  }
}

module attributes {stable_mosaic.version = 14 : i64} {
  func.func @_k0_body(%arg0: i32, %arg1: memref<640x128xf32, #tpu.memory_space<vmem>>, %arg2: memref<128x128xf32, #tpu.memory_space<vmem>>, %arg3: memref<640x2xf32, #tpu.memory_space<vmem>>, %arg4: memref<640x128xf32, #tpu.memory_space<vmem>>) attributes {dimension_semantics = [#tpu.dimension_semantics<arbitrary>], iteration_bounds = array<i64: 16>, scalar_prefetch = 0 : i64, scratch_operands = 0 : i64, tpu.core_type = #tpu.core_type<tc>, window_params = [{transform_indices = @transform_0, window_bounds = array<i64: 640, 128>}, {pipeline_mode = #tpu.pipeline_mode<synchronous>, transform_indices = @transform_1, window_bounds = array<i64: 128, 128>}, {transform_indices = @transform_2, window_bounds = array<i64: 640, 2>}, {transform_indices = @transform_3, window_bounds = array<i64: 640, 128>}]} {
    %get3A = arith.constant 0 : index
    %get3A_0 = arith.constant 0 : index
    %get3A_1 = vector.load %arg1[%get3A, %get3A_0] : memref<640x128xf32, #tpu.memory_space<vmem>>, vector<640x128xf32>
    %get3A_2 = arith.constant 0 : index
    %get3A_3 = arith.constant 0 : index
    %get3A_4 = vector.load %arg2[%get3A_2, %get3A_3] : memref<128x128xf32, #tpu.memory_space<vmem>>, vector<128x128xf32>
    %dot_general3A = arith.constant dense<0.000000e+00> : vector<640x128xf32>
    %dot_general3A_5 = tpu.matmul %get3A_1, %get3A_4, %dot_general3A {dimension_numbers = #tpu.dot_dimension_numbers<[1], [0], [0], [1], [0, 0, 1, 1], [], []>, transpose_lhs_hint = false} : vector<640x128xf32>, vector<128x128xf32>, vector<640x128xf32> -> vector<640x128xf32>
    %get3A_6 = arith.constant 0 : index
    %get3A_7 = arith.constant 0 : index
    %get3A_8 = vector.load %arg3[%get3A_6, %get3A_7] : memref<640x2xf32, #tpu.memory_space<vmem>>, vector<640x1xf32>
    %get3A_9 = arith.constant 0 : index
    %get3A_10 = arith.constant 1 : index
    %get3A_11 = vector.load %arg3[%get3A_9, %get3A_10] : memref<640x2xf32, #tpu.memory_space<vmem>>, vector<640x1xf32>
    %add3A = arith.addf %get3A_8, %get3A_11 : vector<640x1xf32>
    %add3A_12 = arith.constant 1.000000e+00 : f32
    %add3A_13 = vector.broadcast %add3A_12 : f32 to vector<640x1xf32>
    %add3A_14 = arith.addf %add3A, %add3A_13 : vector<640x1xf32>
    %rsqrt3A = math.rsqrt %add3A_14 : vector<640x1xf32>
    %mul3A = vector.broadcast %rsqrt3A : vector<640x1xf32> to vector<640x128xf32>
    %mul3A_15 = arith.mulf %dot_general3A_5, %mul3A : vector<640x128xf32>
    %swap3A = arith.constant 0 : index
    %swap3A_16 = arith.constant 0 : index
    %swap3A_17 = vector.load %arg4[%swap3A, %swap3A_16] : memref<640x128xf32, #tpu.memory_space<vmem>>, vector<640x128xf32>
    tpu.vector_store %arg4[%swap3A, %swap3A_16], %mul3A_15 {strides = array<i32>} : memref<640x128xf32, #tpu.memory_space<vmem>>, vector<640x128xf32>,
    return
  }
  func.func @transform_0(%arg0: i32) -> (i32, i32) {
    %c0_i32 = arith.constant 0 : i32
    %c0_i32_0 = arith.constant 0 : i32
    return %arg0, %c0_i32 : i32, i32
  }
  func.func @transform_1(%arg0: i32) -> (i32, i32) {
    %c0_i32 = arith.constant 0 : i32
    %c0_i32_0 = arith.constant 0 : i32
    %c0_i32_1 = arith.constant 0 : i32
    return %c0_i32, %c0_i32_0 : i32, i32
  }
  func.func @transform_2(%arg0: i32) -> (i32, i32) {
    %c0_i32 = arith.constant 0 : i32
    %c0_i32_0 = arith.constant 0 : i32
    return %arg0, %c0_i32 : i32, i32
  }
  func.func @transform_3(%arg0: i32) -> (i32, i32) {
    %c0_i32 = arith.constant 0 : i32
    %c0_i32_0 = arith.constant 0 : i32
    return %arg0, %c0_i32 : i32, i32
  }
}

module attributes {stable_mosaic.version = 14 : i64} {
  func.func @_kmid_body(%arg0: i32, %arg1: memref<2x640x128xf32, #tpu.memory_space<vmem>>, %arg2: memref<640x128xf32, #tpu.memory_space<vmem>>, %arg3: memref<640x2xf32, #tpu.memory_space<vmem>>, %arg4: memref<128x128xf32, #tpu.memory_space<vmem>>, %arg5: memref<640x128xf32, #tpu.memory_space<vmem>>) attributes {dimension_semantics = [#tpu.dimension_semantics<arbitrary>], iteration_bounds = array<i64: 16>, scalar_prefetch = 0 : i64, scratch_operands = 0 : i64, tpu.core_type = #tpu.core_type<tc>, window_params = [{transform_indices = @transform_0, window_bounds = array<i64: 2, 640, 128>}, {transform_indices = @transform_1, window_bounds = array<i64: 640, 128>}, {transform_indices = @transform_2, window_bounds = array<i64: 640, 2>}, {pipeline_mode = #tpu.pipeline_mode<synchronous>, transform_indices = @transform_3, window_bounds = array<i64: 128, 128>}, {transform_indices = @transform_4, window_bounds = array<i64: 640, 128>}]} {
    %get3A = arith.constant 0 : index
    %get3A_0 = arith.constant 0 : index
    %get3A_1 = vector.load %arg3[%get3A, %get3A_0] : memref<640x2xf32, #tpu.memory_space<vmem>>, vector<640x1xf32>
    %get3A_2 = arith.constant 0 : index
    %get3A_3 = arith.constant 1 : index
    %get3A_4 = vector.load %arg3[%get3A_2, %get3A_3] : memref<640x2xf32, #tpu.memory_space<vmem>>, vector<640x1xf32>
    %add3A = arith.addf %get3A_1, %get3A_4 : vector<640x1xf32>
    %add3A_5 = arith.constant 1.000000e+00 : f32
    %add3A_6 = vector.broadcast %add3A_5 : f32 to vector<640x1xf32>
    %add3A_7 = arith.addf %add3A, %add3A_6 : vector<640x1xf32>
    %rsqrt3A = math.rsqrt %add3A_7 : vector<640x1xf32>
    %get3A_8 = arith.constant 0 : index
    %get3A_9 = arith.constant 0 : index
    %get3A_10 = arith.constant 0 : index
    %get3A_11 = vector.load %arg1[%get3A_8, %get3A_9, %get3A_10] : memref<2x640x128xf32, #tpu.memory_space<vmem>>, vector<1x640x128xf32>
    %get3A_12 = vector.shape_cast %get3A_11 : vector<1x640x128xf32> to vector<640x128xf32>
    %get3A_13 = arith.constant 1 : index
    %get3A_14 = arith.constant 0 : index
    %get3A_15 = arith.constant 0 : index
    %get3A_16 = vector.load %arg1[%get3A_13, %get3A_14, %get3A_15] : memref<2x640x128xf32, #tpu.memory_space<vmem>>, vector<1x640x128xf32>
    %get3A_17 = vector.shape_cast %get3A_16 : vector<1x640x128xf32> to vector<640x128xf32>
    %add3A_18 = arith.addf %get3A_12, %get3A_17 : vector<640x128xf32>
    %get3A_19 = arith.constant 0 : index
    %get3A_20 = arith.constant 0 : index
    %get3A_21 = vector.load %arg2[%get3A_19, %get3A_20] : memref<640x128xf32, #tpu.memory_space<vmem>>, vector<640x128xf32>
    %add3A_22 = arith.addf %add3A_18, %get3A_21 : vector<640x128xf32>
    %mul3A = arith.constant 0.999994993 : f32
    %mul3A_23 = vector.broadcast %mul3A : f32 to vector<640x1xf32>
    %mul3A_24 = arith.mulf %mul3A_23, %rsqrt3A : vector<640x1xf32>
    %mul3A_25 = vector.broadcast %mul3A_24 : vector<640x1xf32> to vector<640x128xf32>
    %mul3A_26 = arith.mulf %mul3A_25, %add3A_22 : vector<640x128xf32>
    %max3A = arith.constant 0.000000e+00 : f32
    %max3A_27 = vector.broadcast %max3A : f32 to vector<640x128xf32>
    %max3A_28 = arith.maximumf %mul3A_26, %max3A_27 : vector<640x128xf32>
    %get3A_29 = arith.constant 0 : index
    %get3A_30 = arith.constant 0 : index
    %get3A_31 = vector.load %arg4[%get3A_29, %get3A_30] : memref<128x128xf32, #tpu.memory_space<vmem>>, vector<128x128xf32>
    %dot_general3A = arith.constant dense<0.000000e+00> : vector<640x128xf32>
    %dot_general3A_32 = tpu.matmul %max3A_28, %get3A_31, %dot_general3A {dimension_numbers = #tpu.dot_dimension_numbers<[1], [0], [0], [1], [0, 0, 1, 1], [], []>, transpose_lhs_hint = false} : vector<640x128xf32>, vector<128x128xf32>, vector<640x128xf32> -> vector<640x128xf32>
    %mul3A_33 = vector.broadcast %rsqrt3A : vector<640x1xf32> to vector<640x128xf32>
    %mul3A_34 = arith.mulf %dot_general3A_32, %mul3A_33 : vector<640x128xf32>
    %swap3A = arith.constant 0 : index
    %swap3A_35 = arith.constant 0 : index
    %swap3A_36 = vector.load %arg5[%swap3A, %swap3A_35] : memref<640x128xf32, #tpu.memory_space<vmem>>, vector<640x128xf32>
    tpu.vector_store %arg5[%swap3A, %swap3A_35], %mul3A_34 {strides = array<i32>} : memref<640x128xf32, #tpu.memory_space<vmem>>, vector<640x128xf32>,
    return
  }
  func.func @transform_0(%arg0: i32) -> (i32, i32, i32) {
    %c0_i32 = arith.constant 0 : i32
    %c0_i32_0 = arith.constant 0 : i32
    %c0_i32_1 = arith.constant 0 : i32
    return %c0_i32, %arg0, %c0_i32_0 : i32, i32, i32
  }
  func.func @transform_1(%arg0: i32) -> (i32, i32) {
    %c0_i32 = arith.constant 0 : i32
    %c0_i32_0 = arith.constant 0 : i32
    return %arg0, %c0_i32 : i32, i32
  }
  func.func @transform_2(%arg0: i32) -> (i32, i32) {
    %c0_i32 = arith.constant 0 : i32
    %c0_i32_0 = arith.constant 0 : i32
    return %arg0, %c0_i32 : i32, i32
  }
  func.func @transform_3(%arg0: i32) -> (i32, i32) {
    %c0_i32 = arith.constant 0 : i32
    %c0_i32_0 = arith.constant 0 : i32
    %c0_i32_1 = arith.constant 0 : i32
    return %c0_i32, %c0_i32_0 : i32, i32
  }
  func.func @transform_4(%arg0: i32) -> (i32, i32) {
    %c0_i32 = arith.constant 0 : i32
    %c0_i32_0 = arith.constant 0 : i32
    return %arg0, %c0_i32 : i32, i32
  }
}

module attributes {stable_mosaic.version = 14 : i64} {
  func.func @_kact_body(%arg0: i32, %arg1: memref<2x640x128xf32, #tpu.memory_space<vmem>>, %arg2: memref<640x128xf32, #tpu.memory_space<vmem>>, %arg3: memref<640x2xf32, #tpu.memory_space<vmem>>, %arg4: memref<640x128xf32, #tpu.memory_space<vmem>>) attributes {dimension_semantics = [#tpu.dimension_semantics<arbitrary>], iteration_bounds = array<i64: 16>, scalar_prefetch = 0 : i64, scratch_operands = 0 : i64, tpu.core_type = #tpu.core_type<tc>, window_params = [{transform_indices = @transform_0, window_bounds = array<i64: 2, 640, 128>}, {transform_indices = @transform_1, window_bounds = array<i64: 640, 128>}, {transform_indices = @transform_2, window_bounds = array<i64: 640, 2>}, {transform_indices = @transform_3, window_bounds = array<i64: 640, 128>}]} {
    %get3A = arith.constant 0 : index
    %get3A_0 = arith.constant 0 : index
    %get3A_1 = vector.load %arg3[%get3A, %get3A_0] : memref<640x2xf32, #tpu.memory_space<vmem>>, vector<640x1xf32>
    %get3A_2 = arith.constant 0 : index
    %get3A_3 = arith.constant 1 : index
    %get3A_4 = vector.load %arg3[%get3A_2, %get3A_3] : memref<640x2xf32, #tpu.memory_space<vmem>>, vector<640x1xf32>
    %add3A = arith.addf %get3A_1, %get3A_4 : vector<640x1xf32>
    %add3A_5 = arith.constant 1.000000e+00 : f32
    %add3A_6 = vector.broadcast %add3A_5 : f32 to vector<640x1xf32>
    %add3A_7 = arith.addf %add3A, %add3A_6 : vector<640x1xf32>
    %rsqrt3A = math.rsqrt %add3A_7 : vector<640x1xf32>
    %get3A_8 = arith.constant 0 : index
    %get3A_9 = arith.constant 0 : index
    %get3A_10 = arith.constant 0 : index
    %get3A_11 = vector.load %arg1[%get3A_8, %get3A_9, %get3A_10] : memref<2x640x128xf32, #tpu.memory_space<vmem>>, vector<1x640x128xf32>
    %get3A_12 = vector.shape_cast %get3A_11 : vector<1x640x128xf32> to vector<640x128xf32>
    %get3A_13 = arith.constant 1 : index
    %get3A_14 = arith.constant 0 : index
    %get3A_15 = arith.constant 0 : index
    %get3A_16 = vector.load %arg1[%get3A_13, %get3A_14, %get3A_15] : memref<2x640x128xf32, #tpu.memory_space<vmem>>, vector<1x640x128xf32>
    %get3A_17 = vector.shape_cast %get3A_16 : vector<1x640x128xf32> to vector<640x128xf32>
    %add3A_18 = arith.addf %get3A_12, %get3A_17 : vector<640x128xf32>
    %get3A_19 = arith.constant 0 : index
    %get3A_20 = arith.constant 0 : index
    %get3A_21 = vector.load %arg2[%get3A_19, %get3A_20] : memref<640x128xf32, #tpu.memory_space<vmem>>, vector<640x128xf32>
    %add3A_22 = arith.addf %add3A_18, %get3A_21 : vector<640x128xf32>
    %mul3A = arith.constant 0.999994993 : f32
    %mul3A_23 = vector.broadcast %mul3A : f32 to vector<640x1xf32>
    %mul3A_24 = arith.mulf %mul3A_23, %rsqrt3A : vector<640x1xf32>
    %mul3A_25 = vector.broadcast %mul3A_24 : vector<640x1xf32> to vector<640x128xf32>
    %mul3A_26 = arith.mulf %mul3A_25, %add3A_22 : vector<640x128xf32>
    %max3A = arith.constant 0.000000e+00 : f32
    %max3A_27 = vector.broadcast %max3A : f32 to vector<640x128xf32>
    %max3A_28 = arith.maximumf %mul3A_26, %max3A_27 : vector<640x128xf32>
    %mul3A_29 = vector.broadcast %rsqrt3A : vector<640x1xf32> to vector<640x128xf32>
    %mul3A_30 = arith.mulf %max3A_28, %mul3A_29 : vector<640x128xf32>
    %swap3A = arith.constant 0 : index
    %swap3A_31 = arith.constant 0 : index
    %swap3A_32 = vector.load %arg4[%swap3A, %swap3A_31] : memref<640x128xf32, #tpu.memory_space<vmem>>, vector<640x128xf32>
    tpu.vector_store %arg4[%swap3A, %swap3A_31], %mul3A_30 {strides = array<i32>} : memref<640x128xf32, #tpu.memory_space<vmem>>, vector<640x128xf32>,
    return
  }
  func.func @transform_0(%arg0: i32) -> (i32, i32, i32) {
    %c0_i32 = arith.constant 0 : i32
    %c0_i32_0 = arith.constant 0 : i32
    %c0_i32_1 = arith.constant 0 : i32
    return %c0_i32, %arg0, %c0_i32_0 : i32, i32, i32
  }
  func.func @transform_1(%arg0: i32) -> (i32, i32) {
    %c0_i32 = arith.constant 0 : i32
    %c0_i32_0 = arith.constant 0 : i32
    return %arg0, %c0_i32 : i32, i32
  }
  func.func @transform_2(%arg0: i32) -> (i32, i32) {
    %c0_i32 = arith.constant 0 : i32
    %c0_i32_0 = arith.constant 0 : i32
    return %arg0, %c0_i32 : i32, i32
  }
  func.func @transform_3(%arg0: i32) -> (i32, i32) {
    %c0_i32 = arith.constant 0 : i32
    %c0_i32_0 = arith.constant 0 : i32
    return %arg0, %c0_i32 : i32, i32
  }
}

module attributes {stable_mosaic.version = 14 : i64} {
  func.func @_kend_body(%arg0: i32, %arg1: memref<2x640x128xf32, #tpu.memory_space<vmem>>, %arg2: memref<640x128xf32, #tpu.memory_space<vmem>>, %arg3: memref<640x2xf32, #tpu.memory_space<vmem>>, %arg4: memref<128x40xf32, #tpu.memory_space<vmem>>, %arg5: memref<1x40xf32, #tpu.memory_space<vmem>>, %arg6: memref<640x40xf32, #tpu.memory_space<vmem>>) attributes {dimension_semantics = [#tpu.dimension_semantics<arbitrary>], iteration_bounds = array<i64: 16>, scalar_prefetch = 0 : i64, scratch_operands = 0 : i64, tpu.core_type = #tpu.core_type<tc>, window_params = [{transform_indices = @transform_0, window_bounds = array<i64: 2, 640, 128>}, {transform_indices = @transform_1, window_bounds = array<i64: 640, 128>}, {transform_indices = @transform_2, window_bounds = array<i64: 640, 2>}, {pipeline_mode = #tpu.pipeline_mode<synchronous>, transform_indices = @transform_3, window_bounds = array<i64: 128, 40>}, {pipeline_mode = #tpu.pipeline_mode<synchronous>, transform_indices = @transform_4, window_bounds = array<i64: 1, 40>}, {transform_indices = @transform_5, window_bounds = array<i64: 640, 40>}]} {
    %get3A = arith.constant 0 : index
    %get3A_0 = arith.constant 0 : index
    %get3A_1 = vector.load %arg3[%get3A, %get3A_0] : memref<640x2xf32, #tpu.memory_space<vmem>>, vector<640x1xf32>
    %get3A_2 = arith.constant 0 : index
    %get3A_3 = arith.constant 1 : index
    %get3A_4 = vector.load %arg3[%get3A_2, %get3A_3] : memref<640x2xf32, #tpu.memory_space<vmem>>, vector<640x1xf32>
    %add3A = arith.addf %get3A_1, %get3A_4 : vector<640x1xf32>
    %add3A_5 = arith.constant 1.000000e+00 : f32
    %add3A_6 = vector.broadcast %add3A_5 : f32 to vector<640x1xf32>
    %add3A_7 = arith.addf %add3A, %add3A_6 : vector<640x1xf32>
    %rsqrt3A = math.rsqrt %add3A_7 : vector<640x1xf32>
    %get3A_8 = arith.constant 0 : index
    %get3A_9 = arith.constant 0 : index
    %get3A_10 = arith.constant 0 : index
    %get3A_11 = vector.load %arg1[%get3A_8, %get3A_9, %get3A_10] : memref<2x640x128xf32, #tpu.memory_space<vmem>>, vector<1x640x128xf32>
    %get3A_12 = vector.shape_cast %get3A_11 : vector<1x640x128xf32> to vector<640x128xf32>
    %get3A_13 = arith.constant 1 : index
    %get3A_14 = arith.constant 0 : index
    %get3A_15 = arith.constant 0 : index
    %get3A_16 = vector.load %arg1[%get3A_13, %get3A_14, %get3A_15] : memref<2x640x128xf32, #tpu.memory_space<vmem>>, vector<1x640x128xf32>
    %get3A_17 = vector.shape_cast %get3A_16 : vector<1x640x128xf32> to vector<640x128xf32>
    %add3A_18 = arith.addf %get3A_12, %get3A_17 : vector<640x128xf32>
    %get3A_19 = arith.constant 0 : index
    %get3A_20 = arith.constant 0 : index
    %get3A_21 = vector.load %arg2[%get3A_19, %get3A_20] : memref<640x128xf32, #tpu.memory_space<vmem>>, vector<640x128xf32>
    %add3A_22 = arith.addf %add3A_18, %get3A_21 : vector<640x128xf32>
    %mul3A = vector.broadcast %rsqrt3A : vector<640x1xf32> to vector<640x128xf32>
    %mul3A_23 = arith.mulf %mul3A, %add3A_22 : vector<640x128xf32>
    %get3A_24 = arith.constant 0 : index
    %get3A_25 = arith.constant 0 : index
    %get3A_26 = vector.load %arg4[%get3A_24, %get3A_25] : memref<128x40xf32, #tpu.memory_space<vmem>>, vector<128x40xf32>
    %dot_general3A = arith.constant dense<0.000000e+00> : vector<640x40xf32>
    %dot_general3A_27 = tpu.matmul %mul3A_23, %get3A_26, %dot_general3A {dimension_numbers = #tpu.dot_dimension_numbers<[1], [0], [0], [1], [0, 0, 1, 1], [], []>, transpose_lhs_hint = false} : vector<640x128xf32>, vector<128x40xf32>, vector<640x40xf32> -> vector<640x40xf32>
    %get3A_28 = arith.constant 0 : index
    %get3A_29 = arith.constant 0 : index
    %get3A_30 = vector.load %arg5[%get3A_28, %get3A_29] : memref<1x40xf32, #tpu.memory_space<vmem>>, vector<1x40xf32>
    %add3A_31 = vector.broadcast %get3A_30 : vector<1x40xf32> to vector<640x40xf32>
    %add3A_32 = arith.addf %dot_general3A_27, %add3A_31 : vector<640x40xf32>
    %swap3A = arith.constant 0 : index
    %swap3A_33 = arith.constant 0 : index
    %swap3A_34 = vector.load %arg6[%swap3A, %swap3A_33] : memref<640x40xf32, #tpu.memory_space<vmem>>, vector<640x40xf32>
    tpu.vector_store %arg6[%swap3A, %swap3A_33], %add3A_32 {strides = array<i32>} : memref<640x40xf32, #tpu.memory_space<vmem>>, vector<640x40xf32>,
    return
  }
  func.func @transform_0(%arg0: i32) -> (i32, i32, i32) {
    %c0_i32 = arith.constant 0 : i32
    %c0_i32_0 = arith.constant 0 : i32
    %c0_i32_1 = arith.constant 0 : i32
    return %c0_i32, %arg0, %c0_i32_0 : i32, i32, i32
  }
  func.func @transform_1(%arg0: i32) -> (i32, i32) {
    %c0_i32 = arith.constant 0 : i32
    %c0_i32_0 = arith.constant 0 : i32
    return %arg0, %c0_i32 : i32, i32
  }
  func.func @transform_2(%arg0: i32) -> (i32, i32) {
    %c0_i32 = arith.constant 0 : i32
    %c0_i32_0 = arith.constant 0 : i32
    return %arg0, %c0_i32 : i32, i32
  }
  func.func @transform_3(%arg0: i32) -> (i32, i32) {
    %c0_i32 = arith.constant 0 : i32
    %c0_i32_0 = arith.constant 0 : i32
    %c0_i32_1 = arith.constant 0 : i32
    return %c0_i32, %c0_i32_0 : i32, i32
  }
  func.func @transform_4(%arg0: i32) -> (i32, i32) {
    %c0_i32 = arith.constant 0 : i32
    %c0_i32_0 = arith.constant 0 : i32
    %c0_i32_1 = arith.constant 0 : i32
    return %c0_i32, %c0_i32_0 : i32, i32
  }
  func.func @transform_5(%arg0: i32) -> (i32, i32) {
    %c0_i32 = arith.constant 0 : i32
    %c0_i32_0 = arith.constant 0 : i32
    return %arg0, %c0_i32 : i32, i32
  }
}

</mosaic_0001>

<sc_bundles>
// kernel: kernel.10.cloned.1.call-start
scs
__scs_entry_jumppad:
0x0: {  	(pc) =	sbr.rel $0x88, $3  }
0x1: {  	(tag) =	ssettag $0x0;
	lr =	simm.s32 $0x1  }
0x2: {  	[smem:$0x3F9B] =	sst lr;
	_ =	strace $0xD0000000  }
0x3: {  	_ = 	snop  }
0x4: {  	_ = 	snop  }
0x5: {  	_ = 	snop  }
0x6: {  	_ = 	snop  }
0x7: {  	_ = 	snop  }
__scs_overlays_trampoline_lowered:
0x8: {  	[smem:$0x3FAA] =	sst s0  }
0x9: {  	[smem:$0x3FAB] =	sst s1  }
0xa: {  	[smem:$0x3FAC] =	sst s2  }
0xb: {  	[smem:$0x3FAD] =	sst s3  }
0xc: {  	[smem:$0x3FAE] =	sst s4  }
0xd: {  	[smem:$0x3FAF] =	sst s5  }
0xe: {  	[smem:$0x3FB0] =	sst s6  }
0xf: {  	[smem:$0x3FB1] =	sst s7  }
0x10: {  	[smem:$0x3FB2] =	sst s8  }
0x11: {  	[smem:$0x3FB3] =	sst s9;
	s0 =	simm.s32 @!p0 $0x0  }
0x12: {  	s1 =	sld [smem:$0x3F99];
	s0 =	simm.s32 @p0 $0x1  }
0x13: {  	[smem:$0x3FB4] =	sst s0;
	s0 =	simm.s32 @!p1 $0x0  }
0x14: {  	s2 =	sld [smem:$0x3F98];
	s0 =	simm.s32 @p1 $0x1  }
0x15: {  	[smem:$0x3FB5] =	sst s0;
	s0 =	simm.s32 @!p2 $0x0  }
0x16: {  	s3 =	sld [smem:$0x3FDB];
	s0 =	simm.s32 @p2 $0x1  }
0x17: {  	s4 =	simm.s32 $0x1BF5;
	[smem:$0x3FB7] =	sst s0  }
0x18: {  	s0 =	sld [smem:$0x3F9A];
	_ =	swait.ge [sflag:s4], $0x0  }
0x19: {  	s7 =	sld [smem:$0x3F9B]  }
0x1a: {  	s8 =	sadd.s32 $0xFFFFE003, lr  }
0x1b: {  	s9 =	sadd.s32 $0xFFFFFEF7, lr;
	s5 =	simm.s32 $0xFFFFFFFF;
	p2 =	slt.u32 s8, $0xFFFFF086  }
0x1c: {  	p1 =	slt.u32 s9, $0xF7A;
	s5 =	simm.s32 @!p2 $0x0  }
0x1d: {  	s5 =	simm.s32 @p1 $0x1;
	p0 =	seq.s32 s7, s2  }
0x1e: {  	s7 =	smul.u32 @!p0 $0xF7A, s2;
	p2 =	seq.s32 @!p0 s5, $0x0  }
0x1f: {  	s9 =	smul.u32 $0xF7A, s1;
	s8 =	simm.s32 @!p0 $0x1BF5;
	p2 =	por !p2, p0  }
0x20: {  	[sflag:s8] =	ssyncset.s32 @!p0 $0xFFFFF086;
	s6 =	sadd.s32 @!p0 s3, s7;
	s7 =	simm.s32 @!p0 $0x108  }
0x21: {  	s3 =	sadd.s32 s3, s9;
	s6 =	sadd.s32 @!p0 $0x88, s6;
	s7 =	simm.s32 @p2 $0x1082  }
0x22: {  	[simem:s7], [sflag:s8] =	dma.local @!p0 [hbm:s6], $0xF7A  }
0x23: {  	s9 =	sor.u32 $0xD0000000, s2;
	s6 =	simm.s32 $0x108;
	_ =	swait.ge @!p0 [sflag:s8], $0x0  }
0x24: {  	s3 =	sadd.s32 $0x88, s3;
	s6 =	simm.s32 @!p1 $0x1082;
	[sflag:s4] =	ssyncset.s32 $0xFFFFF086  }
0x25: {  	[simem:s6], [sflag:s4] =	dma.local [hbm:s3], $0xF7A  }
0x26: {  	[smem:$0x3F9B] =	sst s1;
	(tag) =	ssettag s2;
	_ =	strace s9  }
0x27: {  	s1 =	sld [smem:$0x3FAB]  }
0x28: {  	s2 =	sld [smem:$0x3FAC]  }
0x29: {  	s4 =	sld [smem:$0x3FAE]  }
0x2a: {  	p0 =	seq.s32 s5, $0x0;
	s5 =	sld [smem:$0x3FAF]  }
0x2b: {  	s6 =	sld [smem:$0x3FB0]  }
0x2c: {  	s7 =	sld [smem:$0x3FB1]  }
0x2d: {  	s3 =	simm.s32 $0x108;
	s8 =	sld [smem:$0x3FB2]  }
0x2e: {  	s3 =	simm.s32 @!p0 $0x1082;
	s9 =	sld [smem:$0x3FB3]  }
0x2f: {  	lr =	sadd.s32 s0, s3;
	s0 =	sld [smem:$0x3FAA]  }
0x30: {  	s3 =	sld [smem:$0x3FAD]  }
0x31: {  	[smem:$0x3FB6] =	sst s10  }
0x32: {  	s10 =	sld [smem:$0x3FB4];
	_ =	sdelay $0x3  }
0x33: {  	p0 =	seq.s32 s10, $0x1;
	s10 =	sld [smem:$0x3FB6];
	_ =	sdelay $0x3  }
0x34: {  	[smem:$0x3FB6] =	sst s10  }
0x35: {  	s10 =	sld [smem:$0x3FB5];
	_ =	sdelay $0x3  }
0x36: {  	p1 =	seq.s32 s10, $0x1;
	s10 =	sld [smem:$0x3FB6];
	_ =	sdelay $0x3  }
0x37: {  	[smem:$0x3FB6] =	sst s10  }
0x38: {  	s10 =	sld [smem:$0x3FB7]  }
0x39: {  	_ = 	snop;
	(pc) =	sbr.ind lr, $3  }
0x3a: {  	_ = 	snop  }
0x3b: {  	_ = 	snop  }
0x3c: {  	p2 =	seq.s32 s10, $0x1;
	s10 =	sld [smem:$0x3FB6]  }
0x3d: {  	_ =	shalt  }
0x3e: {  	_ =	shalt  }
0x3f: {  	_ =	shalt  }
0x40: {  	_ =	shalt  }
0x41: {  	_ =	shalt  }
0x42: {  	_ =	shalt  }
0x43: {  	_ =	shalt  }
0x44: {  	_ =	shalt  }
0x45: {  	_ =	shalt  }
0x46: {  	_ =	shalt  }
0x47: {  	_ =	shalt  }
0x48: {  	_ =	shalt  }
0x49: {  	_ =	shalt  }
0x4a: {  	_ =	shalt  }
0x4b: {  	_ =	shalt  }
0x4c: {  	_ =	shalt  }
0x4d: {  	_ =	shalt  }
0x4e: {  	_ =	shalt  }
0x4f: {  	_ =	shalt  }
0x50: {  	_ =	shalt  }
0x51: {  	_ =	shalt  }
0x52: {  	_ =	shalt  }
0x53: {  	_ =	shalt  }
0x54: {  	_ =	shalt  }
0x55: {  	_ =	shalt  }
0x56: {  	_ =	shalt  }
0x57: {  	_ =	shalt  }
0x58: {  	_ =	shalt  }
0x59: {  	_ =	shalt  }
0x5a: {  	_ =	shalt  }
0x5b: {  	_ =	shalt  }
0x5c: {  	_ =	shalt  }
0x5d: {  	_ =	shalt  }
0x5e: {  	_ =	shalt  }
0x5f: {  	_ =	shalt  }
0x60: {  	_ =	shalt  }
0x61: {  	_ =	shalt  }
0x62: {  	_ =	shalt  }
0x63: {  	_ =	shalt  }
0x64: {  	_ =	shalt  }
0x65: {  	_ =	shalt  }
0x66: {  	_ =	shalt  }
0x67: {  	_ =	shalt  }
0x68: {  	_ =	shalt  }
0x69: {  	_ =	shalt  }
0x6a: {  	_ =	shalt  }
0x6b: {  	_ =	shalt  }
0x6c: {  	_ =	shalt  }
0x6d: {  	_ =	shalt  }
0x6e: {  	_ =	shalt  }
0x6f: {  	_ =	shalt  }
0x70: {  	_ =	shalt  }
0x71: {  	_ =	shalt  }
0x72: {  	_ =	shalt  }
0x73: {  	_ =	shalt  }
0x74: {  	_ =	shalt  }
0x75: {  	_ =	shalt  }
0x76: {  	_ =	shalt  }
0x77: {  	_ =	shalt  }
0x78: {  	_ =	shalt  }
0x79: {  	_ =	shalt  }
0x7a: {  	_ =	shalt  }
0x7b: {  	_ =	shalt  }
0x7c: {  	_ =	shalt  }
0x7d: {  	_ =	shalt  }
0x7e: {  	_ =	shalt  }
0x7f: {  	_ =	shalt  }
0x80: {  	_ =	shalt  }
0x81: {  	_ =	shalt  }
0x82: {  	_ =	shalt  }
0x83: {  	_ =	shalt  }
0x84: {  	_ =	shalt  }
0x85: {  	_ =	shalt  }
0x86: {  	_ =	shalt  }
0x87: {  	_ =	shalt  }
.Lfunc_end0:
.L_simem_size_0:
called_computation_lowered:
.L_overlay_start_0:
0x88: {  	s2 =	sld [smem:$0x3FD9]  }
0x89: {  	s3 =	sld [smem:$0x3FFE];
	_ =	sdelay $0x1  }
0x8a: {  	s1 =	srdreg.scid  }
0x8b: {  	s0 =	sand.u32 $0x1, s1  }
0x8c: {  	s17 =	sshll.u32 s0, $0xA;
	s2 =	sadd.s32 s3, s2  }
0x8d: {  	s2 =	sadd.s32 s2, s17  }
0x8e: {  	[smem:$0x3FC2] =	sst s2  }
0x8f: {  	_ = 	snop  }
0x90: {  	s2 =	sld [smem:$0x3FD0];
	(tm) =	ssettm $0x1  }
0x91: {  	s18 =	sld [smem:$0x3FFB];
	_ =	sdelay $0x3  }
0x92: {  	_ =	strace s18  }
0x93: {  	s3 =	sld [smem:$0x3FFC];
	_ =	sdelay $0x3  }
0x94: {  	_ =	strace s3  }
0x95: {  	s3 =	sld [smem:$0x3FFD];
	_ =	sdelay $0x3  }
0x96: {  	_ =	strace s3  }
0x97: {  	_ =	strace $0x8FFFFFFF  }
0x98: {  	s19 =	sld [smem:$0x3FDB];
	_ =	sdelay $0x1  }
0x99: {  	s4 =	simm.s32 $_scs_section_size  }
0x9a: {  	s5 =	simm.s32 $_size__tile_overlayer_lowered;
	s6 =	simm.s32 $_tile_overlayer_lowered  }
0x9b: {  	s22 =	simm.s32 $0x1BFF;
	s21 =	sshll.u32 s6, $0x1;
	s3 =	sadd.s32 s4, s19  }
0x9c: {  	s7 =	simm.s32 $0x0;
	s20 =	sshll.u32 s5, $0x1;
	s5 =	sadd.s32 s21, s3  }
0x9d: {  	[timem:s7], [sflag:s22] =	dma.local [hbm:s5], s20  }
0x9e: {  	_ =	swait.ge [sflag:s22], s20  }
0x9f: {  	s4 =	ssub.s32 $0x0, s20;
	[sflag:s22] =	ssyncset.done $0x0  }
0xa0: {  	[sflag:s22] =	ssyncadd.s32 s4;
	_ =	sdelay $0x1  }
0xa1: {  	s23 =	simm.s32 $0x1B8B  }
0xa2: {  	_ =	swait.ge [sflag:s23], $0x1  }
0xa3: {  	[sflag:s23] =	ssyncset.done $0x0  }
0xa4: {  	s25 =	simm.s32 $0x1B8E;
	s24 =	sld [smem:$0x3FFE];
	[sflag:s23] =	ssyncadd.s32 $0xFFFFFFFF  }
0xa5: {  	s26 =	simm.s32 $execute0_lowered;
	[smem:$0x3FD2] =	sst s25  }
0xa6: {  	s5 =	sshll.u32 s26, $0x1;
	_ =	strace $0x80000046;
	[dreg:$0x1] =	wrdreg $0xFFFFFFFF  }
0xa7: {  	s28 =	simm.s32 $_size_execute0_lowered;
	s3 =	sadd.s32 s3, s5;
	[dreg:$0x0] =	wrdreg $0x0  }
0xa8: {  	s5 =	sshll.u32 s28, $0x1;
	[dreg:$0x2] =	wrdreg s3  }
0xa9: {  	[dreg:$0x3] =	wrdreg s5  }
0xaa: {  	[dreg:$0x4] =	wrdreg $0xC0  }
0xab: {  	_ =	task [dreg:s7], $0x5FFFF  }
0xac: {  	[dreg:$0x1] =	wrdreg $0xFFFFFFFF  }
0xad: {  	[dreg:$0x0] =	wrdreg $0x60  }
0xae: {  	[dreg:$0x2] =	wrdreg s2  }
0xaf: {  	[dreg:$0x3] =	wrdreg s24  }
0xb0: {  	[dreg:$0x4] =	wrdreg $0x28800  }
0xb1: {  	[dreg:$0x5] =	wrdreg $0x9  }
0xb2: {  	_ =	task.clear_ibuf [dreg:s7], $0x6FFFF;
	_ =	strace $0x90000046  }
0xb3: {  	s29 =	simm.s32 $0x9;
	_ =	strace $0x80000048  }
0xb4: {  	_ =	swait.ge [sflag:s29], $0x1  }
0xb5: {  	[sflag:s29] =	ssyncadd.s32 $0xFFFFFFFF  }
0xb6: {  	_ =	strace $0x90000048  }
0xb7: {  	_ =	sfence  }
0xb8: {  	s30 =	sld [smem:$0x0];
	_ =	sdelay $0x2  }
0xb9: {  	s31 =	sshll.u32 s1, $0xD;
	s1 =	sshrl.u32 s1, $0x2  }
0xba: {  	s3 =	sand.u32 $0x4000, s31;
	s1 =	sadd.s32 s1, s30  }
0xbb: {  	s0 =	sor.u32 s3, s0;
	s1 =	sshll.u32 s1, $0x11  }
0xbc: {  	s0 =	sor.u32 s1, s0  }
0xbd: {  	s0 =	sadd.s32 $0x8F2B, s0  }
0xbe: {  	[sflag:s0] =	ssyncadd.remote.s32 $0x1  }
0xbf: {  	_ =	sfence.sel $0xFFFF  }
0xc0: {  	[dreg:$0x0] =	wrdreg $0xFFFFFFFF;
	(pc) =	sbr.abs _section_cstart, $3  }
0xc1: {  	[dreg:$0x1] =	wrdreg $0xFFFFFFFF  }
0xc2: {  	_ =	task.clear_ibuf [dreg:s7], $0x2FFFF;
	_ =	strace $0x9FFFFFFF  }
0xc3: {  	(tm) =	ssettm $0x7FFFFFFF  }
tec
execute0_lowered:
.L_overlay_start_1:
0x0: {  	(tag) =	ssettag $0x1  }
0x1: {  	s6 =	rddreg [dreg:$0x0]  }
0x2: {  	s4 =	rddreg [dreg:$0x1]  }
0x3: {  	s2 =	rddreg [dreg:$0x2]  }
0x4: {  	s0 =	rddreg [dreg:$0x3];
	s3 =	simm.s32 $0x0;
	s1 =	stileid.u32  }
0x5: {  	s7 =	srdreg.scid;
	s13 =	simm.s32 $0x20;
	s5 =	smul.u32 $0x280, s1  }
0x6: {  	s14 =	simm.s32 $0x10;
	s15 =	simm.s32 $0x0;
	s8 =	smul.u32 $0x500, s1  }
0x7: {  	[smem:$0x7FF] =	sst s3;
	s7 =	sand.u32 $0x1, s7;
	s26 =	smul.u32 $0x2800, s1  }
0x8: {  	s30 =	sshll.u32 s1, $0x6;
	_ =	strace $0x80000047;
	s10 =	sshll.u32 s7, $0x7  }
0x9: {  	s11 =	smul.u32 $0x28000, s7;
	s7 =	ssub.s32 $0x2, s7;
	s9 =	sshrl.u32 s5, $0x3  }
0xa: {  	s8 =	sor.u32 s10, s8;
	s12 =	sshrl.u32 s7, $0x1;
	s29 =	sadd.s32 s5, s2  }
0xb: {  	s5 =	sor.u32 $0x1C01, s30;
	s10 =	simm.s32 $0x1;
	s9 =	sadd.s32 s9, s4  }
0xc: {  	s8 =	sshrl.u32 s8, $0x3;
	s12 =	ssub.s32 s7, s12;
	s28 =	sadd.s32 s26, s11  }
0xd: {  	s11 =	simm.s32 $0x80;
	s8 =	sadd.s32 s8, s4;
	s31 =	sshrl.u32 s28, $0x3  }
0xe: {  	s4 =	sadd.s32 $0x2800, s9;
	s9 =	sshrl.u32 s29, $0x3;
	s6 =	sadd.s32 s6, s31  }
0xf: {  	v0 =	vimm.f32 $1.000000000e+00;
	s7 =	sadd.s32 $0x2E00, s8;
	s8 =	smax.u32 s12, $0x1;
	s12 =	simm.s32 $0x2800  }
.LBB2_1:
0x10: {  	[spmem:s9], [sflag:s5] =	dma.local [hbm:s4], $0x50  }
0x11: {  	_ =	swait.ge [sflag:s10], $0x50  }
0x12: {  	[sflag:s10] =	ssyncset.done $0x0  }
0x13: {  	[sflag:s10] =	ssyncadd.s32 $0xFFFFFFB0  }
0x14: {  	[tilespmem:$0x2800] =	vst v0  }
0x15: {  	[tilespmem:$0x2810] =	vst v0  }
0x16: {  	[tilespmem:$0x2820] =	vst v0  }
0x17: {  	[tilespmem:$0x2830] =	vst v0  }
0x18: {  	[tilespmem:$0x2840] =	vst v0  }
0x19: {  	[tilespmem:$0x2850] =	vst v0  }
0x1a: {  	[tilespmem:$0x2860] =	vst v0  }
0x1b: {  	[tilespmem:$0x2870] =	vst v0  }
0x1c: {  	[tilespmem:s3], [sflag:$0x1] =	stream.linear.gather [hbm4b:s6+s3], $0x2780, $0x38;
	[tilespmem:$0x2B00] =	vst v63  }
0x1d: {  	_ =	swait.ge [sflag:s10], $0x2780  }
0x1e: {  	[sflag:s10] =	ssyncset.done $0x0  }
0x1f: {  	[sflag:s10] =	ssyncadd.s32 $0xFFFFD880  }
0x20: {  	s16 =	simm.s32 $0x0;
	[bflag:$0x0] =	sbarrier.arrive $0xFFFF  }
0x21: {  	[spmem:s2] =	stream.indirect.scatter.add.f32 [tilespmem:s12], [sflag:$0x1], $0x1, s16, s11, $0xb8;
	[tilespmem:$0x2B00] =	vst v63  }
0x22: {  	_ =	swait.ge [sflag:s10], $0x80  }
0x23: {  	s16 =	simm.s32 $0x200;
	[sflag:s10] =	ssyncset.done $0x0  }
.LBB2_2:
0x24: {  	s17 =	sshra.s32 s16, $0x2;
	[sflag:s10] =	ssyncadd.s32 $0xFFFFFF80;
	p0 =	sne.s32 s16, $0x9C00  }
0x25: {  	[spmem:s2] =	stream.indirect.scatter.add.f32 [tilespmem:s12], [sflag:$0x1], $0x1, s17, s11, $0xb8;
	[tilespmem:$0x2B00] =	vst v63  }
.Ltmp0:
0x26: {  	_ = 	snop;
	(pc) =	sbr.rel @p0 .LBB2_2-.Ltmp0, $4  }
0x27: {  	_ = 	snop  }
0x28: {  	s16 =	sadd.s32 $0x200, s16  }
0x29: {  	_ =	swait.ge [sflag:s10], $0x80  }
0x2a: {  	[sflag:s10] =	ssyncset.done $0x0  }
0x2b: {  	s15 =	sadd.s32 $0x1, s15  }
0x2c: {  	[sflag:s10] =	ssyncadd.s32 $0xFFFFFF80;
	p0 =	sne.s32 s15, s8  }
.Ltmp1:
0x2d: {  	[bflag:$0x0] =	sbarrier.arrive $0xFFFF;
	(pc) =	sbr.rel @p0 .LBB2_1-.Ltmp1, $4  }
0x2e: {  	[hbm:s7@s13], [sflag:s5] =	dma.strided [spmem:s9@s14], $0x50, s10, $0x10   }
0x2f: {  	_ =	swait.ge [sflag:s10], $0x50  }
0x30: {  	[sflag:s10] =	ssyncset.done $0x0  }
0x31: {  	[sflag:s10] =	ssyncadd.s32 $0xFFFFFFB0  }
0x32: {  	_ =	sfence.sel $0x180000  }
0x33: {  	[bflag:$0x0] =	sbarrier.arrive $0xFFFF  }
0x34: {  	p0 =	sne.s32 s1, $0x0;
	_ =	strace $0x90000047  }
0x35: {  	s0 =	sadd.s32 @!p0 $0x100000, s0;
	[bflag:$0x2] =	sbarrier.arrive $0xFFFF  }
0x36: {  	[sflag:s0] =	ssyncadd.tile.s32 @!p0 $0x1;
	_ =	shalt  }
.Lfunc_end2:
_tile_overlayer_lowered:
.L_overlay_start_2:
0x37: {  	(tag) =	ssettag $0x2  }
0x38: {  	s0 =	rddreg [dreg:$0x0];
	s2 =	stileid.u32  }
0x39: {  	s1 =	rddreg [dreg:$0x1];
	p0 =	sne.s32 s2, $0x0  }
0x3a: {  	s3 =	rddreg [dreg:$0x2];
	[bflag:$0x3] =	sbarrier.arrive $0xFFFF;
	s2 =	simm.s32 @!p0 $0x1C01  }
0x3b: {  	[timem:s3], [sflag:s2] =	dma.local @!p0 [hbm:s0], s1  }
0x3c: {  	s0 =	simm.s32 @!p0 $0x1  }
0x3d: {  	_ =	swait.ge @!p0 [sflag:s0], s1  }
0x3e: {  	s1 =	ssub.s32 @!p0 $0x0, s1;
	[sflag:s0] =	ssyncset.done @!p0 $0x0  }
0x3f: {  	[sflag:s0] =	ssyncadd.s32 @!p0 s1  }
0x40: {  	[bflag:$0x3] =	sbarrier.arrive $0xFFFF  }
0x41: {  	_ =	shalt  }

// kernel: kernel.13.cloned.1.call-start
scs
__scs_entry_jumppad:
0x0: {  	(pc) =	sbr.rel $0x88, $3  }
0x1: {  	(tag) =	ssettag $0x0;
	lr =	simm.s32 $0x1  }
0x2: {  	[smem:$0x3F9B] =	sst lr;
	_ =	strace $0xD0000000  }
0x3: {  	_ = 	snop  }
0x4: {  	_ = 	snop  }
0x5: {  	_ = 	snop  }
0x6: {  	_ = 	snop  }
0x7: {  	_ = 	snop  }
__scs_overlays_trampoline_lowered:
0x8: {  	[smem:$0x3FAA] =	sst s0  }
0x9: {  	[smem:$0x3FAB] =	sst s1  }
0xa: {  	[smem:$0x3FAC] =	sst s2  }
0xb: {  	[smem:$0x3FAD] =	sst s3  }
0xc: {  	[smem:$0x3FAE] =	sst s4  }
0xd: {  	[smem:$0x3FAF] =	sst s5  }
0xe: {  	[smem:$0x3FB0] =	sst s6  }
0xf: {  	[smem:$0x3FB1] =	sst s7  }
0x10: {  	[smem:$0x3FB2] =	sst s8  }
0x11: {  	[smem:$0x3FB3] =	sst s9;
	s0 =	simm.s32 @!p0 $0x0  }
0x12: {  	s1 =	sld [smem:$0x3F99];
	s0 =	simm.s32 @p0 $0x1  }
0x13: {  	[smem:$0x3FB4] =	sst s0;
	s0 =	simm.s32 @!p1 $0x0  }
0x14: {  	s2 =	sld [smem:$0x3F98];
	s0 =	simm.s32 @p1 $0x1  }
0x15: {  	[smem:$0x3FB5] =	sst s0;
	s0 =	simm.s32 @!p2 $0x0  }
0x16: {  	s3 =	sld [smem:$0x3FDB];
	s0 =	simm.s32 @p2 $0x1  }
0x17: {  	s4 =	simm.s32 $0x1BF5;
	[smem:$0x3FB7] =	sst s0  }
0x18: {  	s0 =	sld [smem:$0x3F9A];
	_ =	swait.ge [sflag:s4], $0x0  }
0x19: {  	s7 =	sld [smem:$0x3F9B]  }
0x1a: {  	s8 =	sadd.s32 $0xFFFFE003, lr  }
0x1b: {  	s9 =	sadd.s32 $0xFFFFFEF7, lr;
	s5 =	simm.s32 $0xFFFFFFFF;
	p2 =	slt.u32 s8, $0xFFFFF086  }
0x1c: {  	p1 =	slt.u32 s9, $0xF7A;
	s5 =	simm.s32 @!p2 $0x0  }
0x1d: {  	s5 =	simm.s32 @p1 $0x1;
	p0 =	seq.s32 s7, s2  }
0x1e: {  	s7 =	smul.u32 @!p0 $0xF7A, s2;
	p2 =	seq.s32 @!p0 s5, $0x0  }
0x1f: {  	s9 =	smul.u32 $0xF7A, s1;
	s8 =	simm.s32 @!p0 $0x1BF5;
	p2 =	por !p2, p0  }
0x20: {  	[sflag:s8] =	ssyncset.s32 @!p0 $0xFFFFF086;
	s6 =	sadd.s32 @!p0 s3, s7;
	s7 =	simm.s32 @!p0 $0x108  }
0x21: {  	s3 =	sadd.s32 s3, s9;
	s6 =	sadd.s32 @!p0 $0x88, s6;
	s7 =	simm.s32 @p2 $0x1082  }
0x22: {  	[simem:s7], [sflag:s8] =	dma.local @!p0 [hbm:s6], $0xF7A  }
0x23: {  	s9 =	sor.u32 $0xD0000000, s2;
	s6 =	simm.s32 $0x108;
	_ =	swait.ge @!p0 [sflag:s8], $0x0  }
0x24: {  	s3 =	sadd.s32 $0x88, s3;
	s6 =	simm.s32 @!p1 $0x1082;
	[sflag:s4] =	ssyncset.s32 $0xFFFFF086  }
0x25: {  	[simem:s6], [sflag:s4] =	dma.local [hbm:s3], $0xF7A  }
0x26: {  	[smem:$0x3F9B] =	sst s1;
	(tag) =	ssettag s2;
	_ =	strace s9  }
0x27: {  	s1 =	sld [smem:$0x3FAB]  }
0x28: {  	s2 =	sld [smem:$0x3FAC]  }
0x29: {  	s4 =	sld [smem:$0x3FAE]  }
0x2a: {  	p0 =	seq.s32 s5, $0x0;
	s5 =	sld [smem:$0x3FAF]  }
0x2b: {  	s6 =	sld [smem:$0x3FB0]  }
0x2c: {  	s7 =	sld [smem:$0x3FB1]  }
0x2d: {  	s3 =	simm.s32 $0x108;
	s8 =	sld [smem:$0x3FB2]  }
0x2e: {  	s3 =	simm.s32 @!p0 $0x1082;
	s9 =	sld [smem:$0x3FB3]  }
0x2f: {  	lr =	sadd.s32 s0, s3;
	s0 =	sld [smem:$0x3FAA]  }
0x30: {  	s3 =	sld [smem:$0x3FAD]  }
0x31: {  	[smem:$0x3FB6] =	sst s10  }
0x32: {  	s10 =	sld [smem:$0x3FB4];
	_ =	sdelay $0x3  }
0x33: {  	p0 =	seq.s32 s10, $0x1;
	s10 =	sld [smem:$0x3FB6];
	_ =	sdelay $0x3  }
0x34: {  	[smem:$0x3FB6] =	sst s10  }
0x35: {  	s10 =	sld [smem:$0x3FB5];
	_ =	sdelay $0x3  }
0x36: {  	p1 =	seq.s32 s10, $0x1;
	s10 =	sld [smem:$0x3FB6];
	_ =	sdelay $0x3  }
0x37: {  	[smem:$0x3FB6] =	sst s10  }
0x38: {  	s10 =	sld [smem:$0x3FB7]  }
0x39: {  	_ = 	snop;
	(pc) =	sbr.ind lr, $3  }
0x3a: {  	_ = 	snop  }
0x3b: {  	_ = 	snop  }
0x3c: {  	p2 =	seq.s32 s10, $0x1;
	s10 =	sld [smem:$0x3FB6]  }
0x3d: {  	_ =	shalt  }
0x3e: {  	_ =	shalt  }
0x3f: {  	_ =	shalt  }
0x40: {  	_ =	shalt  }
0x41: {  	_ =	shalt  }
0x42: {  	_ =	shalt  }
0x43: {  	_ =	shalt  }
0x44: {  	_ =	shalt  }
0x45: {  	_ =	shalt  }
0x46: {  	_ =	shalt  }
0x47: {  	_ =	shalt  }
0x48: {  	_ =	shalt  }
0x49: {  	_ =	shalt  }
0x4a: {  	_ =	shalt  }
0x4b: {  	_ =	shalt  }
0x4c: {  	_ =	shalt  }
0x4d: {  	_ =	shalt  }
0x4e: {  	_ =	shalt  }
0x4f: {  	_ =	shalt  }
0x50: {  	_ =	shalt  }
0x51: {  	_ =	shalt  }
0x52: {  	_ =	shalt  }
0x53: {  	_ =	shalt  }
0x54: {  	_ =	shalt  }
0x55: {  	_ =	shalt  }
0x56: {  	_ =	shalt  }
0x57: {  	_ =	shalt  }
0x58: {  	_ =	shalt  }
0x59: {  	_ =	shalt  }
0x5a: {  	_ =	shalt  }
0x5b: {  	_ =	shalt  }
0x5c: {  	_ =	shalt  }
0x5d: {  	_ =	shalt  }
0x5e: {  	_ =	shalt  }
0x5f: {  	_ =	shalt  }
0x60: {  	_ =	shalt  }
0x61: {  	_ =	shalt  }
0x62: {  	_ =	shalt  }
0x63: {  	_ =	shalt  }
0x64: {  	_ =	shalt  }
0x65: {  	_ =	shalt  }
0x66: {  	_ =	shalt  }
0x67: {  	_ =	shalt  }
0x68: {  	_ =	shalt  }
0x69: {  	_ =	shalt  }
0x6a: {  	_ =	shalt  }
0x6b: {  	_ =	shalt  }
0x6c: {  	_ =	shalt  }
0x6d: {  	_ =	shalt  }
0x6e: {  	_ =	shalt  }
0x6f: {  	_ =	shalt  }
0x70: {  	_ =	shalt  }
0x71: {  	_ =	shalt  }
0x72: {  	_ =	shalt  }
0x73: {  	_ =	shalt  }
0x74: {  	_ =	shalt  }
0x75: {  	_ =	shalt  }
0x76: {  	_ =	shalt  }
0x77: {  	_ =	shalt  }
0x78: {  	_ =	shalt  }
0x79: {  	_ =	shalt  }
0x7a: {  	_ =	shalt  }
0x7b: {  	_ =	shalt  }
0x7c: {  	_ =	shalt  }
0x7d: {  	_ =	shalt  }
0x7e: {  	_ =	shalt  }
0x7f: {  	_ =	shalt  }
0x80: {  	_ =	shalt  }
0x81: {  	_ =	shalt  }
0x82: {  	_ =	shalt  }
0x83: {  	_ =	shalt  }
0x84: {  	_ =	shalt  }
0x85: {  	_ =	shalt  }
0x86: {  	_ =	shalt  }
0x87: {  	_ =	shalt  }
.Lfunc_end0:
.L_simem_size_0:
called_computation.1_lowered:
.L_overlay_start_0:
0x88: {  	s2 =	sld [smem:$0x3FD9]  }
0x89: {  	s3 =	sld [smem:$0x3FFE];
	_ =	sdelay $0x1  }
0x8a: {  	s1 =	srdreg.scid  }
0x8b: {  	s0 =	sand.u32 $0x1, s1  }
0x8c: {  	s16 =	sshll.u32 s0, $0xA;
	s2 =	sadd.s32 s3, s2  }
0x8d: {  	s2 =	sadd.s32 s2, s16  }
0x8e: {  	[smem:$0x3FC2] =	sst s2  }
0x8f: {  	_ = 	snop  }
0x90: {  	(tm) =	ssettm $0x1  }
0x91: {  	s17 =	sld [smem:$0x3FFB];
	_ =	sdelay $0x3  }
0x92: {  	_ =	strace s17  }
0x93: {  	s2 =	sld [smem:$0x3FFC];
	_ =	sdelay $0x3  }
0x94: {  	_ =	strace s2  }
0x95: {  	s2 =	sld [smem:$0x3FFD];
	_ =	sdelay $0x3  }
0x96: {  	_ =	strace s2  }
0x97: {  	_ =	strace $0x8FFFFFFF  }
0x98: {  	s18 =	sld [smem:$0x3FDB];
	_ =	sdelay $0x1  }
0x99: {  	s19 =	simm.s32 $_scs_section_size  }
0x9a: {  	s4 =	simm.s32 $_size__tile_overlayer_lowered;
	s5 =	simm.s32 $_tile_overlayer_lowered  }
0x9b: {  	s22 =	simm.s32 $0x1BFF;
	s21 =	sshll.u32 s5, $0x1;
	s2 =	sadd.s32 s19, s18  }
0x9c: {  	s6 =	simm.s32 $0x0;
	s20 =	sshll.u32 s4, $0x1;
	s4 =	sadd.s32 s21, s2  }
0x9d: {  	[timem:s6], [sflag:s22] =	dma.local [hbm:s4], s20  }
0x9e: {  	_ =	swait.ge [sflag:s22], s20  }
0x9f: {  	s3 =	ssub.s32 $0x0, s20;
	[sflag:s22] =	ssyncset.done $0x0  }
0xa0: {  	[sflag:s22] =	ssyncadd.s32 s3;
	_ =	sdelay $0x1  }
0xa1: {  	s23 =	simm.s32 $0x1B8B  }
0xa2: {  	_ =	swait.ge [sflag:s23], $0x1  }
0xa3: {  	[sflag:s23] =	ssyncset.done $0x0  }
0xa4: {  	s25 =	simm.s32 $0x1B8E;
	s24 =	sld [smem:$0x3FFE];
	[sflag:s23] =	ssyncadd.s32 $0xFFFFFFFF  }
0xa5: {  	s26 =	simm.s32 $execute0_lowered;
	[smem:$0x3FD2] =	sst s25  }
0xa6: {  	s4 =	sshll.u32 s26, $0x1;
	_ =	strace $0x80000049;
	[dreg:$0x1] =	wrdreg $0xFFFFFFFF  }
0xa7: {  	s28 =	simm.s32 $_size_execute0_lowered;
	s2 =	sadd.s32 s2, s4;
	[dreg:$0x0] =	wrdreg $0x0  }
0xa8: {  	s4 =	sshll.u32 s28, $0x1;
	[dreg:$0x2] =	wrdreg s2  }
0xa9: {  	[dreg:$0x3] =	wrdreg s4  }
0xaa: {  	[dreg:$0x4] =	wrdreg $0xC0  }
0xab: {  	_ =	task [dreg:s6], $0x5FFFF  }
0xac: {  	[dreg:$0x1] =	wrdreg $0xFFFFFFFF  }
0xad: {  	[dreg:$0x0] =	wrdreg $0x60  }
0xae: {  	[dreg:$0x2] =	wrdreg s24  }
0xaf: {  	[dreg:$0x3] =	wrdreg $0xAA000  }
0xb0: {  	[dreg:$0x4] =	wrdreg $0x9  }
0xb1: {  	_ =	task.clear_ibuf [dreg:s6], $0x5FFFF;
	_ =	strace $0x90000049  }
0xb2: {  	s29 =	simm.s32 $0x9;
	_ =	strace $0x8000004B  }
0xb3: {  	_ =	swait.ge [sflag:s29], $0x1  }
0xb4: {  	[sflag:s29] =	ssyncadd.s32 $0xFFFFFFFF  }
0xb5: {  	_ =	strace $0x9000004B  }
0xb6: {  	_ =	sfence  }
0xb7: {  	s30 =	sld [smem:$0x0];
	_ =	sdelay $0x2  }
0xb8: {  	s31 =	sshll.u32 s1, $0xD;
	s1 =	sshrl.u32 s1, $0x2  }
0xb9: {  	s3 =	sand.u32 $0x4000, s31;
	s1 =	sadd.s32 s1, s30  }
0xba: {  	s0 =	sor.u32 s3, s0;
	s1 =	sshll.u32 s1, $0x11  }
0xbb: {  	s0 =	sor.u32 s1, s0  }
0xbc: {  	s0 =	sadd.s32 $0x8F2B, s0  }
0xbd: {  	[sflag:s0] =	ssyncadd.remote.s32 $0x1  }
0xbe: {  	_ =	sfence.sel $0xFFFF  }
0xbf: {  	[dreg:$0x0] =	wrdreg $0xFFFFFFFF;
	(pc) =	sbr.abs _section_cstart, $3  }
0xc0: {  	[dreg:$0x1] =	wrdreg $0xFFFFFFFF  }
0xc1: {  	_ =	task.clear_ibuf [dreg:s6], $0x2FFFF;
	_ =	strace $0x9FFFFFFF  }
0xc2: {  	(tm) =	ssettm $0x7FFFFFFF  }
0xc3: {  	_ =	shalt  }
tec
execute0_lowered:
.L_overlay_start_1:
0x0: {  	(tag) =	ssettag $0x1  }
0x1: {  	s5 =	rddreg [dreg:$0x0]  }
0x2: {  	s0 =	srdreg.scid;
	s2 =	rddreg [dreg:$0x1]  }
0x3: {  	s1 =	rddreg [dreg:$0x2];
	s3 =	simm.s32 $0x0;
	s13 =	simm.s32 $0x2800  }
0x4: {  	s14 =	simm.s32 $0x2A00;
	s15 =	simm.s32 $0x3;
	s16 =	simm.s32 $0x2880  }
0x5: {  	s17 =	simm.s32 $0x6A00;
	s18 =	simm.s32 $0x1;
	s6 =	sand.u32 $0x1, s0  }
0x6: {  	s19 =	simm.s32 $0x2900;
	s0 =	stileid.u32;
	s4 =	smul.u32 $0x28000, s6  }
0x7: {  	s20 =	simm.s32 $0x2;
	s21 =	simm.s32 $0x2980;
	s7 =	smul.u32 $0x2800, s0  }
0x8: {  	s23 =	simm.s32 $0x0;
	[smem:$0x7FF] =	sst s3;
	s29 =	smul.u32 $0x14000, s0  }
0x9: {  	_ =	strace $0x8000004A;
	s9 =	smul.u32 $0x140000, s6;
	s6 =	ssub.s32 $0x2, s6  }
0xa: {  	s30 =	smul.u32 $0x50000, s0;
	s22 =	sshll.u32 s0, $0x6;
	s11 =	sshrl.u32 s6, $0x1  }
0xb: {  	s4 =	sadd.s32 s7, s4;
	s10 =	sshrl.u32 s29, $0x3;
	s7 =	sadd.s32 s29, s9  }
0xc: {  	s11 =	ssub.s32 s6, s11;
	s31 =	sshrl.u32 s30, $0x2;
	s9 =	simm.s32 $0x4  }
0xd: {  	s8 =	sshrl.u32 s4, $0x3;
	s4 =	sadd.s32 $0xD800, s5;
	s10 =	sadd.s32 s10, s5  }
0xe: {  	s7 =	sshrl.u32 s7, $0x3;
	s12 =	sadd.s32 s31, s2;
	s8 =	sadd.s32 s8, s5  }
0xf: {  	s7 =	sadd.s32 s7, s5;
	s6 =	sadd.s32 $0x35800, s10;
	s10 =	sor.u32 $0x1C03, s22  }
0x10: {  	s22 =	sor.u32 $0x1C04, s22;
	s5 =	sadd.s32 $0x3800, s8;
	s7 =	sadd.s32 $0x5D800, s7  }
0x11: {  	s8 =	smax.u32 s11, $0x1;
	s11 =	sshrl.u32 s12, $0x3;
	s12 =	simm.s32 $0x80  }
.LBB2_1:
0x12: {  	[tilespmem:s3], [sflag:$0x4] =	stream.linear.gather [hbm4b:s5+s3], $0x2780, $0x38;
	[tilespmem:$0x1EA00] =	vst v63  }
0x13: {  	_ =	swait.ge [sflag:s9], $0x2780  }
0x14: {  	[sflag:s9] =	ssyncset.done $0x0  }
0x15: {  	[sflag:s9] =	ssyncadd.s32 $0xFFFFD880  }
0x16: {  	[spmem:s11], [sflag:s10] =	dma.local [hbm:s6], $0x2800  }
0x17: {  	v0 =	vld [tilespmem:$0x0];
	_ =	sdelay $0x1  }
0x18: {  	v1 =	vld [tilespmem:$0x10];
	_ =	sdelay $0x1  }
0x19: {  	v2 =	vld [tilespmem:$0x20]  }
0x1a: {  	v3 =	vand.u32 $0xFFFF, v0  }
0x1b: {  	v0 =	vshrl.u32 v0, $0x10;
	[tilespmem:$0x2800] =	vst v3;
	v3 =	vld [tilespmem:$0x30]  }
0x1c: {  	[tilespmem:$0x2900] =	vst v0;
	v0 =	vand.u32 $0xFFFF, v1  }
0x1d: {  	[tilespmem:$0x2810] =	vst v0;
	v0 =	vshrl.u32 v1, $0x10;
	v1 =	vld [tilespmem:$0x40]  }
0x1e: {  	[tilespmem:$0x2910] =	vst v0;
	v0 =	vand.u32 $0xFFFF, v2  }
0x1f: {  	[tilespmem:$0x2820] =	vst v0;
	v0 =	vshrl.u32 v2, $0x10;
	v2 =	vld [tilespmem:$0x50]  }
0x20: {  	[tilespmem:$0x2920] =	vst v0;
	v0 =	vand.u32 $0xFFFF, v3  }
0x21: {  	[tilespmem:$0x2830] =	vst v0;
	v0 =	vshrl.u32 v3, $0x10;
	v3 =	vld [tilespmem:$0x60]  }
0x22: {  	[tilespmem:$0x2930] =	vst v0;
	v0 =	vand.u32 $0xFFFF, v1  }
0x23: {  	[tilespmem:$0x2840] =	vst v0;
	v0 =	vshrl.u32 v1, $0x10;
	v1 =	vld [tilespmem:$0x70]  }
0x24: {  	[tilespmem:$0x2940] =	vst v0;
	v0 =	vand.u32 $0xFFFF, v2  }
0x25: {  	[tilespmem:$0x2850] =	vst v0;
	v0 =	vshrl.u32 v2, $0x10  }
0x26: {  	[tilespmem:$0x2950] =	vst v0;
	v0 =	vand.u32 $0xFFFF, v3  }
0x27: {  	[tilespmem:$0x2860] =	vst v0;
	v0 =	vshrl.u32 v3, $0x10  }
0x28: {  	[tilespmem:$0x2960] =	vst v0;
	v0 =	vand.u32 $0xFFFF, v1  }
0x29: {  	[tilespmem:$0x2870] =	vst v0;
	v0 =	vshrl.u32 v1, $0x10  }
0x2a: {  	[tilespmem:$0x2970] =	vst v0  }
0x2b: {  	[tilespmem:s14], [sflag:$0x1] =	stream.indirect.gather [hbm4b:s4+s12], $0x80, s13, s12, $0xb8;
	[tilespmem:$0x1EA00] =	vst v63  }
0x2c: {  	_ =	swait.ge [sflag:s15], $0x2800  }
0x2d: {  	[sflag:s15] =	ssyncset.done $0x0  }
0x2e: {  	[sflag:s15] =	ssyncadd.s32 $0xFFFFD800  }
0x2f: {  	s24 =	simm.s32 $0x0;
	[bflag:$0x0] =	sbarrier.arrive $0xFFFF  }
0x30: {  	v0 =	vld [tilespmem:s24+$0x80];
	_ =	sdelay $0x4  }
0x31: {  	v1 =	vand.u32 $0xFFFF, v0  }
0x32: {  	v0 =	vshrl.u32 v0, $0x10;
	[tilespmem:$0x2880] =	vst v1  }
0x33: {  	[tilespmem:$0x2980] =	vst v0  }
0x34: {  	v0 =	vld [tilespmem:s24+$0x90];
	_ =	sdelay $0x4  }
0x35: {  	v1 =	vand.u32 $0xFFFF, v0  }
0x36: {  	v0 =	vshrl.u32 v0, $0x10;
	[tilespmem:$0x2890] =	vst v1  }
0x37: {  	[tilespmem:$0x2990] =	vst v0  }
0x38: {  	v0 =	vld [tilespmem:s24+$0xA0];
	_ =	sdelay $0x4  }
0x39: {  	v1 =	vand.u32 $0xFFFF, v0  }
0x3a: {  	v0 =	vshrl.u32 v0, $0x10;
	[tilespmem:$0x28A0] =	vst v1  }
0x3b: {  	[tilespmem:$0x29A0] =	vst v0  }
0x3c: {  	v0 =	vld [tilespmem:s24+$0xB0];
	_ =	sdelay $0x4  }
0x3d: {  	v1 =	vand.u32 $0xFFFF, v0  }
0x3e: {  	v0 =	vshrl.u32 v0, $0x10;
	[tilespmem:$0x28B0] =	vst v1  }
0x3f: {  	[tilespmem:$0x29B0] =	vst v0  }
0x40: {  	v0 =	vld [tilespmem:s24+$0xC0];
	_ =	sdelay $0x4  }
0x41: {  	v1 =	vand.u32 $0xFFFF, v0  }
0x42: {  	v0 =	vshrl.u32 v0, $0x10;
	[tilespmem:$0x28C0] =	vst v1  }
0x43: {  	[tilespmem:$0x29C0] =	vst v0  }
0x44: {  	v0 =	vld [tilespmem:s24+$0xD0];
	_ =	sdelay $0x4  }
0x45: {  	v1 =	vand.u32 $0xFFFF, v0  }
0x46: {  	v0 =	vshrl.u32 v0, $0x10;
	[tilespmem:$0x28D0] =	vst v1  }
0x47: {  	[tilespmem:$0x29D0] =	vst v0  }
0x48: {  	v0 =	vld [tilespmem:s24+$0xE0];
	_ =	sdelay $0x4  }
0x49: {  	v1 =	vand.u32 $0xFFFF, v0  }
0x4a: {  	v0 =	vshrl.u32 v0, $0x10;
	[tilespmem:$0x28E0] =	vst v1  }
0x4b: {  	[tilespmem:$0x29E0] =	vst v0  }
0x4c: {  	v0 =	vld [tilespmem:s24+$0xF0];
	_ =	sdelay $0x4  }
0x4d: {  	v1 =	vand.u32 $0xFFFF, v0  }
0x4e: {  	v0 =	vshrl.u32 v0, $0x10;
	[tilespmem:$0x28F0] =	vst v1  }
0x4f: {  	[tilespmem:$0x29F0] =	vst v0  }
0x50: {  	[tilespmem:s17], [sflag:$0x2] =	stream.indirect.gather [hbm4b:s4+s12], $0x80, s16, s12, $0xb8;
	[tilespmem:$0x1EA00] =	vst v63  }
0x51: {  	_ =	swait.ge [sflag:s18], $0x4000  }
0x52: {  	[sflag:s18] =	ssyncset.done $0x0  }
0x53: {  	[sflag:s18] =	ssyncadd.s32 $0xFFFFC000  }
0x54: {  	[spmem:s2] =	stream.indirect.scatter.add.f32 [tilespmem:s14], [sflag:$0x4], $0x80, s19, s12, $0xb8;
	[tilespmem:$0x1EA00] =	vst v63  }
0x55: {  	_ =	swait.ge [sflag:s9], $0x4000  }
0x56: {  	[sflag:s9] =	ssyncset.done $0x0  }
0x57: {  	[sflag:s9] =	ssyncadd.s32 $0xFFFFC000  }
0x58: {  	v0 =	vld [tilespmem:s24+$0x100];
	_ =	sdelay $0x4  }
0x59: {  	v1 =	vand.u32 $0xFFFF, v0  }
0x5a: {  	v0 =	vshrl.u32 v0, $0x10;
	[tilespmem:$0x2800] =	vst v1  }
0x5b: {  	[tilespmem:$0x2900] =	vst v0  }
0x5c: {  	v0 =	vld [tilespmem:s24+$0x110];
	_ =	sdelay $0x4  }
0x5d: {  	v1 =	vand.u32 $0xFFFF, v0  }
0x5e: {  	v0 =	vshrl.u32 v0, $0x10;
	[tilespmem:$0x2810] =	vst v1  }
0x5f: {  	[tilespmem:$0x2910] =	vst v0  }
0x60: {  	v0 =	vld [tilespmem:s24+$0x120];
	_ =	sdelay $0x4  }
0x61: {  	v1 =	vand.u32 $0xFFFF, v0  }
0x62: {  	v0 =	vshrl.u32 v0, $0x10;
	[tilespmem:$0x2820] =	vst v1  }
0x63: {  	[tilespmem:$0x2920] =	vst v0  }
0x64: {  	v0 =	vld [tilespmem:s24+$0x130];
	_ =	sdelay $0x4  }
0x65: {  	v1 =	vand.u32 $0xFFFF, v0  }
0x66: {  	v0 =	vshrl.u32 v0, $0x10;
	[tilespmem:$0x2830] =	vst v1  }
0x67: {  	[tilespmem:$0x2930] =	vst v0  }
0x68: {  	v0 =	vld [tilespmem:s24+$0x140];
	_ =	sdelay $0x4  }
0x69: {  	v1 =	vand.u32 $0xFFFF, v0  }
0x6a: {  	v0 =	vshrl.u32 v0, $0x10;
	[tilespmem:$0x2840] =	vst v1  }
0x6b: {  	[tilespmem:$0x2940] =	vst v0  }
0x6c: {  	v0 =	vld [tilespmem:s24+$0x150];
	_ =	sdelay $0x4  }
0x6d: {  	v1 =	vand.u32 $0xFFFF, v0  }
0x6e: {  	v0 =	vshrl.u32 v0, $0x10;
	[tilespmem:$0x2850] =	vst v1  }
0x6f: {  	[tilespmem:$0x2950] =	vst v0  }
0x70: {  	v0 =	vld [tilespmem:s24+$0x160];
	_ =	sdelay $0x4  }
0x71: {  	v1 =	vand.u32 $0xFFFF, v0  }
0x72: {  	s25 =	simm.s32 $0x400;
	v0 =	vshrl.u32 v0, $0x10;
	[tilespmem:$0x2860] =	vst v1  }
.LBB2_2:
0x73: {  	p0 =	sne.s32 s25, $0x9800;
	[tilespmem:$0x2960] =	vst v0;
	s26 =	smov.u32 s25;
	s25 =	sadd.s32 $0x400, s25  }
0x74: {  	v0 =	vld [tilespmem:s24+$0x170];
	_ =	sdelay $0x4  }
0x75: {  	v1 =	vand.u32 $0xFFFF, v0;
	v0 =	vshrl.u32 v0, $0x10  }
0x76: {  	[tilespmem:$0x2870] =	vst v1  }
0x77: {  	[tilespmem:$0x2970] =	vst v0  }
0x78: {  	[tilespmem:s14], [sflag:$0x1] =	stream.indirect.gather [hbm4b:s4+s12], $0x80, s13, s12, $0xb8;
	[tilespmem:$0x1EA00] =	vst v63  }
0x79: {  	_ =	swait.ge [sflag:s20], $0x4000  }
0x7a: {  	[sflag:s20] =	ssyncset.done $0x0  }
0x7b: {  	[sflag:s20] =	ssyncadd.s32 $0xFFFFC000  }
0x7c: {  	[spmem:s2] =	stream.indirect.scatter.add.f32 [tilespmem:s17], [sflag:$0x4], $0x80, s21, s12, $0xb8;
	[tilespmem:$0x1EA00] =	vst v63  }
0x7d: {  	_ =	swait.ge [sflag:s9], $0x4000  }
0x7e: {  	[sflag:s9] =	ssyncset.done $0x0  }
0x7f: {  	s24 =	sshra.s32 s26, $0x2;
	[sflag:s9] =	ssyncadd.s32 $0xFFFFC000  }
0x80: {  	v0 =	vld [tilespmem:s24+$0x80];
	_ =	sdelay $0x4  }
0x81: {  	v1 =	vand.u32 $0xFFFF, v0;
	v0 =	vshrl.u32 v0, $0x10  }
0x82: {  	[tilespmem:$0x2880] =	vst v1  }
0x83: {  	[tilespmem:$0x2980] =	vst v0  }
0x84: {  	v0 =	vld [tilespmem:s24+$0x90];
	_ =	sdelay $0x4  }
0x85: {  	v1 =	vand.u32 $0xFFFF, v0;
	v0 =	vshrl.u32 v0, $0x10  }
0x86: {  	[tilespmem:$0x2890] =	vst v1  }
0x87: {  	[tilespmem:$0x2990] =	vst v0  }
0x88: {  	v0 =	vld [tilespmem:s24+$0xA0];
	_ =	sdelay $0x4  }
0x89: {  	v1 =	vand.u32 $0xFFFF, v0;
	v0 =	vshrl.u32 v0, $0x10  }
0x8a: {  	[tilespmem:$0x28A0] =	vst v1  }
0x8b: {  	[tilespmem:$0x29A0] =	vst v0  }
0x8c: {  	v0 =	vld [tilespmem:s24+$0xB0];
	_ =	sdelay $0x4  }
0x8d: {  	v1 =	vand.u32 $0xFFFF, v0;
	v0 =	vshrl.u32 v0, $0x10  }
0x8e: {  	[tilespmem:$0x28B0] =	vst v1  }
0x8f: {  	[tilespmem:$0x29B0] =	vst v0  }
0x90: {  	v0 =	vld [tilespmem:s24+$0xC0];
	_ =	sdelay $0x4  }
0x91: {  	v1 =	vand.u32 $0xFFFF, v0;
	v0 =	vshrl.u32 v0, $0x10  }
0x92: {  	[tilespmem:$0x28C0] =	vst v1  }
0x93: {  	[tilespmem:$0x29C0] =	vst v0  }
0x94: {  	v0 =	vld [tilespmem:s24+$0xD0];
	_ =	sdelay $0x4  }
0x95: {  	v1 =	vand.u32 $0xFFFF, v0;
	v0 =	vshrl.u32 v0, $0x10  }
0x96: {  	[tilespmem:$0x28D0] =	vst v1  }
0x97: {  	[tilespmem:$0x29D0] =	vst v0  }
0x98: {  	v0 =	vld [tilespmem:s24+$0xE0];
	_ =	sdelay $0x4  }
0x99: {  	v1 =	vand.u32 $0xFFFF, v0;
	v0 =	vshrl.u32 v0, $0x10  }
0x9a: {  	[tilespmem:$0x28E0] =	vst v1  }
0x9b: {  	[tilespmem:$0x29E0] =	vst v0  }
0x9c: {  	v0 =	vld [tilespmem:s24+$0xF0];
	_ =	sdelay $0x4  }
0x9d: {  	v1 =	vand.u32 $0xFFFF, v0;
	v0 =	vshrl.u32 v0, $0x10  }
0x9e: {  	[tilespmem:$0x28F0] =	vst v1  }
0x9f: {  	[tilespmem:$0x29F0] =	vst v0  }
0xa0: {  	[tilespmem:s17], [sflag:$0x2] =	stream.indirect.gather [hbm4b:s4+s12], $0x80, s16, s12, $0xb8;
	[tilespmem:$0x1EA00] =	vst v63  }
0xa1: {  	_ =	swait.ge [sflag:s18], $0x4000  }
0xa2: {  	[sflag:s18] =	ssyncset.done $0x0  }
0xa3: {  	[sflag:s18] =	ssyncadd.s32 $0xFFFFC000  }
0xa4: {  	[spmem:s2] =	stream.indirect.scatter.add.f32 [tilespmem:s14], [sflag:$0x4], $0x80, s19, s12, $0xb8;
	[tilespmem:$0x1EA00] =	vst v63  }
0xa5: {  	_ =	swait.ge [sflag:s9], $0x4000  }
0xa6: {  	[sflag:s9] =	ssyncset.done $0x0  }
0xa7: {  	[sflag:s9] =	ssyncadd.s32 $0xFFFFC000  }
0xa8: {  	v0 =	vld [tilespmem:s24+$0x100];
	_ =	sdelay $0x4  }
0xa9: {  	v1 =	vand.u32 $0xFFFF, v0;
	v0 =	vshrl.u32 v0, $0x10  }
0xaa: {  	[tilespmem:$0x2800] =	vst v1  }
0xab: {  	[tilespmem:$0x2900] =	vst v0  }
0xac: {  	v0 =	vld [tilespmem:s24+$0x110];
	_ =	sdelay $0x4  }
0xad: {  	v1 =	vand.u32 $0xFFFF, v0;
	v0 =	vshrl.u32 v0, $0x10  }
0xae: {  	[tilespmem:$0x2810] =	vst v1  }
0xaf: {  	[tilespmem:$0x2910] =	vst v0  }
0xb0: {  	v0 =	vld [tilespmem:s24+$0x120];
	_ =	sdelay $0x4  }
0xb1: {  	v1 =	vand.u32 $0xFFFF, v0;
	v0 =	vshrl.u32 v0, $0x10  }
0xb2: {  	[tilespmem:$0x2820] =	vst v1  }
0xb3: {  	[tilespmem:$0x2920] =	vst v0  }
0xb4: {  	v0 =	vld [tilespmem:s24+$0x130];
	_ =	sdelay $0x4  }
0xb5: {  	v1 =	vand.u32 $0xFFFF, v0;
	v0 =	vshrl.u32 v0, $0x10  }
0xb6: {  	[tilespmem:$0x2830] =	vst v1  }
0xb7: {  	[tilespmem:$0x2930] =	vst v0  }
0xb8: {  	v0 =	vld [tilespmem:s24+$0x140];
	_ =	sdelay $0x4  }
0xb9: {  	v1 =	vand.u32 $0xFFFF, v0;
	v0 =	vshrl.u32 v0, $0x10  }
0xba: {  	[tilespmem:$0x2840] =	vst v1  }
0xbb: {  	[tilespmem:$0x2940] =	vst v0  }
0xbc: {  	v0 =	vld [tilespmem:s24+$0x150];
	_ =	sdelay $0x4  }
0xbd: {  	v1 =	vand.u32 $0xFFFF, v0;
	v0 =	vshrl.u32 v0, $0x10  }
0xbe: {  	[tilespmem:$0x2850] =	vst v1  }
0xbf: {  	[tilespmem:$0x2950] =	vst v0  }
0xc0: {  	v0 =	vld [tilespmem:s24+$0x160];
	_ =	sdelay $0x1  }
.Ltmp0:
0xc1: {  	(pc) =	sbr.rel @p0 .LBB2_2-.Ltmp0, $3  }
0xc2: {  	_ =	sdelay $0x1  }
0xc3: {  	v1 =	vand.u32 $0xFFFF, v0;
	v0 =	vshrl.u32 v0, $0x10  }
0xc4: {  	[tilespmem:$0x2860] =	vst v1  }
0xc5: {  	[tilespmem:$0x2960] =	vst v0  }
0xc6: {  	v0 =	vld [tilespmem:s24+$0x170];
	_ =	sdelay $0x4  }
0xc7: {  	v1 =	vand.u32 $0xFFFF, v0  }
0xc8: {  	v0 =	vshrl.u32 v0, $0x10;
	[tilespmem:$0x2870] =	vst v1  }
0xc9: {  	[tilespmem:$0x2970] =	vst v0  }
0xca: {  	[tilespmem:s14], [sflag:$0x1] =	stream.indirect.gather [hbm4b:s4+s12], $0x80, s13, s12, $0xb8;
	[tilespmem:$0x1EA00] =	vst v63  }
0xcb: {  	_ =	swait.ge [sflag:s20], $0x4000  }
0xcc: {  	[sflag:s20] =	ssyncset.done $0x0  }
0xcd: {  	[sflag:s20] =	ssyncadd.s32 $0xFFFFC000  }
0xce: {  	[spmem:s2] =	stream.indirect.scatter.add.f32 [tilespmem:s17], [sflag:$0x4], $0x80, s21, s12, $0xb8;
	[tilespmem:$0x1EA00] =	vst v63  }
0xcf: {  	_ =	swait.ge [sflag:s9], $0x4000  }
0xd0: {  	[sflag:s9] =	ssyncset.done $0x0  }
0xd1: {  	[sflag:s9] =	ssyncadd.s32 $0xFFFFC000  }
0xd2: {  	_ =	swait.ge [sflag:s18], $0x4000  }
0xd3: {  	[sflag:s18] =	ssyncset.done $0x0  }
0xd4: {  	[sflag:s18] =	ssyncadd.s32 $0xFFFFC000  }
0xd5: {  	[spmem:s2] =	stream.indirect.scatter.add.f32 [tilespmem:s14], [sflag:$0x4], $0x80, s19, s12, $0xb8;
	[tilespmem:$0x1EA00] =	vst v63  }
0xd6: {  	_ =	swait.ge [sflag:s9], $0x4000  }
0xd7: {  	s23 =	sadd.s32 $0x1, s23;
	[sflag:s9] =	ssyncset.done $0x0  }
0xd8: {  	p0 =	sne.s32 s23, s8;
	[sflag:s9] =	ssyncadd.s32 $0xFFFFC000  }
.Ltmp1:
0xd9: {  	[bflag:$0x0] =	sbarrier.arrive $0xFFFF;
	(pc) =	sbr.rel @p0 .LBB2_1-.Ltmp1, $4  }
0xda: {  	[hbm:s7], [sflag:s22] =	dma.local [spmem:s11], $0x2800  }
0xdb: {  	_ =	swait.ge [sflag:s9], $0x2800  }
0xdc: {  	[sflag:s9] =	ssyncset.done $0x0  }
0xdd: {  	[sflag:s9] =	ssyncadd.s32 $0xFFFFD800  }
0xde: {  	_ =	sfence.sel $0x180000  }
0xdf: {  	[bflag:$0x0] =	sbarrier.arrive $0xFFFF  }
0xe0: {  	p0 =	sne.s32 s0, $0x0;
	_ =	strace $0x9000004A  }
0xe1: {  	s0 =	sadd.s32 @!p0 $0x100000, s1;
	[bflag:$0x2] =	sbarrier.arrive $0xFFFF  }
0xe2: {  	[sflag:s0] =	ssyncadd.tile.s32 @!p0 $0x1;
	_ =	shalt  }
.Lfunc_end2:
_tile_overlayer_lowered:
.L_overlay_start_2:
0xe3: {  	(tag) =	ssettag $0x2  }
0xe4: {  	s0 =	rddreg [dreg:$0x0];
	s2 =	stileid.u32  }
0xe5: {  	s1 =	rddreg [dreg:$0x1];
	p0 =	sne.s32 s2, $0x0  }
0xe6: {  	s3 =	rddreg [dreg:$0x2];
	[bflag:$0x3] =	sbarrier.arrive $0xFFFF;
	s2 =	simm.s32 @!p0 $0x1C04  }
0xe7: {  	[timem:s3], [sflag:s2] =	dma.local @!p0 [hbm:s0], s1  }
0xe8: {  	s0 =	simm.s32 @!p0 $0x4  }
0xe9: {  	_ =	swait.ge @!p0 [sflag:s0], s1  }
0xea: {  	s1 =	ssub.s32 @!p0 $0x0, s1;
	[sflag:s0] =	ssyncset.done @!p0 $0x0  }
0xeb: {  	[sflag:s0] =	ssyncadd.s32 @!p0 s1  }
0xec: {  	[bflag:$0x3] =	sbarrier.arrive $0xFFFF  }
0xed: {  	_ =	shalt  }

// kernel: kernel.16.cloned.1.call-start
scs
__scs_entry_jumppad:
0x0: {  	(pc) =	sbr.rel $0x88, $3  }
0x1: {  	(tag) =	ssettag $0x0;
	lr =	simm.s32 $0x1  }
0x2: {  	[smem:$0x3F9B] =	sst lr;
	_ =	strace $0xD0000000  }
0x3: {  	_ = 	snop  }
0x4: {  	_ = 	snop  }
0x5: {  	_ = 	snop  }
0x6: {  	_ = 	snop  }
0x7: {  	_ = 	snop  }
__scs_overlays_trampoline_lowered:
0x8: {  	[smem:$0x3FAA] =	sst s0  }
0x9: {  	[smem:$0x3FAB] =	sst s1  }
0xa: {  	[smem:$0x3FAC] =	sst s2  }
0xb: {  	[smem:$0x3FAD] =	sst s3  }
0xc: {  	[smem:$0x3FAE] =	sst s4  }
0xd: {  	[smem:$0x3FAF] =	sst s5  }
0xe: {  	[smem:$0x3FB0] =	sst s6  }
0xf: {  	[smem:$0x3FB1] =	sst s7  }
0x10: {  	[smem:$0x3FB2] =	sst s8  }
0x11: {  	[smem:$0x3FB3] =	sst s9;
	s0 =	simm.s32 @!p0 $0x0  }
0x12: {  	s1 =	sld [smem:$0x3F99];
	s0 =	simm.s32 @p0 $0x1  }
0x13: {  	[smem:$0x3FB4] =	sst s0;
	s0 =	simm.s32 @!p1 $0x0  }
0x14: {  	s2 =	sld [smem:$0x3F98];
	s0 =	simm.s32 @p1 $0x1  }
0x15: {  	[smem:$0x3FB5] =	sst s0;
	s0 =	simm.s32 @!p2 $0x0  }
0x16: {  	s3 =	sld [smem:$0x3FDB];
	s0 =	simm.s32 @p2 $0x1  }
0x17: {  	s4 =	simm.s32 $0x1BF5;
	[smem:$0x3FB7] =	sst s0  }
0x18: {  	s0 =	sld [smem:$0x3F9A];
	_ =	swait.ge [sflag:s4], $0x0  }
0x19: {  	s7 =	sld [smem:$0x3F9B]  }
0x1a: {  	s8 =	sadd.s32 $0xFFFFE003, lr  }
0x1b: {  	s9 =	sadd.s32 $0xFFFFFEF7, lr;
	s5 =	simm.s32 $0xFFFFFFFF;
	p2 =	slt.u32 s8, $0xFFFFF086  }
0x1c: {  	p1 =	slt.u32 s9, $0xF7A;
	s5 =	simm.s32 @!p2 $0x0  }
0x1d: {  	s5 =	simm.s32 @p1 $0x1;
	p0 =	seq.s32 s7, s2  }
0x1e: {  	s7 =	smul.u32 @!p0 $0xF7A, s2;
	p2 =	seq.s32 @!p0 s5, $0x0  }
0x1f: {  	s9 =	smul.u32 $0xF7A, s1;
	s8 =	simm.s32 @!p0 $0x1BF5;
	p2 =	por !p2, p0  }
0x20: {  	[sflag:s8] =	ssyncset.s32 @!p0 $0xFFFFF086;
	s6 =	sadd.s32 @!p0 s3, s7;
	s7 =	simm.s32 @!p0 $0x108  }
0x21: {  	s3 =	sadd.s32 s3, s9;
	s6 =	sadd.s32 @!p0 $0x88, s6;
	s7 =	simm.s32 @p2 $0x1082  }
0x22: {  	[simem:s7], [sflag:s8] =	dma.local @!p0 [hbm:s6], $0xF7A  }
0x23: {  	s9 =	sor.u32 $0xD0000000, s2;
	s6 =	simm.s32 $0x108;
	_ =	swait.ge @!p0 [sflag:s8], $0x0  }
0x24: {  	s3 =	sadd.s32 $0x88, s3;
	s6 =	simm.s32 @!p1 $0x1082;
	[sflag:s4] =	ssyncset.s32 $0xFFFFF086  }
0x25: {  	[simem:s6], [sflag:s4] =	dma.local [hbm:s3], $0xF7A  }
0x26: {  	[smem:$0x3F9B] =	sst s1;
	(tag) =	ssettag s2;
	_ =	strace s9  }
0x27: {  	s1 =	sld [smem:$0x3FAB]  }
0x28: {  	s2 =	sld [smem:$0x3FAC]  }
0x29: {  	s4 =	sld [smem:$0x3FAE]  }
0x2a: {  	p0 =	seq.s32 s5, $0x0;
	s5 =	sld [smem:$0x3FAF]  }
0x2b: {  	s6 =	sld [smem:$0x3FB0]  }
0x2c: {  	s7 =	sld [smem:$0x3FB1]  }
0x2d: {  	s3 =	simm.s32 $0x108;
	s8 =	sld [smem:$0x3FB2]  }
0x2e: {  	s3 =	simm.s32 @!p0 $0x1082;
	s9 =	sld [smem:$0x3FB3]  }
0x2f: {  	lr =	sadd.s32 s0, s3;
	s0 =	sld [smem:$0x3FAA]  }
0x30: {  	s3 =	sld [smem:$0x3FAD]  }
0x31: {  	[smem:$0x3FB6] =	sst s10  }
0x32: {  	s10 =	sld [smem:$0x3FB4];
	_ =	sdelay $0x3  }
0x33: {  	p0 =	seq.s32 s10, $0x1;
	s10 =	sld [smem:$0x3FB6];
	_ =	sdelay $0x3  }
0x34: {  	[smem:$0x3FB6] =	sst s10  }
0x35: {  	s10 =	sld [smem:$0x3FB5];
	_ =	sdelay $0x3  }
0x36: {  	p1 =	seq.s32 s10, $0x1;
	s10 =	sld [smem:$0x3FB6];
	_ =	sdelay $0x3  }
0x37: {  	[smem:$0x3FB6] =	sst s10  }
0x38: {  	s10 =	sld [smem:$0x3FB7]  }
0x39: {  	_ = 	snop;
	(pc) =	sbr.ind lr, $3  }
0x3a: {  	_ = 	snop  }
0x3b: {  	_ = 	snop  }
0x3c: {  	p2 =	seq.s32 s10, $0x1;
	s10 =	sld [smem:$0x3FB6]  }
0x3d: {  	_ =	shalt  }
0x3e: {  	_ =	shalt  }
0x3f: {  	_ =	shalt  }
0x40: {  	_ =	shalt  }
0x41: {  	_ =	shalt  }
0x42: {  	_ =	shalt  }
0x43: {  	_ =	shalt  }
0x44: {  	_ =	shalt  }
0x45: {  	_ =	shalt  }
0x46: {  	_ =	shalt  }
0x47: {  	_ =	shalt  }
0x48: {  	_ =	shalt  }
0x49: {  	_ =	shalt  }
0x4a: {  	_ =	shalt  }
0x4b: {  	_ =	shalt  }
0x4c: {  	_ =	shalt  }
0x4d: {  	_ =	shalt  }
0x4e: {  	_ =	shalt  }
0x4f: {  	_ =	shalt  }
0x50: {  	_ =	shalt  }
0x51: {  	_ =	shalt  }
0x52: {  	_ =	shalt  }
0x53: {  	_ =	shalt  }
0x54: {  	_ =	shalt  }
0x55: {  	_ =	shalt  }
0x56: {  	_ =	shalt  }
0x57: {  	_ =	shalt  }
0x58: {  	_ =	shalt  }
0x59: {  	_ =	shalt  }
0x5a: {  	_ =	shalt  }
0x5b: {  	_ =	shalt  }
0x5c: {  	_ =	shalt  }
0x5d: {  	_ =	shalt  }
0x5e: {  	_ =	shalt  }
0x5f: {  	_ =	shalt  }
0x60: {  	_ =	shalt  }
0x61: {  	_ =	shalt  }
0x62: {  	_ =	shalt  }
0x63: {  	_ =	shalt  }
0x64: {  	_ =	shalt  }
0x65: {  	_ =	shalt  }
0x66: {  	_ =	shalt  }
0x67: {  	_ =	shalt  }
0x68: {  	_ =	shalt  }
0x69: {  	_ =	shalt  }
0x6a: {  	_ =	shalt  }
0x6b: {  	_ =	shalt  }
0x6c: {  	_ =	shalt  }
0x6d: {  	_ =	shalt  }
0x6e: {  	_ =	shalt  }
0x6f: {  	_ =	shalt  }
0x70: {  	_ =	shalt  }
0x71: {  	_ =	shalt  }
0x72: {  	_ =	shalt  }
0x73: {  	_ =	shalt  }
0x74: {  	_ =	shalt  }
0x75: {  	_ =	shalt  }
0x76: {  	_ =	shalt  }
0x77: {  	_ =	shalt  }
0x78: {  	_ =	shalt  }
0x79: {  	_ =	shalt  }
0x7a: {  	_ =	shalt  }
0x7b: {  	_ =	shalt  }
0x7c: {  	_ =	shalt  }
0x7d: {  	_ =	shalt  }
0x7e: {  	_ =	shalt  }
0x7f: {  	_ =	shalt  }
0x80: {  	_ =	shalt  }
0x81: {  	_ =	shalt  }
0x82: {  	_ =	shalt  }
0x83: {  	_ =	shalt  }
0x84: {  	_ =	shalt  }
0x85: {  	_ =	shalt  }
0x86: {  	_ =	shalt  }
0x87: {  	_ =	shalt  }
.Lfunc_end0:
.L_simem_size_0:
called_computation.2_lowered:
.L_overlay_start_0:
0x88: {  	s2 =	sld [smem:$0x3FD9]  }
0x89: {  	s3 =	sld [smem:$0x3FFE];
	_ =	sdelay $0x1  }
0x8a: {  	s1 =	srdreg.scid  }
0x8b: {  	s0 =	sand.u32 $0x1, s1  }
0x8c: {  	s16 =	sshll.u32 s0, $0xA;
	s2 =	sadd.s32 s3, s2  }
0x8d: {  	s2 =	sadd.s32 s2, s16  }
0x8e: {  	[smem:$0x3FC2] =	sst s2  }
0x8f: {  	_ = 	snop  }
0x90: {  	(tm) =	ssettm $0x1  }
0x91: {  	s17 =	sld [smem:$0x3FFB];
	_ =	sdelay $0x3  }
0x92: {  	_ =	strace s17  }
0x93: {  	s2 =	sld [smem:$0x3FFC];
	_ =	sdelay $0x3  }
0x94: {  	_ =	strace s2  }
0x95: {  	s2 =	sld [smem:$0x3FFD];
	_ =	sdelay $0x3  }
0x96: {  	_ =	strace s2  }
0x97: {  	_ =	strace $0x8FFFFFFF  }
0x98: {  	s18 =	sld [smem:$0x3FDB];
	_ =	sdelay $0x1  }
0x99: {  	s19 =	simm.s32 $_scs_section_size  }
0x9a: {  	s4 =	simm.s32 $_size__tile_overlayer_lowered;
	s5 =	simm.s32 $_tile_overlayer_lowered  }
0x9b: {  	s22 =	simm.s32 $0x1BFF;
	s21 =	sshll.u32 s5, $0x1;
	s2 =	sadd.s32 s19, s18  }
0x9c: {  	s6 =	simm.s32 $0x0;
	s20 =	sshll.u32 s4, $0x1;
	s4 =	sadd.s32 s21, s2  }
0x9d: {  	[timem:s6], [sflag:s22] =	dma.local [hbm:s4], s20  }
0x9e: {  	_ =	swait.ge [sflag:s22], s20  }
0x9f: {  	s3 =	ssub.s32 $0x0, s20;
	[sflag:s22] =	ssyncset.done $0x0  }
0xa0: {  	[sflag:s22] =	ssyncadd.s32 s3;
	_ =	sdelay $0x1  }
0xa1: {  	s23 =	simm.s32 $0x1B8B  }
0xa2: {  	_ =	swait.ge [sflag:s23], $0x1  }
0xa3: {  	[sflag:s23] =	ssyncset.done $0x0  }
0xa4: {  	s25 =	simm.s32 $0x1B8E;
	s24 =	sld [smem:$0x3FFE];
	[sflag:s23] =	ssyncadd.s32 $0xFFFFFFFF  }
0xa5: {  	s26 =	simm.s32 $execute0_lowered;
	[smem:$0x3FD2] =	sst s25  }
0xa6: {  	s4 =	sshll.u32 s26, $0x1;
	_ =	strace $0x8000004C;
	[dreg:$0x1] =	wrdreg $0xFFFFFFFF  }
0xa7: {  	s28 =	simm.s32 $_size_execute0_lowered;
	s2 =	sadd.s32 s2, s4;
	[dreg:$0x0] =	wrdreg $0x0  }
0xa8: {  	s4 =	sshll.u32 s28, $0x1;
	[dreg:$0x2] =	wrdreg s2  }
0xa9: {  	[dreg:$0x3] =	wrdreg s4  }
0xaa: {  	[dreg:$0x4] =	wrdreg $0xC0  }
0xab: {  	_ =	task [dreg:s6], $0x5FFFF  }
0xac: {  	[dreg:$0x1] =	wrdreg $0xFFFFFFFF  }
0xad: {  	[dreg:$0x0] =	wrdreg $0x60  }
0xae: {  	[dreg:$0x2] =	wrdreg s24  }
0xaf: {  	[dreg:$0x3] =	wrdreg $0xAA000  }
0xb0: {  	[dreg:$0x4] =	wrdreg $0x9  }
0xb1: {  	_ =	task.clear_ibuf [dreg:s6], $0x5FFFF;
	_ =	strace $0x9000004C  }
0xb2: {  	s29 =	simm.s32 $0x9;
	_ =	strace $0x8000004E  }
0xb3: {  	_ =	swait.ge [sflag:s29], $0x1  }
0xb4: {  	[sflag:s29] =	ssyncadd.s32 $0xFFFFFFFF  }
0xb5: {  	_ =	strace $0x9000004E  }
0xb6: {  	_ =	sfence  }
0xb7: {  	s30 =	sld [smem:$0x0];
	_ =	sdelay $0x2  }
0xb8: {  	s31 =	sshll.u32 s1, $0xD;
	s1 =	sshrl.u32 s1, $0x2  }
0xb9: {  	s3 =	sand.u32 $0x4000, s31;
	s1 =	sadd.s32 s1, s30  }
0xba: {  	s0 =	sor.u32 s3, s0;
	s1 =	sshll.u32 s1, $0x11  }
0xbb: {  	s0 =	sor.u32 s1, s0  }
0xbc: {  	s0 =	sadd.s32 $0x8F2B, s0  }
0xbd: {  	[sflag:s0] =	ssyncadd.remote.s32 $0x1  }
0xbe: {  	_ =	sfence.sel $0xFFFF  }
0xbf: {  	[dreg:$0x0] =	wrdreg $0xFFFFFFFF;
	(pc) =	sbr.abs _section_cstart, $3  }
0xc0: {  	[dreg:$0x1] =	wrdreg $0xFFFFFFFF  }
0xc1: {  	_ =	task.clear_ibuf [dreg:s6], $0x2FFFF;
	_ =	strace $0x9FFFFFFF  }
0xc2: {  	(tm) =	ssettm $0x7FFFFFFF  }
0xc3: {  	_ =	shalt  }
tec
execute0_lowered:
.L_overlay_start_1:
0x0: {  	(tag) =	ssettag $0x1  }
0x1: {  	s5 =	rddreg [dreg:$0x0]  }
0x2: {  	s0 =	srdreg.scid;
	s2 =	rddreg [dreg:$0x1]  }
0x3: {  	s1 =	rddreg [dreg:$0x2];
	s3 =	simm.s32 $0x0;
	s13 =	simm.s32 $0x2800  }
0x4: {  	s14 =	simm.s32 $0x2A00;
	s15 =	simm.s32 $0x3;
	s16 =	simm.s32 $0x2880  }
0x5: {  	s17 =	simm.s32 $0x6A00;
	s18 =	simm.s32 $0x1;
	s6 =	sand.u32 $0x1, s0  }
0x6: {  	s19 =	simm.s32 $0x2900;
	s0 =	stileid.u32;
	s4 =	smul.u32 $0x28000, s6  }
0x7: {  	s20 =	simm.s32 $0x2;
	s21 =	simm.s32 $0x2980;
	s7 =	smul.u32 $0x2800, s0  }
0x8: {  	s23 =	simm.s32 $0x0;
	[smem:$0x7FF] =	sst s3;
	s29 =	smul.u32 $0x14000, s0  }
0x9: {  	_ =	strace $0x8000004D;
	s9 =	smul.u32 $0x140000, s6;
	s6 =	ssub.s32 $0x2, s6  }
0xa: {  	s30 =	smul.u32 $0x50000, s0;
	s22 =	sshll.u32 s0, $0x6;
	s11 =	sshrl.u32 s6, $0x1  }
0xb: {  	s4 =	sadd.s32 s7, s4;
	s10 =	sshrl.u32 s29, $0x3;
	s7 =	sadd.s32 s29, s9  }
0xc: {  	s11 =	ssub.s32 s6, s11;
	s31 =	sshrl.u32 s30, $0x2;
	s9 =	simm.s32 $0x4  }
0xd: {  	s8 =	sshrl.u32 s4, $0x3;
	s4 =	sadd.s32 $0xD800, s5;
	s10 =	sadd.s32 s10, s5  }
0xe: {  	s7 =	sshrl.u32 s7, $0x3;
	s12 =	sadd.s32 s31, s2;
	s8 =	sadd.s32 s8, s5  }
0xf: {  	s7 =	sadd.s32 s7, s5;
	s6 =	sadd.s32 $0x35800, s10;
	s10 =	sor.u32 $0x1C03, s22  }
0x10: {  	s22 =	sor.u32 $0x1C04, s22;
	s5 =	sadd.s32 $0x3800, s8;
	s7 =	sadd.s32 $0x5D800, s7  }
0x11: {  	s8 =	smax.u32 s11, $0x1;
	s11 =	sshrl.u32 s12, $0x3;
	s12 =	simm.s32 $0x80  }
.LBB2_1:
0x12: {  	[tilespmem:s3], [sflag:$0x4] =	stream.linear.gather [hbm4b:s5+s3], $0x2780, $0x38;
	[tilespmem:$0x1EA00] =	vst v63  }
0x13: {  	_ =	swait.ge [sflag:s9], $0x2780  }
0x14: {  	[sflag:s9] =	ssyncset.done $0x0  }
0x15: {  	[sflag:s9] =	ssyncadd.s32 $0xFFFFD880  }
0x16: {  	[spmem:s11], [sflag:s10] =	dma.local [hbm:s6], $0x2800  }
0x17: {  	v0 =	vld [tilespmem:$0x0];
	_ =	sdelay $0x1  }
0x18: {  	v1 =	vld [tilespmem:$0x10];
	_ =	sdelay $0x1  }
0x19: {  	v2 =	vld [tilespmem:$0x20]  }
0x1a: {  	v3 =	vand.u32 $0xFFFF, v0  }
0x1b: {  	v0 =	vshrl.u32 v0, $0x10;
	[tilespmem:$0x2800] =	vst v3;
	v3 =	vld [tilespmem:$0x30]  }
0x1c: {  	[tilespmem:$0x2900] =	vst v0;
	v0 =	vand.u32 $0xFFFF, v1  }
0x1d: {  	[tilespmem:$0x2810] =	vst v0;
	v0 =	vshrl.u32 v1, $0x10;
	v1 =	vld [tilespmem:$0x40]  }
0x1e: {  	[tilespmem:$0x2910] =	vst v0;
	v0 =	vand.u32 $0xFFFF, v2  }
0x1f: {  	[tilespmem:$0x2820] =	vst v0;
	v0 =	vshrl.u32 v2, $0x10;
	v2 =	vld [tilespmem:$0x50]  }
0x20: {  	[tilespmem:$0x2920] =	vst v0;
	v0 =	vand.u32 $0xFFFF, v3  }
0x21: {  	[tilespmem:$0x2830] =	vst v0;
	v0 =	vshrl.u32 v3, $0x10;
	v3 =	vld [tilespmem:$0x60]  }
0x22: {  	[tilespmem:$0x2930] =	vst v0;
	v0 =	vand.u32 $0xFFFF, v1  }
0x23: {  	[tilespmem:$0x2840] =	vst v0;
	v0 =	vshrl.u32 v1, $0x10;
	v1 =	vld [tilespmem:$0x70]  }
0x24: {  	[tilespmem:$0x2940] =	vst v0;
	v0 =	vand.u32 $0xFFFF, v2  }
0x25: {  	[tilespmem:$0x2850] =	vst v0;
	v0 =	vshrl.u32 v2, $0x10  }
0x26: {  	[tilespmem:$0x2950] =	vst v0;
	v0 =	vand.u32 $0xFFFF, v3  }
0x27: {  	[tilespmem:$0x2860] =	vst v0;
	v0 =	vshrl.u32 v3, $0x10  }
0x28: {  	[tilespmem:$0x2960] =	vst v0;
	v0 =	vand.u32 $0xFFFF, v1  }
0x29: {  	[tilespmem:$0x2870] =	vst v0;
	v0 =	vshrl.u32 v1, $0x10  }
0x2a: {  	[tilespmem:$0x2970] =	vst v0  }
0x2b: {  	[tilespmem:s14], [sflag:$0x1] =	stream.indirect.gather [hbm4b:s4+s12], $0x80, s13, s12, $0xb8;
	[tilespmem:$0x1EA00] =	vst v63  }
0x2c: {  	_ =	swait.ge [sflag:s15], $0x2800  }
0x2d: {  	[sflag:s15] =	ssyncset.done $0x0  }
0x2e: {  	[sflag:s15] =	ssyncadd.s32 $0xFFFFD800  }
0x2f: {  	s24 =	simm.s32 $0x0;
	[bflag:$0x0] =	sbarrier.arrive $0xFFFF  }
0x30: {  	v0 =	vld [tilespmem:s24+$0x80];
	_ =	sdelay $0x4  }
0x31: {  	v1 =	vand.u32 $0xFFFF, v0  }
0x32: {  	v0 =	vshrl.u32 v0, $0x10;
	[tilespmem:$0x2880] =	vst v1  }
0x33: {  	[tilespmem:$0x2980] =	vst v0  }
0x34: {  	v0 =	vld [tilespmem:s24+$0x90];
	_ =	sdelay $0x4  }
0x35: {  	v1 =	vand.u32 $0xFFFF, v0  }
0x36: {  	v0 =	vshrl.u32 v0, $0x10;
	[tilespmem:$0x2890] =	vst v1  }
0x37: {  	[tilespmem:$0x2990] =	vst v0  }
0x38: {  	v0 =	vld [tilespmem:s24+$0xA0];
	_ =	sdelay $0x4  }
0x39: {  	v1 =	vand.u32 $0xFFFF, v0  }
0x3a: {  	v0 =	vshrl.u32 v0, $0x10;
	[tilespmem:$0x28A0] =	vst v1  }
0x3b: {  	[tilespmem:$0x29A0] =	vst v0  }
0x3c: {  	v0 =	vld [tilespmem:s24+$0xB0];
	_ =	sdelay $0x4  }
0x3d: {  	v1 =	vand.u32 $0xFFFF, v0  }
0x3e: {  	v0 =	vshrl.u32 v0, $0x10;
	[tilespmem:$0x28B0] =	vst v1  }
0x3f: {  	[tilespmem:$0x29B0] =	vst v0  }
0x40: {  	v0 =	vld [tilespmem:s24+$0xC0];
	_ =	sdelay $0x4  }
0x41: {  	v1 =	vand.u32 $0xFFFF, v0  }
0x42: {  	v0 =	vshrl.u32 v0, $0x10;
	[tilespmem:$0x28C0] =	vst v1  }
0x43: {  	[tilespmem:$0x29C0] =	vst v0  }
0x44: {  	v0 =	vld [tilespmem:s24+$0xD0];
	_ =	sdelay $0x4  }
0x45: {  	v1 =	vand.u32 $0xFFFF, v0  }
0x46: {  	v0 =	vshrl.u32 v0, $0x10;
	[tilespmem:$0x28D0] =	vst v1  }
0x47: {  	[tilespmem:$0x29D0] =	vst v0  }
0x48: {  	v0 =	vld [tilespmem:s24+$0xE0];
	_ =	sdelay $0x4  }
0x49: {  	v1 =	vand.u32 $0xFFFF, v0  }
0x4a: {  	v0 =	vshrl.u32 v0, $0x10;
	[tilespmem:$0x28E0] =	vst v1  }
0x4b: {  	[tilespmem:$0x29E0] =	vst v0  }
0x4c: {  	v0 =	vld [tilespmem:s24+$0xF0];
	_ =	sdelay $0x4  }
0x4d: {  	v1 =	vand.u32 $0xFFFF, v0  }
0x4e: {  	v0 =	vshrl.u32 v0, $0x10;
	[tilespmem:$0x28F0] =	vst v1  }
0x4f: {  	[tilespmem:$0x29F0] =	vst v0  }
0x50: {  	[tilespmem:s17], [sflag:$0x2] =	stream.indirect.gather [hbm4b:s4+s12], $0x80, s16, s12, $0xb8;
	[tilespmem:$0x1EA00] =	vst v63  }
0x51: {  	_ =	swait.ge [sflag:s18], $0x4000  }
0x52: {  	[sflag:s18] =	ssyncset.done $0x0  }
0x53: {  	[sflag:s18] =	ssyncadd.s32 $0xFFFFC000  }
0x54: {  	[spmem:s2] =	stream.indirect.scatter.add.f32 [tilespmem:s14], [sflag:$0x4], $0x80, s19, s12, $0xb8;
	[tilespmem:$0x1EA00] =	vst v63  }
0x55: {  	_ =	swait.ge [sflag:s9], $0x4000  }
0x56: {  	[sflag:s9] =	ssyncset.done $0x0  }
0x57: {  	[sflag:s9] =	ssyncadd.s32 $0xFFFFC000  }
0x58: {  	v0 =	vld [tilespmem:s24+$0x100];
	_ =	sdelay $0x4  }
0x59: {  	v1 =	vand.u32 $0xFFFF, v0  }
0x5a: {  	v0 =	vshrl.u32 v0, $0x10;
	[tilespmem:$0x2800] =	vst v1  }
0x5b: {  	[tilespmem:$0x2900] =	vst v0  }
0x5c: {  	v0 =	vld [tilespmem:s24+$0x110];
	_ =	sdelay $0x4  }
0x5d: {  	v1 =	vand.u32 $0xFFFF, v0  }
0x5e: {  	v0 =	vshrl.u32 v0, $0x10;
	[tilespmem:$0x2810] =	vst v1  }
0x5f: {  	[tilespmem:$0x2910] =	vst v0  }
0x60: {  	v0 =	vld [tilespmem:s24+$0x120];
	_ =	sdelay $0x4  }
0x61: {  	v1 =	vand.u32 $0xFFFF, v0  }
0x62: {  	v0 =	vshrl.u32 v0, $0x10;
	[tilespmem:$0x2820] =	vst v1  }
0x63: {  	[tilespmem:$0x2920] =	vst v0  }
0x64: {  	v0 =	vld [tilespmem:s24+$0x130];
	_ =	sdelay $0x4  }
0x65: {  	v1 =	vand.u32 $0xFFFF, v0  }
0x66: {  	v0 =	vshrl.u32 v0, $0x10;
	[tilespmem:$0x2830] =	vst v1  }
0x67: {  	[tilespmem:$0x2930] =	vst v0  }
0x68: {  	v0 =	vld [tilespmem:s24+$0x140];
	_ =	sdelay $0x4  }
0x69: {  	v1 =	vand.u32 $0xFFFF, v0  }
0x6a: {  	v0 =	vshrl.u32 v0, $0x10;
	[tilespmem:$0x2840] =	vst v1  }
0x6b: {  	[tilespmem:$0x2940] =	vst v0  }
0x6c: {  	v0 =	vld [tilespmem:s24+$0x150];
	_ =	sdelay $0x4  }
0x6d: {  	v1 =	vand.u32 $0xFFFF, v0  }
0x6e: {  	v0 =	vshrl.u32 v0, $0x10;
	[tilespmem:$0x2850] =	vst v1  }
0x6f: {  	[tilespmem:$0x2950] =	vst v0  }
0x70: {  	v0 =	vld [tilespmem:s24+$0x160];
	_ =	sdelay $0x4  }
0x71: {  	v1 =	vand.u32 $0xFFFF, v0  }
0x72: {  	s25 =	simm.s32 $0x400;
	v0 =	vshrl.u32 v0, $0x10;
	[tilespmem:$0x2860] =	vst v1  }
.LBB2_2:
0x73: {  	p0 =	sne.s32 s25, $0x9800;
	[tilespmem:$0x2960] =	vst v0;
	s26 =	smov.u32 s25;
	s25 =	sadd.s32 $0x400, s25  }
0x74: {  	v0 =	vld [tilespmem:s24+$0x170];
	_ =	sdelay $0x4  }
0x75: {  	v1 =	vand.u32 $0xFFFF, v0;
	v0 =	vshrl.u32 v0, $0x10  }
0x76: {  	[tilespmem:$0x2870] =	vst v1  }
0x77: {  	[tilespmem:$0x2970] =	vst v0  }
0x78: {  	[tilespmem:s14], [sflag:$0x1] =	stream.indirect.gather [hbm4b:s4+s12], $0x80, s13, s12, $0xb8;
	[tilespmem:$0x1EA00] =	vst v63  }
0x79: {  	_ =	swait.ge [sflag:s20], $0x4000  }
0x7a: {  	[sflag:s20] =	ssyncset.done $0x0  }
0x7b: {  	[sflag:s20] =	ssyncadd.s32 $0xFFFFC000  }
0x7c: {  	[spmem:s2] =	stream.indirect.scatter.add.f32 [tilespmem:s17], [sflag:$0x4], $0x80, s21, s12, $0xb8;
	[tilespmem:$0x1EA00] =	vst v63  }
0x7d: {  	_ =	swait.ge [sflag:s9], $0x4000  }
0x7e: {  	[sflag:s9] =	ssyncset.done $0x0  }
0x7f: {  	s24 =	sshra.s32 s26, $0x2;
	[sflag:s9] =	ssyncadd.s32 $0xFFFFC000  }
0x80: {  	v0 =	vld [tilespmem:s24+$0x80];
	_ =	sdelay $0x4  }
0x81: {  	v1 =	vand.u32 $0xFFFF, v0;
	v0 =	vshrl.u32 v0, $0x10  }
0x82: {  	[tilespmem:$0x2880] =	vst v1  }
0x83: {  	[tilespmem:$0x2980] =	vst v0  }
0x84: {  	v0 =	vld [tilespmem:s24+$0x90];
	_ =	sdelay $0x4  }
0x85: {  	v1 =	vand.u32 $0xFFFF, v0;
	v0 =	vshrl.u32 v0, $0x10  }
0x86: {  	[tilespmem:$0x2890] =	vst v1  }
0x87: {  	[tilespmem:$0x2990] =	vst v0  }
0x88: {  	v0 =	vld [tilespmem:s24+$0xA0];
	_ =	sdelay $0x4  }
0x89: {  	v1 =	vand.u32 $0xFFFF, v0;
	v0 =	vshrl.u32 v0, $0x10  }
0x8a: {  	[tilespmem:$0x28A0] =	vst v1  }
0x8b: {  	[tilespmem:$0x29A0] =	vst v0  }
0x8c: {  	v0 =	vld [tilespmem:s24+$0xB0];
	_ =	sdelay $0x4  }
0x8d: {  	v1 =	vand.u32 $0xFFFF, v0;
	v0 =	vshrl.u32 v0, $0x10  }
0x8e: {  	[tilespmem:$0x28B0] =	vst v1  }
0x8f: {  	[tilespmem:$0x29B0] =	vst v0  }
0x90: {  	v0 =	vld [tilespmem:s24+$0xC0];
	_ =	sdelay $0x4  }
0x91: {  	v1 =	vand.u32 $0xFFFF, v0;
	v0 =	vshrl.u32 v0, $0x10  }
0x92: {  	[tilespmem:$0x28C0] =	vst v1  }
0x93: {  	[tilespmem:$0x29C0] =	vst v0  }
0x94: {  	v0 =	vld [tilespmem:s24+$0xD0];
	_ =	sdelay $0x4  }
0x95: {  	v1 =	vand.u32 $0xFFFF, v0;
	v0 =	vshrl.u32 v0, $0x10  }
0x96: {  	[tilespmem:$0x28D0] =	vst v1  }
0x97: {  	[tilespmem:$0x29D0] =	vst v0  }
0x98: {  	v0 =	vld [tilespmem:s24+$0xE0];
	_ =	sdelay $0x4  }
0x99: {  	v1 =	vand.u32 $0xFFFF, v0;
	v0 =	vshrl.u32 v0, $0x10  }
0x9a: {  	[tilespmem:$0x28E0] =	vst v1  }
0x9b: {  	[tilespmem:$0x29E0] =	vst v0  }
0x9c: {  	v0 =	vld [tilespmem:s24+$0xF0];
	_ =	sdelay $0x4  }
0x9d: {  	v1 =	vand.u32 $0xFFFF, v0;
	v0 =	vshrl.u32 v0, $0x10  }
0x9e: {  	[tilespmem:$0x28F0] =	vst v1  }
0x9f: {  	[tilespmem:$0x29F0] =	vst v0  }
0xa0: {  	[tilespmem:s17], [sflag:$0x2] =	stream.indirect.gather [hbm4b:s4+s12], $0x80, s16, s12, $0xb8;
	[tilespmem:$0x1EA00] =	vst v63  }
0xa1: {  	_ =	swait.ge [sflag:s18], $0x4000  }
0xa2: {  	[sflag:s18] =	ssyncset.done $0x0  }
0xa3: {  	[sflag:s18] =	ssyncadd.s32 $0xFFFFC000  }
0xa4: {  	[spmem:s2] =	stream.indirect.scatter.add.f32 [tilespmem:s14], [sflag:$0x4], $0x80, s19, s12, $0xb8;
	[tilespmem:$0x1EA00] =	vst v63  }
0xa5: {  	_ =	swait.ge [sflag:s9], $0x4000  }
0xa6: {  	[sflag:s9] =	ssyncset.done $0x0  }
0xa7: {  	[sflag:s9] =	ssyncadd.s32 $0xFFFFC000  }
0xa8: {  	v0 =	vld [tilespmem:s24+$0x100];
	_ =	sdelay $0x4  }
0xa9: {  	v1 =	vand.u32 $0xFFFF, v0;
	v0 =	vshrl.u32 v0, $0x10  }
0xaa: {  	[tilespmem:$0x2800] =	vst v1  }
0xab: {  	[tilespmem:$0x2900] =	vst v0  }
0xac: {  	v0 =	vld [tilespmem:s24+$0x110];
	_ =	sdelay $0x4  }
0xad: {  	v1 =	vand.u32 $0xFFFF, v0;
	v0 =	vshrl.u32 v0, $0x10  }
0xae: {  	[tilespmem:$0x2810] =	vst v1  }
0xaf: {  	[tilespmem:$0x2910] =	vst v0  }
0xb0: {  	v0 =	vld [tilespmem:s24+$0x120];
	_ =	sdelay $0x4  }
0xb1: {  	v1 =	vand.u32 $0xFFFF, v0;
	v0 =	vshrl.u32 v0, $0x10  }
0xb2: {  	[tilespmem:$0x2820] =	vst v1  }
0xb3: {  	[tilespmem:$0x2920] =	vst v0  }
0xb4: {  	v0 =	vld [tilespmem:s24+$0x130];
	_ =	sdelay $0x4  }
0xb5: {  	v1 =	vand.u32 $0xFFFF, v0;
	v0 =	vshrl.u32 v0, $0x10  }
0xb6: {  	[tilespmem:$0x2830] =	vst v1  }
0xb7: {  	[tilespmem:$0x2930] =	vst v0  }
0xb8: {  	v0 =	vld [tilespmem:s24+$0x140];
	_ =	sdelay $0x4  }
0xb9: {  	v1 =	vand.u32 $0xFFFF, v0;
	v0 =	vshrl.u32 v0, $0x10  }
0xba: {  	[tilespmem:$0x2840] =	vst v1  }
0xbb: {  	[tilespmem:$0x2940] =	vst v0  }
0xbc: {  	v0 =	vld [tilespmem:s24+$0x150];
	_ =	sdelay $0x4  }
0xbd: {  	v1 =	vand.u32 $0xFFFF, v0;
	v0 =	vshrl.u32 v0, $0x10  }
0xbe: {  	[tilespmem:$0x2850] =	vst v1  }
0xbf: {  	[tilespmem:$0x2950] =	vst v0  }
0xc0: {  	v0 =	vld [tilespmem:s24+$0x160];
	_ =	sdelay $0x1  }
.Ltmp0:
0xc1: {  	(pc) =	sbr.rel @p0 .LBB2_2-.Ltmp0, $3  }
0xc2: {  	_ =	sdelay $0x1  }
0xc3: {  	v1 =	vand.u32 $0xFFFF, v0;
	v0 =	vshrl.u32 v0, $0x10  }
0xc4: {  	[tilespmem:$0x2860] =	vst v1  }
0xc5: {  	[tilespmem:$0x2960] =	vst v0  }
0xc6: {  	v0 =	vld [tilespmem:s24+$0x170];
	_ =	sdelay $0x4  }
0xc7: {  	v1 =	vand.u32 $0xFFFF, v0  }
0xc8: {  	v0 =	vshrl.u32 v0, $0x10;
	[tilespmem:$0x2870] =	vst v1  }
0xc9: {  	[tilespmem:$0x2970] =	vst v0  }
0xca: {  	[tilespmem:s14], [sflag:$0x1] =	stream.indirect.gather [hbm4b:s4+s12], $0x80, s13, s12, $0xb8;
	[tilespmem:$0x1EA00] =	vst v63  }
0xcb: {  	_ =	swait.ge [sflag:s20], $0x4000  }
0xcc: {  	[sflag:s20] =	ssyncset.done $0x0  }
0xcd: {  	[sflag:s20] =	ssyncadd.s32 $0xFFFFC000  }
0xce: {  	[spmem:s2] =	stream.indirect.scatter.add.f32 [tilespmem:s17], [sflag:$0x4], $0x80, s21, s12, $0xb8;
	[tilespmem:$0x1EA00] =	vst v63  }
0xcf: {  	_ =	swait.ge [sflag:s9], $0x4000  }
0xd0: {  	[sflag:s9] =	ssyncset.done $0x0  }
0xd1: {  	[sflag:s9] =	ssyncadd.s32 $0xFFFFC000  }
0xd2: {  	_ =	swait.ge [sflag:s18], $0x4000  }
0xd3: {  	[sflag:s18] =	ssyncset.done $0x0  }
0xd4: {  	[sflag:s18] =	ssyncadd.s32 $0xFFFFC000  }
0xd5: {  	[spmem:s2] =	stream.indirect.scatter.add.f32 [tilespmem:s14], [sflag:$0x4], $0x80, s19, s12, $0xb8;
	[tilespmem:$0x1EA00] =	vst v63  }
0xd6: {  	_ =	swait.ge [sflag:s9], $0x4000  }
0xd7: {  	s23 =	sadd.s32 $0x1, s23;
	[sflag:s9] =	ssyncset.done $0x0  }
0xd8: {  	p0 =	sne.s32 s23, s8;
	[sflag:s9] =	ssyncadd.s32 $0xFFFFC000  }
.Ltmp1:
0xd9: {  	[bflag:$0x0] =	sbarrier.arrive $0xFFFF;
	(pc) =	sbr.rel @p0 .LBB2_1-.Ltmp1, $4  }
0xda: {  	[hbm:s7], [sflag:s22] =	dma.local [spmem:s11], $0x2800  }
0xdb: {  	_ =	swait.ge [sflag:s9], $0x2800  }
0xdc: {  	[sflag:s9] =	ssyncset.done $0x0  }
0xdd: {  	[sflag:s9] =	ssyncadd.s32 $0xFFFFD800  }
0xde: {  	_ =	sfence.sel $0x180000  }
0xdf: {  	[bflag:$0x0] =	sbarrier.arrive $0xFFFF  }
0xe0: {  	p0 =	sne.s32 s0, $0x0;
	_ =	strace $0x9000004D  }
0xe1: {  	s0 =	sadd.s32 @!p0 $0x100000, s1;
	[bflag:$0x2] =	sbarrier.arrive $0xFFFF  }
0xe2: {  	[sflag:s0] =	ssyncadd.tile.s32 @!p0 $0x1;
	_ =	shalt  }
.Lfunc_end2:
_tile_overlayer_lowered:
.L_overlay_start_2:
0xe3: {  	(tag) =	ssettag $0x2  }
0xe4: {  	s0 =	rddreg [dreg:$0x0];
	s2 =	stileid.u32  }
0xe5: {  	s1 =	rddreg [dreg:$0x1];
	p0 =	sne.s32 s2, $0x0  }
0xe6: {  	s3 =	rddreg [dreg:$0x2];
	[bflag:$0x3] =	sbarrier.arrive $0xFFFF;
	s2 =	simm.s32 @!p0 $0x1C04  }
0xe7: {  	[timem:s3], [sflag:s2] =	dma.local @!p0 [hbm:s0], s1  }
0xe8: {  	s0 =	simm.s32 @!p0 $0x4  }
0xe9: {  	_ =	swait.ge @!p0 [sflag:s0], s1  }
0xea: {  	s1 =	ssub.s32 @!p0 $0x0, s1;
	[sflag:s0] =	ssyncset.done @!p0 $0x0  }
0xeb: {  	[sflag:s0] =	ssyncadd.s32 @!p0 s1  }
0xec: {  	[bflag:$0x3] =	sbarrier.arrive $0xFFFF  }
0xed: {  	_ =	shalt  }

// kernel: kernel.19.cloned.1.call-start
scs
__scs_entry_jumppad:
0x0: {  	(pc) =	sbr.rel $0x88, $3  }
0x1: {  	(tag) =	ssettag $0x0;
	lr =	simm.s32 $0x1  }
0x2: {  	[smem:$0x3F9B] =	sst lr;
	_ =	strace $0xD0000000  }
0x3: {  	_ = 	snop  }
0x4: {  	_ = 	snop  }
0x5: {  	_ = 	snop  }
0x6: {  	_ = 	snop  }
0x7: {  	_ = 	snop  }
__scs_overlays_trampoline_lowered:
0x8: {  	[smem:$0x3FAA] =	sst s0  }
0x9: {  	[smem:$0x3FAB] =	sst s1  }
0xa: {  	[smem:$0x3FAC] =	sst s2  }
0xb: {  	[smem:$0x3FAD] =	sst s3  }
0xc: {  	[smem:$0x3FAE] =	sst s4  }
0xd: {  	[smem:$0x3FAF] =	sst s5  }
0xe: {  	[smem:$0x3FB0] =	sst s6  }
0xf: {  	[smem:$0x3FB1] =	sst s7  }
0x10: {  	[smem:$0x3FB2] =	sst s8  }
0x11: {  	[smem:$0x3FB3] =	sst s9;
	s0 =	simm.s32 @!p0 $0x0  }
0x12: {  	s1 =	sld [smem:$0x3F99];
	s0 =	simm.s32 @p0 $0x1  }
0x13: {  	[smem:$0x3FB4] =	sst s0;
	s0 =	simm.s32 @!p1 $0x0  }
0x14: {  	s2 =	sld [smem:$0x3F98];
	s0 =	simm.s32 @p1 $0x1  }
0x15: {  	[smem:$0x3FB5] =	sst s0;
	s0 =	simm.s32 @!p2 $0x0  }
0x16: {  	s3 =	sld [smem:$0x3FDB];
	s0 =	simm.s32 @p2 $0x1  }
0x17: {  	s4 =	simm.s32 $0x1BF5;
	[smem:$0x3FB7] =	sst s0  }
0x18: {  	s0 =	sld [smem:$0x3F9A];
	_ =	swait.ge [sflag:s4], $0x0  }
0x19: {  	s7 =	sld [smem:$0x3F9B]  }
0x1a: {  	s8 =	sadd.s32 $0xFFFFE003, lr  }
0x1b: {  	s9 =	sadd.s32 $0xFFFFFEF7, lr;
	s5 =	simm.s32 $0xFFFFFFFF;
	p2 =	slt.u32 s8, $0xFFFFF086  }
0x1c: {  	p1 =	slt.u32 s9, $0xF7A;
	s5 =	simm.s32 @!p2 $0x0  }
0x1d: {  	s5 =	simm.s32 @p1 $0x1;
	p0 =	seq.s32 s7, s2  }
0x1e: {  	s7 =	smul.u32 @!p0 $0xF7A, s2;
	p2 =	seq.s32 @!p0 s5, $0x0  }
0x1f: {  	s9 =	smul.u32 $0xF7A, s1;
	s8 =	simm.s32 @!p0 $0x1BF5;
	p2 =	por !p2, p0  }
0x20: {  	[sflag:s8] =	ssyncset.s32 @!p0 $0xFFFFF086;
	s6 =	sadd.s32 @!p0 s3, s7;
	s7 =	simm.s32 @!p0 $0x108  }
0x21: {  	s3 =	sadd.s32 s3, s9;
	s6 =	sadd.s32 @!p0 $0x88, s6;
	s7 =	simm.s32 @p2 $0x1082  }
0x22: {  	[simem:s7], [sflag:s8] =	dma.local @!p0 [hbm:s6], $0xF7A  }
0x23: {  	s9 =	sor.u32 $0xD0000000, s2;
	s6 =	simm.s32 $0x108;
	_ =	swait.ge @!p0 [sflag:s8], $0x0  }
0x24: {  	s3 =	sadd.s32 $0x88, s3;
	s6 =	simm.s32 @!p1 $0x1082;
	[sflag:s4] =	ssyncset.s32 $0xFFFFF086  }
0x25: {  	[simem:s6], [sflag:s4] =	dma.local [hbm:s3], $0xF7A  }
0x26: {  	[smem:$0x3F9B] =	sst s1;
	(tag) =	ssettag s2;
	_ =	strace s9  }
0x27: {  	s1 =	sld [smem:$0x3FAB]  }
0x28: {  	s2 =	sld [smem:$0x3FAC]  }
0x29: {  	s4 =	sld [smem:$0x3FAE]  }
0x2a: {  	p0 =	seq.s32 s5, $0x0;
	s5 =	sld [smem:$0x3FAF]  }
0x2b: {  	s6 =	sld [smem:$0x3FB0]  }
0x2c: {  	s7 =	sld [smem:$0x3FB1]  }
0x2d: {  	s3 =	simm.s32 $0x108;
	s8 =	sld [smem:$0x3FB2]  }
0x2e: {  	s3 =	simm.s32 @!p0 $0x1082;
	s9 =	sld [smem:$0x3FB3]  }
0x2f: {  	lr =	sadd.s32 s0, s3;
	s0 =	sld [smem:$0x3FAA]  }
0x30: {  	s3 =	sld [smem:$0x3FAD]  }
0x31: {  	[smem:$0x3FB6] =	sst s10  }
0x32: {  	s10 =	sld [smem:$0x3FB4];
	_ =	sdelay $0x3  }
0x33: {  	p0 =	seq.s32 s10, $0x1;
	s10 =	sld [smem:$0x3FB6];
	_ =	sdelay $0x3  }
0x34: {  	[smem:$0x3FB6] =	sst s10  }
0x35: {  	s10 =	sld [smem:$0x3FB5];
	_ =	sdelay $0x3  }
0x36: {  	p1 =	seq.s32 s10, $0x1;
	s10 =	sld [smem:$0x3FB6];
	_ =	sdelay $0x3  }
0x37: {  	[smem:$0x3FB6] =	sst s10  }
0x38: {  	s10 =	sld [smem:$0x3FB7]  }
0x39: {  	_ = 	snop;
	(pc) =	sbr.ind lr, $3  }
0x3a: {  	_ = 	snop  }
0x3b: {  	_ = 	snop  }
0x3c: {  	p2 =	seq.s32 s10, $0x1;
	s10 =	sld [smem:$0x3FB6]  }
0x3d: {  	_ =	shalt  }
0x3e: {  	_ =	shalt  }
0x3f: {  	_ =	shalt  }
0x40: {  	_ =	shalt  }
0x41: {  	_ =	shalt  }
0x42: {  	_ =	shalt  }
0x43: {  	_ =	shalt  }
0x44: {  	_ =	shalt  }
0x45: {  	_ =	shalt  }
0x46: {  	_ =	shalt  }
0x47: {  	_ =	shalt  }
0x48: {  	_ =	shalt  }
0x49: {  	_ =	shalt  }
0x4a: {  	_ =	shalt  }
0x4b: {  	_ =	shalt  }
0x4c: {  	_ =	shalt  }
0x4d: {  	_ =	shalt  }
0x4e: {  	_ =	shalt  }
0x4f: {  	_ =	shalt  }
0x50: {  	_ =	shalt  }
0x51: {  	_ =	shalt  }
0x52: {  	_ =	shalt  }
0x53: {  	_ =	shalt  }
0x54: {  	_ =	shalt  }
0x55: {  	_ =	shalt  }
0x56: {  	_ =	shalt  }
0x57: {  	_ =	shalt  }
0x58: {  	_ =	shalt  }
0x59: {  	_ =	shalt  }
0x5a: {  	_ =	shalt  }
0x5b: {  	_ =	shalt  }
0x5c: {  	_ =	shalt  }
0x5d: {  	_ =	shalt  }
0x5e: {  	_ =	shalt  }
0x5f: {  	_ =	shalt  }
0x60: {  	_ =	shalt  }
0x61: {  	_ =	shalt  }
0x62: {  	_ =	shalt  }
0x63: {  	_ =	shalt  }
0x64: {  	_ =	shalt  }
0x65: {  	_ =	shalt  }
0x66: {  	_ =	shalt  }
0x67: {  	_ =	shalt  }
0x68: {  	_ =	shalt  }
0x69: {  	_ =	shalt  }
0x6a: {  	_ =	shalt  }
0x6b: {  	_ =	shalt  }
0x6c: {  	_ =	shalt  }
0x6d: {  	_ =	shalt  }
0x6e: {  	_ =	shalt  }
0x6f: {  	_ =	shalt  }
0x70: {  	_ =	shalt  }
0x71: {  	_ =	shalt  }
0x72: {  	_ =	shalt  }
0x73: {  	_ =	shalt  }
0x74: {  	_ =	shalt  }
0x75: {  	_ =	shalt  }
0x76: {  	_ =	shalt  }
0x77: {  	_ =	shalt  }
0x78: {  	_ =	shalt  }
0x79: {  	_ =	shalt  }
0x7a: {  	_ =	shalt  }
0x7b: {  	_ =	shalt  }
0x7c: {  	_ =	shalt  }
0x7d: {  	_ =	shalt  }
0x7e: {  	_ =	shalt  }
0x7f: {  	_ =	shalt  }
0x80: {  	_ =	shalt  }
0x81: {  	_ =	shalt  }
0x82: {  	_ =	shalt  }
0x83: {  	_ =	shalt  }
0x84: {  	_ =	shalt  }
0x85: {  	_ =	shalt  }
0x86: {  	_ =	shalt  }
0x87: {  	_ =	shalt  }
.Lfunc_end0:
.L_simem_size_0:
called_computation.3_lowered:
.L_overlay_start_0:
0x88: {  	s2 =	sld [smem:$0x3FD9]  }
0x89: {  	s3 =	sld [smem:$0x3FFE];
	_ =	sdelay $0x1  }
0x8a: {  	s1 =	srdreg.scid  }
0x8b: {  	s0 =	sand.u32 $0x1, s1  }
0x8c: {  	s16 =	sshll.u32 s0, $0xA;
	s2 =	sadd.s32 s3, s2  }
0x8d: {  	s2 =	sadd.s32 s2, s16  }
0x8e: {  	[smem:$0x3FC2] =	sst s2  }
0x8f: {  	_ = 	snop  }
0x90: {  	(tm) =	ssettm $0x1  }
0x91: {  	s17 =	sld [smem:$0x3FFB];
	_ =	sdelay $0x3  }
0x92: {  	_ =	strace s17  }
0x93: {  	s2 =	sld [smem:$0x3FFC];
	_ =	sdelay $0x3  }
0x94: {  	_ =	strace s2  }
0x95: {  	s2 =	sld [smem:$0x3FFD];
	_ =	sdelay $0x3  }
0x96: {  	_ =	strace s2  }
0x97: {  	_ =	strace $0x8FFFFFFF  }
0x98: {  	s18 =	sld [smem:$0x3FDB];
	_ =	sdelay $0x1  }
0x99: {  	s19 =	simm.s32 $_scs_section_size  }
0x9a: {  	s4 =	simm.s32 $_size__tile_overlayer_lowered;
	s5 =	simm.s32 $_tile_overlayer_lowered  }
0x9b: {  	s22 =	simm.s32 $0x1BFF;
	s21 =	sshll.u32 s5, $0x1;
	s2 =	sadd.s32 s19, s18  }
0x9c: {  	s6 =	simm.s32 $0x0;
	s20 =	sshll.u32 s4, $0x1;
	s4 =	sadd.s32 s21, s2  }
0x9d: {  	[timem:s6], [sflag:s22] =	dma.local [hbm:s4], s20  }
0x9e: {  	_ =	swait.ge [sflag:s22], s20  }
0x9f: {  	s3 =	ssub.s32 $0x0, s20;
	[sflag:s22] =	ssyncset.done $0x0  }
0xa0: {  	[sflag:s22] =	ssyncadd.s32 s3;
	_ =	sdelay $0x1  }
0xa1: {  	s23 =	simm.s32 $0x1B8B  }
0xa2: {  	_ =	swait.ge [sflag:s23], $0x1  }
0xa3: {  	[sflag:s23] =	ssyncset.done $0x0  }
0xa4: {  	s25 =	simm.s32 $0x1B8E;
	s24 =	sld [smem:$0x3FFE];
	[sflag:s23] =	ssyncadd.s32 $0xFFFFFFFF  }
0xa5: {  	s26 =	simm.s32 $execute0_lowered;
	[smem:$0x3FD2] =	sst s25  }
0xa6: {  	s4 =	sshll.u32 s26, $0x1;
	_ =	strace $0x8000004F;
	[dreg:$0x1] =	wrdreg $0xFFFFFFFF  }
0xa7: {  	s28 =	simm.s32 $_size_execute0_lowered;
	s2 =	sadd.s32 s2, s4;
	[dreg:$0x0] =	wrdreg $0x0  }
0xa8: {  	s4 =	sshll.u32 s28, $0x1;
	[dreg:$0x2] =	wrdreg s2  }
0xa9: {  	[dreg:$0x3] =	wrdreg s4  }
0xaa: {  	[dreg:$0x4] =	wrdreg $0xC0  }
0xab: {  	_ =	task [dreg:s6], $0x5FFFF  }
0xac: {  	[dreg:$0x1] =	wrdreg $0xFFFFFFFF  }
0xad: {  	[dreg:$0x0] =	wrdreg $0x60  }
0xae: {  	[dreg:$0x2] =	wrdreg s24  }
0xaf: {  	[dreg:$0x3] =	wrdreg $0xAA000  }
0xb0: {  	[dreg:$0x4] =	wrdreg $0x9  }
0xb1: {  	_ =	task.clear_ibuf [dreg:s6], $0x5FFFF;
	_ =	strace $0x9000004F  }
0xb2: {  	s29 =	simm.s32 $0x9;
	_ =	strace $0x80000051  }
0xb3: {  	_ =	swait.ge [sflag:s29], $0x1  }
0xb4: {  	[sflag:s29] =	ssyncadd.s32 $0xFFFFFFFF  }
0xb5: {  	_ =	strace $0x90000051  }
0xb6: {  	_ =	sfence  }
0xb7: {  	s30 =	sld [smem:$0x0];
	_ =	sdelay $0x2  }
0xb8: {  	s31 =	sshll.u32 s1, $0xD;
	s1 =	sshrl.u32 s1, $0x2  }
0xb9: {  	s3 =	sand.u32 $0x4000, s31;
	s1 =	sadd.s32 s1, s30  }
0xba: {  	s0 =	sor.u32 s3, s0;
	s1 =	sshll.u32 s1, $0x11  }
0xbb: {  	s0 =	sor.u32 s1, s0  }
0xbc: {  	s0 =	sadd.s32 $0x8F2B, s0  }
0xbd: {  	[sflag:s0] =	ssyncadd.remote.s32 $0x1  }
0xbe: {  	_ =	sfence.sel $0xFFFF  }
0xbf: {  	[dreg:$0x0] =	wrdreg $0xFFFFFFFF;
	(pc) =	sbr.abs _section_cstart, $3  }
0xc0: {  	[dreg:$0x1] =	wrdreg $0xFFFFFFFF  }
0xc1: {  	_ =	task.clear_ibuf [dreg:s6], $0x2FFFF;
	_ =	strace $0x9FFFFFFF  }
0xc2: {  	(tm) =	ssettm $0x7FFFFFFF  }
0xc3: {  	_ =	shalt  }
tec
execute0_lowered:
.L_overlay_start_1:
0x0: {  	(tag) =	ssettag $0x1  }
0x1: {  	s5 =	rddreg [dreg:$0x0]  }
0x2: {  	s0 =	srdreg.scid;
	s2 =	rddreg [dreg:$0x1]  }
0x3: {  	s1 =	rddreg [dreg:$0x2];
	s3 =	simm.s32 $0x0;
	s13 =	simm.s32 $0x2800  }
0x4: {  	s14 =	simm.s32 $0x2A00;
	s15 =	simm.s32 $0x3;
	s16 =	simm.s32 $0x2880  }
0x5: {  	s17 =	simm.s32 $0x6A00;
	s18 =	simm.s32 $0x1;
	s6 =	sand.u32 $0x1, s0  }
0x6: {  	s19 =	simm.s32 $0x2900;
	s0 =	stileid.u32;
	s4 =	smul.u32 $0x28000, s6  }
0x7: {  	s20 =	simm.s32 $0x2;
	s21 =	simm.s32 $0x2980;
	s7 =	smul.u32 $0x2800, s0  }
0x8: {  	s23 =	simm.s32 $0x0;
	[smem:$0x7FF] =	sst s3;
	s29 =	smul.u32 $0x14000, s0  }
0x9: {  	_ =	strace $0x80000050;
	s9 =	smul.u32 $0x140000, s6;
	s6 =	ssub.s32 $0x2, s6  }
0xa: {  	s30 =	smul.u32 $0x50000, s0;
	s22 =	sshll.u32 s0, $0x6;
	s11 =	sshrl.u32 s6, $0x1  }
0xb: {  	s4 =	sadd.s32 s7, s4;
	s10 =	sshrl.u32 s29, $0x3;
	s7 =	sadd.s32 s29, s9  }
0xc: {  	s11 =	ssub.s32 s6, s11;
	s31 =	sshrl.u32 s30, $0x2;
	s9 =	simm.s32 $0x4  }
0xd: {  	s8 =	sshrl.u32 s4, $0x3;
	s4 =	sadd.s32 $0xD800, s5;
	s10 =	sadd.s32 s10, s5  }
0xe: {  	s7 =	sshrl.u32 s7, $0x3;
	s12 =	sadd.s32 s31, s2;
	s8 =	sadd.s32 s8, s5  }
0xf: {  	s7 =	sadd.s32 s7, s5;
	s6 =	sadd.s32 $0x35800, s10;
	s10 =	sor.u32 $0x1C03, s22  }
0x10: {  	s22 =	sor.u32 $0x1C04, s22;
	s5 =	sadd.s32 $0x3800, s8;
	s7 =	sadd.s32 $0x5D800, s7  }
0x11: {  	s8 =	smax.u32 s11, $0x1;
	s11 =	sshrl.u32 s12, $0x3;
	s12 =	simm.s32 $0x80  }
.LBB2_1:
0x12: {  	[tilespmem:s3], [sflag:$0x4] =	stream.linear.gather [hbm4b:s5+s3], $0x2780, $0x38;
	[tilespmem:$0x1EA00] =	vst v63  }
0x13: {  	_ =	swait.ge [sflag:s9], $0x2780  }
0x14: {  	[sflag:s9] =	ssyncset.done $0x0  }
0x15: {  	[sflag:s9] =	ssyncadd.s32 $0xFFFFD880  }
0x16: {  	[spmem:s11], [sflag:s10] =	dma.local [hbm:s6], $0x2800  }
0x17: {  	v0 =	vld [tilespmem:$0x0];
	_ =	sdelay $0x1  }
0x18: {  	v1 =	vld [tilespmem:$0x10];
	_ =	sdelay $0x1  }
0x19: {  	v2 =	vld [tilespmem:$0x20]  }
0x1a: {  	v3 =	vand.u32 $0xFFFF, v0  }
0x1b: {  	v0 =	vshrl.u32 v0, $0x10;
	[tilespmem:$0x2800] =	vst v3;
	v3 =	vld [tilespmem:$0x30]  }
0x1c: {  	[tilespmem:$0x2900] =	vst v0;
	v0 =	vand.u32 $0xFFFF, v1  }
0x1d: {  	[tilespmem:$0x2810] =	vst v0;
	v0 =	vshrl.u32 v1, $0x10;
	v1 =	vld [tilespmem:$0x40]  }
0x1e: {  	[tilespmem:$0x2910] =	vst v0;
	v0 =	vand.u32 $0xFFFF, v2  }
0x1f: {  	[tilespmem:$0x2820] =	vst v0;
	v0 =	vshrl.u32 v2, $0x10;
	v2 =	vld [tilespmem:$0x50]  }
0x20: {  	[tilespmem:$0x2920] =	vst v0;
	v0 =	vand.u32 $0xFFFF, v3  }
0x21: {  	[tilespmem:$0x2830] =	vst v0;
	v0 =	vshrl.u32 v3, $0x10;
	v3 =	vld [tilespmem:$0x60]  }
0x22: {  	[tilespmem:$0x2930] =	vst v0;
	v0 =	vand.u32 $0xFFFF, v1  }
0x23: {  	[tilespmem:$0x2840] =	vst v0;
	v0 =	vshrl.u32 v1, $0x10;
	v1 =	vld [tilespmem:$0x70]  }
0x24: {  	[tilespmem:$0x2940] =	vst v0;
	v0 =	vand.u32 $0xFFFF, v2  }
0x25: {  	[tilespmem:$0x2850] =	vst v0;
	v0 =	vshrl.u32 v2, $0x10  }
0x26: {  	[tilespmem:$0x2950] =	vst v0;
	v0 =	vand.u32 $0xFFFF, v3  }
0x27: {  	[tilespmem:$0x2860] =	vst v0;
	v0 =	vshrl.u32 v3, $0x10  }
0x28: {  	[tilespmem:$0x2960] =	vst v0;
	v0 =	vand.u32 $0xFFFF, v1  }
0x29: {  	[tilespmem:$0x2870] =	vst v0;
	v0 =	vshrl.u32 v1, $0x10  }
0x2a: {  	[tilespmem:$0x2970] =	vst v0  }
0x2b: {  	[tilespmem:s14], [sflag:$0x1] =	stream.indirect.gather [hbm4b:s4+s12], $0x80, s13, s12, $0xb8;
	[tilespmem:$0x1EA00] =	vst v63  }
0x2c: {  	_ =	swait.ge [sflag:s15], $0x2800  }
0x2d: {  	[sflag:s15] =	ssyncset.done $0x0  }
0x2e: {  	[sflag:s15] =	ssyncadd.s32 $0xFFFFD800  }
0x2f: {  	s24 =	simm.s32 $0x0;
	[bflag:$0x0] =	sbarrier.arrive $0xFFFF  }
0x30: {  	v0 =	vld [tilespmem:s24+$0x80];
	_ =	sdelay $0x4  }
0x31: {  	v1 =	vand.u32 $0xFFFF, v0  }
0x32: {  	v0 =	vshrl.u32 v0, $0x10;
	[tilespmem:$0x2880] =	vst v1  }
0x33: {  	[tilespmem:$0x2980] =	vst v0  }
0x34: {  	v0 =	vld [tilespmem:s24+$0x90];
	_ =	sdelay $0x4  }
0x35: {  	v1 =	vand.u32 $0xFFFF, v0  }
0x36: {  	v0 =	vshrl.u32 v0, $0x10;
	[tilespmem:$0x2890] =	vst v1  }
0x37: {  	[tilespmem:$0x2990] =	vst v0  }
0x38: {  	v0 =	vld [tilespmem:s24+$0xA0];
	_ =	sdelay $0x4  }
0x39: {  	v1 =	vand.u32 $0xFFFF, v0  }
0x3a: {  	v0 =	vshrl.u32 v0, $0x10;
	[tilespmem:$0x28A0] =	vst v1  }
0x3b: {  	[tilespmem:$0x29A0] =	vst v0  }
0x3c: {  	v0 =	vld [tilespmem:s24+$0xB0];
	_ =	sdelay $0x4  }
0x3d: {  	v1 =	vand.u32 $0xFFFF, v0  }
0x3e: {  	v0 =	vshrl.u32 v0, $0x10;
	[tilespmem:$0x28B0] =	vst v1  }
0x3f: {  	[tilespmem:$0x29B0] =	vst v0  }
0x40: {  	v0 =	vld [tilespmem:s24+$0xC0];
	_ =	sdelay $0x4  }
0x41: {  	v1 =	vand.u32 $0xFFFF, v0  }
0x42: {  	v0 =	vshrl.u32 v0, $0x10;
	[tilespmem:$0x28C0] =	vst v1  }
0x43: {  	[tilespmem:$0x29C0] =	vst v0  }
0x44: {  	v0 =	vld [tilespmem:s24+$0xD0];
	_ =	sdelay $0x4  }
0x45: {  	v1 =	vand.u32 $0xFFFF, v0  }
0x46: {  	v0 =	vshrl.u32 v0, $0x10;
	[tilespmem:$0x28D0] =	vst v1  }
0x47: {  	[tilespmem:$0x29D0] =	vst v0  }
0x48: {  	v0 =	vld [tilespmem:s24+$0xE0];
	_ =	sdelay $0x4  }
0x49: {  	v1 =	vand.u32 $0xFFFF, v0  }
0x4a: {  	v0 =	vshrl.u32 v0, $0x10;
	[tilespmem:$0x28E0] =	vst v1  }
0x4b: {  	[tilespmem:$0x29E0] =	vst v0  }
0x4c: {  	v0 =	vld [tilespmem:s24+$0xF0];
	_ =	sdelay $0x4  }
0x4d: {  	v1 =	vand.u32 $0xFFFF, v0  }
0x4e: {  	v0 =	vshrl.u32 v0, $0x10;
	[tilespmem:$0x28F0] =	vst v1  }
0x4f: {  	[tilespmem:$0x29F0] =	vst v0  }
0x50: {  	[tilespmem:s17], [sflag:$0x2] =	stream.indirect.gather [hbm4b:s4+s12], $0x80, s16, s12, $0xb8;
	[tilespmem:$0x1EA00] =	vst v63  }
0x51: {  	_ =	swait.ge [sflag:s18], $0x4000  }
0x52: {  	[sflag:s18] =	ssyncset.done $0x0  }
0x53: {  	[sflag:s18] =	ssyncadd.s32 $0xFFFFC000  }
0x54: {  	[spmem:s2] =	stream.indirect.scatter.add.f32 [tilespmem:s14], [sflag:$0x4], $0x80, s19, s12, $0xb8;
	[tilespmem:$0x1EA00] =	vst v63  }
0x55: {  	_ =	swait.ge [sflag:s9], $0x4000  }
0x56: {  	[sflag:s9] =	ssyncset.done $0x0  }
0x57: {  	[sflag:s9] =	ssyncadd.s32 $0xFFFFC000  }
0x58: {  	v0 =	vld [tilespmem:s24+$0x100];
	_ =	sdelay $0x4  }
0x59: {  	v1 =	vand.u32 $0xFFFF, v0  }
0x5a: {  	v0 =	vshrl.u32 v0, $0x10;
	[tilespmem:$0x2800] =	vst v1  }
0x5b: {  	[tilespmem:$0x2900] =	vst v0  }
0x5c: {  	v0 =	vld [tilespmem:s24+$0x110];
	_ =	sdelay $0x4  }
0x5d: {  	v1 =	vand.u32 $0xFFFF, v0  }
0x5e: {  	v0 =	vshrl.u32 v0, $0x10;
	[tilespmem:$0x2810] =	vst v1  }
0x5f: {  	[tilespmem:$0x2910] =	vst v0  }
0x60: {  	v0 =	vld [tilespmem:s24+$0x120];
	_ =	sdelay $0x4  }
0x61: {  	v1 =	vand.u32 $0xFFFF, v0  }
0x62: {  	v0 =	vshrl.u32 v0, $0x10;
	[tilespmem:$0x2820] =	vst v1  }
0x63: {  	[tilespmem:$0x2920] =	vst v0  }
0x64: {  	v0 =	vld [tilespmem:s24+$0x130];
	_ =	sdelay $0x4  }
0x65: {  	v1 =	vand.u32 $0xFFFF, v0  }
0x66: {  	v0 =	vshrl.u32 v0, $0x10;
	[tilespmem:$0x2830] =	vst v1  }
0x67: {  	[tilespmem:$0x2930] =	vst v0  }
0x68: {  	v0 =	vld [tilespmem:s24+$0x140];
	_ =	sdelay $0x4  }
0x69: {  	v1 =	vand.u32 $0xFFFF, v0  }
0x6a: {  	v0 =	vshrl.u32 v0, $0x10;
	[tilespmem:$0x2840] =	vst v1  }
0x6b: {  	[tilespmem:$0x2940] =	vst v0  }
0x6c: {  	v0 =	vld [tilespmem:s24+$0x150];
	_ =	sdelay $0x4  }
0x6d: {  	v1 =	vand.u32 $0xFFFF, v0  }
0x6e: {  	v0 =	vshrl.u32 v0, $0x10;
	[tilespmem:$0x2850] =	vst v1  }
0x6f: {  	[tilespmem:$0x2950] =	vst v0  }
0x70: {  	v0 =	vld [tilespmem:s24+$0x160];
	_ =	sdelay $0x4  }
0x71: {  	v1 =	vand.u32 $0xFFFF, v0  }
0x72: {  	s25 =	simm.s32 $0x400;
	v0 =	vshrl.u32 v0, $0x10;
	[tilespmem:$0x2860] =	vst v1  }
.LBB2_2:
0x73: {  	p0 =	sne.s32 s25, $0x9800;
	[tilespmem:$0x2960] =	vst v0;
	s26 =	smov.u32 s25;
	s25 =	sadd.s32 $0x400, s25  }
0x74: {  	v0 =	vld [tilespmem:s24+$0x170];
	_ =	sdelay $0x4  }
0x75: {  	v1 =	vand.u32 $0xFFFF, v0;
	v0 =	vshrl.u32 v0, $0x10  }
0x76: {  	[tilespmem:$0x2870] =	vst v1  }
0x77: {  	[tilespmem:$0x2970] =	vst v0  }
0x78: {  	[tilespmem:s14], [sflag:$0x1] =	stream.indirect.gather [hbm4b:s4+s12], $0x80, s13, s12, $0xb8;
	[tilespmem:$0x1EA00] =	vst v63  }
0x79: {  	_ =	swait.ge [sflag:s20], $0x4000  }
0x7a: {  	[sflag:s20] =	ssyncset.done $0x0  }
0x7b: {  	[sflag:s20] =	ssyncadd.s32 $0xFFFFC000  }
0x7c: {  	[spmem:s2] =	stream.indirect.scatter.add.f32 [tilespmem:s17], [sflag:$0x4], $0x80, s21, s12, $0xb8;
	[tilespmem:$0x1EA00] =	vst v63  }
0x7d: {  	_ =	swait.ge [sflag:s9], $0x4000  }
0x7e: {  	[sflag:s9] =	ssyncset.done $0x0  }
0x7f: {  	s24 =	sshra.s32 s26, $0x2;
	[sflag:s9] =	ssyncadd.s32 $0xFFFFC000  }
0x80: {  	v0 =	vld [tilespmem:s24+$0x80];
	_ =	sdelay $0x4  }
0x81: {  	v1 =	vand.u32 $0xFFFF, v0;
	v0 =	vshrl.u32 v0, $0x10  }
0x82: {  	[tilespmem:$0x2880] =	vst v1  }
0x83: {  	[tilespmem:$0x2980] =	vst v0  }
0x84: {  	v0 =	vld [tilespmem:s24+$0x90];
	_ =	sdelay $0x4  }
0x85: {  	v1 =	vand.u32 $0xFFFF, v0;
	v0 =	vshrl.u32 v0, $0x10  }
0x86: {  	[tilespmem:$0x2890] =	vst v1  }
0x87: {  	[tilespmem:$0x2990] =	vst v0  }
0x88: {  	v0 =	vld [tilespmem:s24+$0xA0];
	_ =	sdelay $0x4  }
0x89: {  	v1 =	vand.u32 $0xFFFF, v0;
	v0 =	vshrl.u32 v0, $0x10  }
0x8a: {  	[tilespmem:$0x28A0] =	vst v1  }
0x8b: {  	[tilespmem:$0x29A0] =	vst v0  }
0x8c: {  	v0 =	vld [tilespmem:s24+$0xB0];
	_ =	sdelay $0x4  }
0x8d: {  	v1 =	vand.u32 $0xFFFF, v0;
	v0 =	vshrl.u32 v0, $0x10  }
0x8e: {  	[tilespmem:$0x28B0] =	vst v1  }
0x8f: {  	[tilespmem:$0x29B0] =	vst v0  }
0x90: {  	v0 =	vld [tilespmem:s24+$0xC0];
	_ =	sdelay $0x4  }
0x91: {  	v1 =	vand.u32 $0xFFFF, v0;
	v0 =	vshrl.u32 v0, $0x10  }
0x92: {  	[tilespmem:$0x28C0] =	vst v1  }
0x93: {  	[tilespmem:$0x29C0] =	vst v0  }
0x94: {  	v0 =	vld [tilespmem:s24+$0xD0];
	_ =	sdelay $0x4  }
0x95: {  	v1 =	vand.u32 $0xFFFF, v0;
	v0 =	vshrl.u32 v0, $0x10  }
0x96: {  	[tilespmem:$0x28D0] =	vst v1  }
0x97: {  	[tilespmem:$0x29D0] =	vst v0  }
0x98: {  	v0 =	vld [tilespmem:s24+$0xE0];
	_ =	sdelay $0x4  }
0x99: {  	v1 =	vand.u32 $0xFFFF, v0;
	v0 =	vshrl.u32 v0, $0x10  }
0x9a: {  	[tilespmem:$0x28E0] =	vst v1  }
0x9b: {  	[tilespmem:$0x29E0] =	vst v0  }
0x9c: {  	v0 =	vld [tilespmem:s24+$0xF0];
	_ =	sdelay $0x4  }
0x9d: {  	v1 =	vand.u32 $0xFFFF, v0;
	v0 =	vshrl.u32 v0, $0x10  }
0x9e: {  	[tilespmem:$0x28F0] =	vst v1  }
0x9f: {  	[tilespmem:$0x29F0] =	vst v0  }
0xa0: {  	[tilespmem:s17], [sflag:$0x2] =	stream.indirect.gather [hbm4b:s4+s12], $0x80, s16, s12, $0xb8;
	[tilespmem:$0x1EA00] =	vst v63  }
0xa1: {  	_ =	swait.ge [sflag:s18], $0x4000  }
0xa2: {  	[sflag:s18] =	ssyncset.done $0x0  }
0xa3: {  	[sflag:s18] =	ssyncadd.s32 $0xFFFFC000  }
0xa4: {  	[spmem:s2] =	stream.indirect.scatter.add.f32 [tilespmem:s14], [sflag:$0x4], $0x80, s19, s12, $0xb8;
	[tilespmem:$0x1EA00] =	vst v63  }
0xa5: {  	_ =	swait.ge [sflag:s9], $0x4000  }
0xa6: {  	[sflag:s9] =	ssyncset.done $0x0  }
0xa7: {  	[sflag:s9] =	ssyncadd.s32 $0xFFFFC000  }
0xa8: {  	v0 =	vld [tilespmem:s24+$0x100];
	_ =	sdelay $0x4  }
0xa9: {  	v1 =	vand.u32 $0xFFFF, v0;
	v0 =	vshrl.u32 v0, $0x10  }
0xaa: {  	[tilespmem:$0x2800] =	vst v1  }
0xab: {  	[tilespmem:$0x2900] =	vst v0  }
0xac: {  	v0 =	vld [tilespmem:s24+$0x110];
	_ =	sdelay $0x4  }
0xad: {  	v1 =	vand.u32 $0xFFFF, v0;
	v0 =	vshrl.u32 v0, $0x10  }
0xae: {  	[tilespmem:$0x2810] =	vst v1  }
0xaf: {  	[tilespmem:$0x2910] =	vst v0  }
0xb0: {  	v0 =	vld [tilespmem:s24+$0x120];
	_ =	sdelay $0x4  }
0xb1: {  	v1 =	vand.u32 $0xFFFF, v0;
	v0 =	vshrl.u32 v0, $0x10  }
0xb2: {  	[tilespmem:$0x2820] =	vst v1  }
0xb3: {  	[tilespmem:$0x2920] =	vst v0  }
0xb4: {  	v0 =	vld [tilespmem:s24+$0x130];
	_ =	sdelay $0x4  }
0xb5: {  	v1 =	vand.u32 $0xFFFF, v0;
	v0 =	vshrl.u32 v0, $0x10  }
0xb6: {  	[tilespmem:$0x2830] =	vst v1  }
0xb7: {  	[tilespmem:$0x2930] =	vst v0  }
0xb8: {  	v0 =	vld [tilespmem:s24+$0x140];
	_ =	sdelay $0x4  }
0xb9: {  	v1 =	vand.u32 $0xFFFF, v0;
	v0 =	vshrl.u32 v0, $0x10  }
0xba: {  	[tilespmem:$0x2840] =	vst v1  }
0xbb: {  	[tilespmem:$0x2940] =	vst v0  }
0xbc: {  	v0 =	vld [tilespmem:s24+$0x150];
	_ =	sdelay $0x4  }
0xbd: {  	v1 =	vand.u32 $0xFFFF, v0;
	v0 =	vshrl.u32 v0, $0x10  }
0xbe: {  	[tilespmem:$0x2850] =	vst v1  }
0xbf: {  	[tilespmem:$0x2950] =	vst v0  }
0xc0: {  	v0 =	vld [tilespmem:s24+$0x160];
	_ =	sdelay $0x1  }
.Ltmp0:
0xc1: {  	(pc) =	sbr.rel @p0 .LBB2_2-.Ltmp0, $3  }
0xc2: {  	_ =	sdelay $0x1  }
0xc3: {  	v1 =	vand.u32 $0xFFFF, v0;
	v0 =	vshrl.u32 v0, $0x10  }
0xc4: {  	[tilespmem:$0x2860] =	vst v1  }
0xc5: {  	[tilespmem:$0x2960] =	vst v0  }
0xc6: {  	v0 =	vld [tilespmem:s24+$0x170];
	_ =	sdelay $0x4  }
0xc7: {  	v1 =	vand.u32 $0xFFFF, v0  }
0xc8: {  	v0 =	vshrl.u32 v0, $0x10;
	[tilespmem:$0x2870] =	vst v1  }
0xc9: {  	[tilespmem:$0x2970] =	vst v0  }
0xca: {  	[tilespmem:s14], [sflag:$0x1] =	stream.indirect.gather [hbm4b:s4+s12], $0x80, s13, s12, $0xb8;
	[tilespmem:$0x1EA00] =	vst v63  }
0xcb: {  	_ =	swait.ge [sflag:s20], $0x4000  }
0xcc: {  	[sflag:s20] =	ssyncset.done $0x0  }
0xcd: {  	[sflag:s20] =	ssyncadd.s32 $0xFFFFC000  }
0xce: {  	[spmem:s2] =	stream.indirect.scatter.add.f32 [tilespmem:s17], [sflag:$0x4], $0x80, s21, s12, $0xb8;
	[tilespmem:$0x1EA00] =	vst v63  }
0xcf: {  	_ =	swait.ge [sflag:s9], $0x4000  }
0xd0: {  	[sflag:s9] =	ssyncset.done $0x0  }
0xd1: {  	[sflag:s9] =	ssyncadd.s32 $0xFFFFC000  }
0xd2: {  	_ =	swait.ge [sflag:s18], $0x4000  }
0xd3: {  	[sflag:s18] =	ssyncset.done $0x0  }
0xd4: {  	[sflag:s18] =	ssyncadd.s32 $0xFFFFC000  }
0xd5: {  	[spmem:s2] =	stream.indirect.scatter.add.f32 [tilespmem:s14], [sflag:$0x4], $0x80, s19, s12, $0xb8;
	[tilespmem:$0x1EA00] =	vst v63  }
0xd6: {  	_ =	swait.ge [sflag:s9], $0x4000  }
0xd7: {  	s23 =	sadd.s32 $0x1, s23;
	[sflag:s9] =	ssyncset.done $0x0  }
0xd8: {  	p0 =	sne.s32 s23, s8;
	[sflag:s9] =	ssyncadd.s32 $0xFFFFC000  }
.Ltmp1:
0xd9: {  	[bflag:$0x0] =	sbarrier.arrive $0xFFFF;
	(pc) =	sbr.rel @p0 .LBB2_1-.Ltmp1, $4  }
0xda: {  	[hbm:s7], [sflag:s22] =	dma.local [spmem:s11], $0x2800  }
0xdb: {  	_ =	swait.ge [sflag:s9], $0x2800  }
0xdc: {  	[sflag:s9] =	ssyncset.done $0x0  }
0xdd: {  	[sflag:s9] =	ssyncadd.s32 $0xFFFFD800  }
0xde: {  	_ =	sfence.sel $0x180000  }
0xdf: {  	[bflag:$0x0] =	sbarrier.arrive $0xFFFF  }
0xe0: {  	p0 =	sne.s32 s0, $0x0;
	_ =	strace $0x90000050  }
0xe1: {  	s0 =	sadd.s32 @!p0 $0x100000, s1;
	[bflag:$0x2] =	sbarrier.arrive $0xFFFF  }
0xe2: {  	[sflag:s0] =	ssyncadd.tile.s32 @!p0 $0x1;
	_ =	shalt  }
.Lfunc_end2:
_tile_overlayer_lowered:
.L_overlay_start_2:
0xe3: {  	(tag) =	ssettag $0x2  }
0xe4: {  	s0 =	rddreg [dreg:$0x0];
	s2 =	stileid.u32  }
0xe5: {  	s1 =	rddreg [dreg:$0x1];
	p0 =	sne.s32 s2, $0x0  }
0xe6: {  	s3 =	rddreg [dreg:$0x2];
	[bflag:$0x3] =	sbarrier.arrive $0xFFFF;
	s2 =	simm.s32 @!p0 $0x1C04  }
0xe7: {  	[timem:s3], [sflag:s2] =	dma.local @!p0 [hbm:s0], s1  }
0xe8: {  	s0 =	simm.s32 @!p0 $0x4  }
0xe9: {  	_ =	swait.ge @!p0 [sflag:s0], s1  }
0xea: {  	s1 =	ssub.s32 @!p0 $0x0, s1;
	[sflag:s0] =	ssyncset.done @!p0 $0x0  }
0xeb: {  	[sflag:s0] =	ssyncadd.s32 @!p0 s1  }
0xec: {  	[bflag:$0x3] =	sbarrier.arrive $0xFFFF  }
0xed: {  	_ =	shalt  }

</sc_bundles>
